<compile_context>
chip_gen: v7x
topology: tpu7x:2x2x1
jax: 0.10.2.dev20260603
libtpu: 0.0.44.dev20260713+nightly
codegen_flags: <defaults>
</compile_context>

<pallas_src>
import dataclasses
import functools

import jax
import jax.numpy as jnp
from jax import lax
from jax.experimental import pallas as pl
from jax.experimental.pallas import tpu as pltpu
from jax.experimental.pallas import tpu_sc as plsc

NC = 2
NS = 16
NW = NC * NS
K = 256
DQ = 16

_mesh = lambda: plsc.VectorSubcoreMesh(core_axis_name="c", subcore_axis_name="s")
_SC_PARAMS = pltpu.CompilerParams(use_tc_tiling_on_sc=False)
_SC_PARAMS_NOLAYOUT = dataclasses.replace(_SC_PARAMS, needs_layout_passes=False)


def _sc_degree(cols3, n_pad, cpw):

    @functools.partial(
        pl.kernel,
        out_type=jax.ShapeDtypeStruct((NW, n_pad), jnp.float32),
        mesh=_mesh(),
        compiler_params=_SC_PARAMS_NOLAYOUT,
        scratch_types=[
            pltpu.VMEM((cpw, K), jnp.int32),
            pltpu.VMEM((n_pad,), jnp.float32),
        ],
    )
    def kern(cols_hbm, out_hbm, cidx, hist):
        c = lax.axis_index("c")
        s = lax.axis_index("s")
        wid = s * NC + c
        pltpu.sync_copy(cols_hbm.at[s, pl.ds(c * cpw, cpw)], cidx)
        zeros = jnp.zeros((16,), jnp.float32)
        ones = jnp.ones((16,), jnp.float32)

        @pl.loop(0, n_pad // 16)
        def _(i):
            hist[pl.ds(i * 16, 16)] = zeros

        @pl.loop(0, cpw)
        def _(i):
            @pl.loop(0, K // 16)
            def _(j):
                idx = cidx[i, pl.ds(j * 16, 16)]
                plsc.addupdate_scatter(hist, [idx], ones)

        pltpu.sync_copy(hist, out_hbm.at[wid])

    return kern(cols3)


def _sc_agg_pieces(vals, rows_s, cols_s, n_pad, nch, npieces):
    rpw = n_pad // NS
    nzc, rem = divmod(rpw, K)
    phases = npieces // NC
    assert nch % 8 == 0

    @functools.partial(
        pl.kernel,
        out_type=jax.ShapeDtypeStruct((n_pad, 128), jnp.float32),
        mesh=_mesh(),
        compiler_params=_SC_PARAMS,
        scratch_types=[
            pltpu.VMEM((nch, K), jnp.int32),
            pltpu.VMEM((nch, K), jnp.int32),
        ] + [pltpu.VMEM((K, DQ), jnp.float32) for _ in range(8)] + [
            pltpu.VMEM_SHARED((n_pad, DQ), jnp.float32),
            pltpu.VMEM_SHARED((n_pad, DQ), jnp.float32),
            pltpu.SemaphoreType.DMA,
            pltpu.SemaphoreType.DMA,
        ],
    )
    def kern(vals_hbm, rows_hbm, cols_hbm, z_hbm, out_hbm,
             ridx, cidx, b0, b1, b2, b3, b4, b5, b6, b7, src_sh, acc,
             gsem, ssem):
        c = lax.axis_index("c")
        s = lax.axis_index("s")
        bufs = (b0, b1, b2, b3, b4, b5, b6, b7)
        n_rows = vals_hbm.shape[0]
        lo = n_rows - (NS - 1) * rpw
        hi = rpw - lo
        pltpu.sync_copy(rows_hbm.at[s], ridx)
        pltpu.sync_copy(cols_hbm.at[s], cidx)
        base = s * rpw

        @pl.loop(0, phases)
        def _(phase):
            coff = DQ * (phases * c + phase)
            pltpu.sync_copy(vals_hbm.at[pl.ds(base, lo), pl.ds(coff, DQ)],
                            src_sh.at[pl.ds(base, lo)])

            @pl.when(s < NS - 1)
            def _():
                pltpu.sync_copy(
                    vals_hbm.at[pl.ds(base + lo, hi), pl.ds(coff, DQ)],
                    src_sh.at[pl.ds(base + lo, hi)])

            pltpu.sync_copy(z_hbm, b0)

            @pl.loop(0, nzc)
            def _(i):
                pltpu.sync_copy(b0, acc.at[pl.ds(base + i * K, K)])

            if rem:
                pltpu.sync_copy(b0.at[pl.ds(0, rem)],
                                acc.at[pl.ds(base + nzc * K, rem)])
            plsc.subcore_barrier()
            for b in range(8):
                pltpu.async_copy(src_sh.at[ridx.at[b]], bufs[b], gsem)

            def do_group(group, it):
                i0 = 8 * it + 4 * group
                gbufs = bufs[4 * group:4 * group + 4]
                for b in range(4):
                    pltpu.make_async_copy(src_sh.at[ridx.at[i0 + b]],
                                          gbufs[b], gsem).wait()
                scat = [pltpu.async_copy(gbufs[b], acc.at[cidx.at[i0 + b]],
                                         ssem, add=True) for b in range(4)]
                for dsc in scat:
                    dsc.wait()
                nxt = i0 + 8

                @pl.when(nxt < nch)
                def _():
                    for b in range(4):
                        pltpu.async_copy(src_sh.at[ridx.at[nxt + b]],
                                         gbufs[b], gsem)

            @pl.loop(0, nch // 8)
            def _(it):
                do_group(0, it)
                do_group(1, it)

            plsc.subcore_barrier()
            pltpu.sync_copy(acc.at[pl.ds(base, rpw)],
                            out_hbm.at[pl.ds(base, rpw), pl.ds(coff, DQ)])

    zeros = jnp.zeros((K, DQ), jnp.float32)
    return kern(vals, rows_s, cols_s, zeros)


def _tc_scale(x, deg_m):
    n, d = x.shape

    def body(x_ref, dm_ref, o_ref, dc_ref):
        dsum = jnp.sum(dm_ref[...], axis=0, keepdims=True)
        dinv = jnp.transpose(lax.rsqrt(dsum + 1.0))
        dc_ref[...] = dinv
        o_ref[...] = dinv * x_ref[...]

    return pl.pallas_call(
        body,
        out_shape=[
            jax.ShapeDtypeStruct((n, d), jnp.float32),
            jax.ShapeDtypeStruct((n, 1), jnp.float32),
        ],
    )(x, deg_m)


def _tc_dense(p, x, dinvc, W1, b1, W2p, tm):
    n, d_in = x.shape
    d_h = W1.shape[1]
    d_o = W2p.shape[1]

    def body(p_ref, x_ref, dc_ref, w1_ref, b1_ref, w2_ref, h_ref, ts_ref):
        dinv = dc_ref[...]
        agg = dinv * p_ref[...] + (dinv * dinv) * x_ref[...]
        h = jnp.dot(agg, w1_ref[...], preferred_element_type=jnp.float32)
        h = jnp.maximum(h + b1_ref[...], 0.0)
        h_ref[...] = h
        t = jnp.dot(h, w2_ref[...], preferred_element_type=jnp.float32)
        ts_ref[...] = dinv * t

    return pl.pallas_call(
        body,
        grid=(n // tm,),
        in_specs=[
            pl.BlockSpec((tm, d_in), lambda i: (i, 0)),
            pl.BlockSpec((tm, d_in), lambda i: (i, 0)),
            pl.BlockSpec((tm, 1), lambda i: (i, 0)),
            pl.BlockSpec((d_in, d_h), lambda i: (0, 0)),
            pl.BlockSpec((1, d_h), lambda i: (0, 0)),
            pl.BlockSpec((d_h, d_o), lambda i: (0, 0)),
        ],
        out_specs=[
            pl.BlockSpec((tm, d_h), lambda i: (i, 0)),
            pl.BlockSpec((tm, d_o), lambda i: (i, 0)),
        ],
        out_shape=[
            jax.ShapeDtypeStruct((n, d_h), jnp.float32),
            jax.ShapeDtypeStruct((n, d_o), jnp.float32),
        ],
    )(p, x, dinvc, W1, b1, W2p)


def _tc_head(q, ts, dinvc, b2p, tm):
    n = ts.shape[0]
    d = ts.shape[1]
    d_val = b2p.shape[1]

    def body(q_ref, ts_ref, dc_ref, b2_ref, o_ref):
        dinv = dc_ref[...]
        z = (dinv * (q_ref[...][:, :d_val] + ts_ref[...][:, :d_val])
             + b2_ref[...])
        o_ref[...] = jnp.maximum(z, 0.0) + jnp.log1p(jnp.exp(-jnp.abs(z)))

    return pl.pallas_call(
        body,
        grid=(n // tm,),
        in_specs=[
            pl.BlockSpec((tm, d), lambda i: (i, 0)),
            pl.BlockSpec((tm, d), lambda i: (i, 0)),
            pl.BlockSpec((tm, 1), lambda i: (i, 0)),
            pl.BlockSpec((1, d_val), lambda i: (0, 0)),
        ],
        out_specs=pl.BlockSpec((tm, d_val), lambda i: (i, 0)),
        out_shape=jax.ShapeDtypeStruct((n, d_val), jnp.float32),
    )(q, ts, dinvc, b2p)


def kernel(x, edge_index, W1, b1, W2, b2):
    n = x.shape[0]
    e = edge_index.shape[1]

    n_pad = 8 * NS * -(-(n + DQ) // (8 * NS))
    cpw = 8 * -(-e // (NW * K * 8))
    e_pad = NW * cpw * K

    row = edge_index[0].astype(jnp.int32)
    col = edge_index[1].astype(jnp.int32)
    pad = e_pad - e
    prow = jnp.zeros((pad,), jnp.int32)
    pcol = n + (jnp.arange(pad, dtype=jnp.int32) % (n_pad - n))
    cpw2 = 2 * cpw
    rows3s = jnp.concatenate([row, prow]).reshape(NS, cpw2, K)
    cols3s = jnp.concatenate([col, pcol]).reshape(NS, cpw2, K)

    tm = 2000 if n % 2000 == 0 else 8 * (n // 8)

    deg_m = _sc_degree(cols3s, n_pad, cpw)

    xs, dinvc = _tc_scale(x, deg_m[:, :n])
    p = _sc_agg_pieces(xs, rows3s, cols3s, n_pad, cpw2, 8)

    n_cls = W2.shape[1]
    W2p = jnp.pad(W2, ((0, 0), (0, x.shape[1] - n_cls)))
    h, ts = _tc_dense(p, x, dinvc, W1, b1.reshape(1, -1), W2p, tm)

    q = _sc_agg_pieces(ts, rows3s, cols3s, n_pad, cpw2, 4)
    ev = _tc_head(q, ts, dinvc, b2.reshape(1, -1), tm)
    return ev, h

# --- scband reference (transcript-rebuilt; emitter-appended) ---
"""Pipeline reference for scband-evidential-gnn-19859928777443 (READ-ONLY COPY).

The authoritative reference and input builder live on the scoring server;
editing this copy changes nothing except your own understanding.
"""

import jax, jax.numpy as jnp
import numpy as np


def gcn_conv(x, edge_index, W, b):
    # x: [N, in], edge_index: [2, E], W: [in, out], b: [out]
    num_nodes = x.shape[0]
    h = x @ W
    row = edge_index[0]
    col = edge_index[1]
    # add self-loops (PyG GCNConv default)
    loop = jnp.arange(num_nodes, dtype=row.dtype)
    row = jnp.concatenate([row, loop])
    col = jnp.concatenate([col, loop])
    # symmetric normalization: deg computed on destination (col)
    deg = jnp.zeros((num_nodes,), dtype=h.dtype).at[col].add(1.0)
    deg_inv_sqrt = jnp.where(deg > 0, 1.0 / jnp.sqrt(deg), 0.0)
    norm = deg_inv_sqrt[row] * deg_inv_sqrt[col]
    # gather messages from source nodes, scale, scatter-add to destinations
    msgs = h[row] * norm[:, None]
    out = jnp.zeros((num_nodes, W.shape[1]), dtype=h.dtype).at[col].add(msgs)
    return out + b


def setup_inputs(seed: int = 0) -> dict:
    key = jax.random.key(seed)
    k_x, k_ei, k_w1, k_b1, k_w2, k_b2 = jax.random.split(key, 6)
    n_nodes, n_edges = 10000, 320000
    in_dim, hidden_dim, num_classes = 128, 256, 40
    x = jax.random.normal(k_x, (n_nodes, in_dim), dtype=jnp.float32)
    edge_index = jax.random.randint(k_ei, (2, n_edges), 0, n_nodes, dtype=jnp.int64)
    # glorot-like init for GCN weights
    W1 = jax.random.normal(k_w1, (in_dim, hidden_dim), dtype=jnp.float32) * (1.0 / np.sqrt(in_dim))
    b1 = jnp.zeros((hidden_dim,), dtype=jnp.float32)
    W2 = jax.random.normal(k_w2, (hidden_dim, num_classes), dtype=jnp.float32) * (1.0 / np.sqrt(hidden_dim))
    b2 = jnp.zeros((num_classes,), dtype=jnp.float32)
    return {"x": x, "edge_index": edge_index, "W1": W1, "b1": b1, "W2": W2, "b2": b2}


def reference(x, edge_index, W1, b1, W2, b2):
    # GCNEncoder forward (eval mode: dropout is identity)
    h = jax.nn.relu(gcn_conv(x, edge_index, W1, b1))
    logits = gcn_conv(h, edge_index, W2, b2)
    # EvidentialGNN head
    evidence = jax.nn.softplus(logits)
    return (evidence, h)

if __name__ == "__main__":
    import jax
    _d = setup_inputs()
    print(jax.jit(kernel)(*tuple(_d.values())))

</pallas_src>

<mosaic_0001>
#map = affine_map<(d0, d1) -> (0, 0, 0)>
#map1 = affine_map<(d0, d1) -> (0, 0)>
module attributes {stable_mosaic.version = 14 : i64} {
  func.func @kern(%arg0: i32, %arg1: i32, %arg2: memref<16x80x256xi32, #tpu.memory_space<hbm>>, %arg3: memref<32x10112xf32, #tpu.memory_space<hbm>>, %arg4: memref<40x256xi32, #tpu.memory_space<vmem>>, %arg5: memref<10112xf32, #tpu.memory_space<vmem>>) attributes {dimension_semantics = [#tpu.dimension_semantics<core_parallel>, #tpu.dimension_semantics<subcore_parallel>], iteration_bounds = array<i64: 2, 16>, scalar_prefetch = 0 : i64, scratch_operands = 2 : i64, tpu.core_type = #tpu.core_type<sc_vector_subcore>, window_params = [{transform_indices = #map}, {transform_indices = #map1}]} {
    %mul3A = arith.constant 2 : i32
    %mul3A_0 = arith.muli %arg1, %mul3A : i32
    %add3A = arith.addi %mul3A_0, %arg0 : i32
    %mul3A_1 = arith.constant 40 : i32
    %mul3A_2 = arith.muli %arg0, %mul3A_1 : i32
    "tpu.region"() ({
      %run_scoped3A = tpu.sem_alloc : memref<!tpu.dma_semaphore, #tpu.memory_space<semaphore_mem>>
      %dma_start3A = arith.constant 0 : i32
      %dma_start3A_15 = tpu.memref_slice %arg2[%arg1, %mul3A_2, %dma_start3A] : memref<16x80x256xi32, #tpu.memory_space<hbm>> -> memref<1x40x256xi32, #tpu.memory_space<hbm>>
      %dma_start3A_16 = tpu.memref_squeeze %dma_start3A_15 : memref<1x40x256xi32, #tpu.memory_space<hbm>> -> memref<40x256xi32, #tpu.memory_space<hbm>>
      %dma_start3A_17 = arith.constant 0 : i32
      %dma_start3A_18 = tpu.memref_slice %arg2[%arg1, %mul3A_2, %dma_start3A_17] : memref<16x80x256xi32, #tpu.memory_space<hbm>> -> memref<1x40x256xi32, #tpu.memory_space<hbm>>
      %dma_start3A_19 = tpu.memref_squeeze %dma_start3A_18 : memref<1x40x256xi32, #tpu.memory_space<hbm>> -> memref<40x256xi32, #tpu.memory_space<hbm>>
      tpu.enqueue_dma source(%dma_start3A_19 : memref<40x256xi32, #tpu.memory_space<hbm>>) target(%arg4 : memref<40x256xi32, #tpu.memory_space<vmem>>) target_semaphore(%run_scoped3A : memref<!tpu.dma_semaphore, #tpu.memory_space<semaphore_mem>>)
      %dma_wait3A = arith.constant 0 : i32
      %dma_wait3A_20 = tpu.memref_slice %arg2[%arg1, %mul3A_2, %dma_wait3A] : memref<16x80x256xi32, #tpu.memory_space<hbm>> -> memref<1x40x256xi32, #tpu.memory_space<hbm>>
      %dma_wait3A_21 = tpu.memref_squeeze %dma_wait3A_20 : memref<1x40x256xi32, #tpu.memory_space<hbm>> -> memref<40x256xi32, #tpu.memory_space<hbm>>
      %dma_wait3A_22 = arith.constant 0 : i32
      %dma_wait3A_23 = tpu.memref_slice %arg2[%arg1, %mul3A_2, %dma_wait3A_22] : memref<16x80x256xi32, #tpu.memory_space<hbm>> -> memref<1x40x256xi32, #tpu.memory_space<hbm>>
      %dma_wait3A_24 = tpu.memref_squeeze %dma_wait3A_23 : memref<1x40x256xi32, #tpu.memory_space<hbm>> -> memref<40x256xi32, #tpu.memory_space<hbm>>
      tpu.wait_dma2 semaphore(%run_scoped3A : memref<!tpu.dma_semaphore, #tpu.memory_space<semaphore_mem>>) src(%dma_wait3A_24 : memref<40x256xi32, #tpu.memory_space<hbm>>) dst(%arg4 : memref<40x256xi32, #tpu.memory_space<vmem>>)
      tpu.yield
    }) : () -> ()
    %broadcast_in_dim3A = arith.constant 0.000000e+00 : f32
    %broadcast_in_dim3A_3 = vector.broadcast %broadcast_in_dim3A : f32 to vector<16xf32>
    %broadcast_in_dim3A_4 = arith.constant 1.000000e+00 : f32
    %broadcast_in_dim3A_5 = vector.broadcast %broadcast_in_dim3A_4 : f32 to vector<16xf32>
    %scan3A = arith.constant 0 : i32
    %scan3A_6 = arith.constant 632 : i32
    %scan3A_7 = arith.addi %scan3A, %scan3A_6 : i32
    %scan3A_8 = arith.constant 1 : i32
    scf.for %scan3A_15 = %scan3A to %scan3A_7 step %scan3A_8  : i32 {
      %mul3A_16 = arith.constant 1 : i32
      %mul3A_17 = arith.muli %scan3A_15, %mul3A_16 : i32
      %add3A_18 = arith.constant 0 : i32
      %add3A_19 = arith.addi %add3A_18, %mul3A_17 : i32
      %mul3A_20 = arith.constant 16 : i32
      %mul3A_21 = arith.muli %add3A_19, %mul3A_20 : i32
      %swap3A = arith.index_cast %mul3A_21 : i32 to index
      %swap3A_22 = tpu.vector_load %arg5[%swap3A] {strides = array<i32>} : memref<10112xf32, #tpu.memory_space<vmem>>, vector<16xf32>,
      tpu.vector_store %arg5[%swap3A], %broadcast_in_dim3A_3 {strides = array<i32>} : memref<10112xf32, #tpu.memory_space<vmem>>, vector<16xf32>,
    }
    %scan3A_9 = arith.constant 632 : i32
    %scan3A_10 = arith.constant 0 : i32
    %scan3A_11 = arith.constant 40 : i32
    %scan3A_12 = arith.addi %scan3A_10, %scan3A_11 : i32
    %scan3A_13 = arith.constant 1 : i32
    scf.for %scan3A_15 = %scan3A_10 to %scan3A_12 step %scan3A_13  : i32 {
      %mul3A_16 = arith.constant 1 : i32
      %mul3A_17 = arith.muli %scan3A_15, %mul3A_16 : i32
      %add3A_18 = arith.constant 0 : i32
      %add3A_19 = arith.addi %add3A_18, %mul3A_17 : i32
      %scan3A_20 = arith.constant 0 : i32
      %scan3A_21 = arith.constant 16 : i32
      %scan3A_22 = arith.addi %scan3A_20, %scan3A_21 : i32
      %scan3A_23 = arith.constant 1 : i32
      scf.for %scan3A_25 = %scan3A_20 to %scan3A_22 step %scan3A_23  : i32 {
        %mul3A_26 = arith.constant 1 : i32
        %mul3A_27 = arith.muli %scan3A_25, %mul3A_26 : i32
        %add3A_28 = arith.constant 0 : i32
        %add3A_29 = arith.addi %add3A_28, %mul3A_27 : i32
        %mul3A_30 = arith.constant 16 : i32
        %mul3A_31 = arith.muli %add3A_29, %mul3A_30 : i32
        %get3A = arith.index_cast %add3A_19 : i32 to index
        %get3A_32 = arith.index_cast %mul3A_31 : i32 to index
        %get3A_33 = tpu.vector_load %arg4[%get3A, %get3A_32] {strides = array<i32>} : memref<40x256xi32, #tpu.memory_space<vmem>>, vector<16xi32>,
        tpu.vector_store_idx %arg5[%get3A_33], %broadcast_in_dim3A_5 {add = true} : memref<10112xf32, #tpu.memory_space<vmem>>[vector<16xi32>], vector<16xf32>,
      }
      %scan3A_24 = arith.constant 16 : i32
    }
    %scan3A_14 = arith.constant 40 : i32
    "tpu.region"() ({
      %run_scoped3A = tpu.sem_alloc : memref<!tpu.dma_semaphore, #tpu.memory_space<semaphore_mem>>
      %dma_start3A = arith.constant 0 : i32
      %dma_start3A_15 = tpu.memref_slice %arg3[%add3A, %dma_start3A] : memref<32x10112xf32, #tpu.memory_space<hbm>> -> memref<1x10112xf32, #tpu.memory_space<hbm>>
      %dma_start3A_16 = tpu.memref_squeeze %dma_start3A_15 : memref<1x10112xf32, #tpu.memory_space<hbm>> -> memref<10112xf32, #tpu.memory_space<hbm>>
      %dma_start3A_17 = arith.constant 0 : i32
      %dma_start3A_18 = tpu.memref_slice %arg3[%add3A, %dma_start3A_17] : memref<32x10112xf32, #tpu.memory_space<hbm>> -> memref<1x10112xf32, #tpu.memory_space<hbm>>
      %dma_start3A_19 = tpu.memref_squeeze %dma_start3A_18 : memref<1x10112xf32, #tpu.memory_space<hbm>> -> memref<10112xf32, #tpu.memory_space<hbm>>
      tpu.enqueue_dma source(%arg5 : memref<10112xf32, #tpu.memory_space<vmem>>) target(%dma_start3A_19 : memref<10112xf32, #tpu.memory_space<hbm>>) target_semaphore(%run_scoped3A : memref<!tpu.dma_semaphore, #tpu.memory_space<semaphore_mem>>)
      %dma_wait3A = arith.constant 0 : i32
      %dma_wait3A_20 = tpu.memref_slice %arg3[%add3A, %dma_wait3A] : memref<32x10112xf32, #tpu.memory_space<hbm>> -> memref<1x10112xf32, #tpu.memory_space<hbm>>
      %dma_wait3A_21 = tpu.memref_squeeze %dma_wait3A_20 : memref<1x10112xf32, #tpu.memory_space<hbm>> -> memref<10112xf32, #tpu.memory_space<hbm>>
      %dma_wait3A_22 = arith.constant 0 : i32
      %dma_wait3A_23 = tpu.memref_slice %arg3[%add3A, %dma_wait3A_22] : memref<32x10112xf32, #tpu.memory_space<hbm>> -> memref<1x10112xf32, #tpu.memory_space<hbm>>
      %dma_wait3A_24 = tpu.memref_squeeze %dma_wait3A_23 : memref<1x10112xf32, #tpu.memory_space<hbm>> -> memref<10112xf32, #tpu.memory_space<hbm>>
      tpu.wait_dma2 semaphore(%run_scoped3A : memref<!tpu.dma_semaphore, #tpu.memory_space<semaphore_mem>>) src(%arg5 : memref<10112xf32, #tpu.memory_space<vmem>>) dst(%dma_wait3A_24 : memref<10112xf32, #tpu.memory_space<hbm>>)
      tpu.yield
    }) : () -> ()
    return
  }
}

#map = affine_map<(d0, d1) -> (0, 0)>
#map1 = affine_map<(d0, d1) -> (0, 0, 0)>
module attributes {stable_mosaic.version = 14 : i64} {
  func.func @kern(%arg0: i32, %arg1: i32, %arg2: memref<10000x128xf32, #tpu.memory_space<hbm>>, %arg3: memref<16x80x256xi32, #tpu.memory_space<hbm>>, %arg4: memref<16x80x256xi32, #tpu.memory_space<hbm>>, %arg5: memref<256x16xf32, #tpu.memory_space<hbm>>, %arg6: memref<10112x128xf32, #tpu.memory_space<hbm>>, %arg7: memref<80x256xi32, #tpu.memory_space<vmem>>, %arg8: memref<80x256xi32, #tpu.memory_space<vmem>>, %arg9: memref<256x16xf32, #tpu.memory_space<vmem>>, %arg10: memref<256x16xf32, #tpu.memory_space<vmem>>, %arg11: memref<256x16xf32, #tpu.memory_space<vmem>>, %arg12: memref<256x16xf32, #tpu.memory_space<vmem>>, %arg13: memref<256x16xf32, #tpu.memory_space<vmem>>, %arg14: memref<256x16xf32, #tpu.memory_space<vmem>>, %arg15: memref<256x16xf32, #tpu.memory_space<vmem>>, %arg16: memref<256x16xf32, #tpu.memory_space<vmem>>, %arg17: memref<10112x16xf32, #tpu.memory_space<vmem_shared>>, %arg18: memref<10112x16xf32, #tpu.memory_space<vmem_shared>>, %arg19: memref<!tpu.dma_semaphore, #tpu.memory_space<semaphore_mem>>, %arg20: memref<!tpu.dma_semaphore, #tpu.memory_space<semaphore_mem>>) attributes {dimension_semantics = [#tpu.dimension_semantics<core_parallel>, #tpu.dimension_semantics<subcore_parallel>], iteration_bounds = array<i64: 2, 16>, scalar_prefetch = 0 : i64, scratch_operands = 14 : i64, tpu.core_type = #tpu.core_type<sc_vector_subcore>, window_params = [{transform_indices = #map}, {transform_indices = #map1}, {transform_indices = #map1}, {transform_indices = #map}, {transform_indices = #map}]} {
    "tpu.region"() ({
      %run_scoped3A = tpu.sem_alloc : memref<!tpu.dma_semaphore, #tpu.memory_space<semaphore_mem>>
      %dma_start3A = arith.constant 0 : i32
      %dma_start3A_5 = arith.constant 0 : i32
      %dma_start3A_6 = tpu.memref_slice %arg3[%arg1, %dma_start3A, %dma_start3A_5] : memref<16x80x256xi32, #tpu.memory_space<hbm>> -> memref<1x80x256xi32, #tpu.memory_space<hbm>>
      %dma_start3A_7 = tpu.memref_squeeze %dma_start3A_6 : memref<1x80x256xi32, #tpu.memory_space<hbm>> -> memref<80x256xi32, #tpu.memory_space<hbm>>
      %dma_start3A_8 = arith.constant 0 : i32
      %dma_start3A_9 = arith.constant 0 : i32
      %dma_start3A_10 = tpu.memref_slice %arg3[%arg1, %dma_start3A_8, %dma_start3A_9] : memref<16x80x256xi32, #tpu.memory_space<hbm>> -> memref<1x80x256xi32, #tpu.memory_space<hbm>>
      %dma_start3A_11 = tpu.memref_squeeze %dma_start3A_10 : memref<1x80x256xi32, #tpu.memory_space<hbm>> -> memref<80x256xi32, #tpu.memory_space<hbm>>
      tpu.enqueue_dma source(%dma_start3A_11 : memref<80x256xi32, #tpu.memory_space<hbm>>) target(%arg7 : memref<80x256xi32, #tpu.memory_space<vmem>>) target_semaphore(%run_scoped3A : memref<!tpu.dma_semaphore, #tpu.memory_space<semaphore_mem>>)
      %dma_wait3A = arith.constant 0 : i32
      %dma_wait3A_12 = arith.constant 0 : i32
      %dma_wait3A_13 = tpu.memref_slice %arg3[%arg1, %dma_wait3A, %dma_wait3A_12] : memref<16x80x256xi32, #tpu.memory_space<hbm>> -> memref<1x80x256xi32, #tpu.memory_space<hbm>>
      %dma_wait3A_14 = tpu.memref_squeeze %dma_wait3A_13 : memref<1x80x256xi32, #tpu.memory_space<hbm>> -> memref<80x256xi32, #tpu.memory_space<hbm>>
      %dma_wait3A_15 = arith.constant 0 : i32
      %dma_wait3A_16 = arith.constant 0 : i32
      %dma_wait3A_17 = tpu.memref_slice %arg3[%arg1, %dma_wait3A_15, %dma_wait3A_16] : memref<16x80x256xi32, #tpu.memory_space<hbm>> -> memref<1x80x256xi32, #tpu.memory_space<hbm>>
      %dma_wait3A_18 = tpu.memref_squeeze %dma_wait3A_17 : memref<1x80x256xi32, #tpu.memory_space<hbm>> -> memref<80x256xi32, #tpu.memory_space<hbm>>
      tpu.wait_dma2 semaphore(%run_scoped3A : memref<!tpu.dma_semaphore, #tpu.memory_space<semaphore_mem>>) src(%dma_wait3A_18 : memref<80x256xi32, #tpu.memory_space<hbm>>) dst(%arg7 : memref<80x256xi32, #tpu.memory_space<vmem>>)
      tpu.yield
    }) : () -> ()
    "tpu.region"() ({
      %run_scoped3A = tpu.sem_alloc : memref<!tpu.dma_semaphore, #tpu.memory_space<semaphore_mem>>
      %dma_start3A = arith.constant 0 : i32
      %dma_start3A_5 = arith.constant 0 : i32
      %dma_start3A_6 = tpu.memref_slice %arg4[%arg1, %dma_start3A, %dma_start3A_5] : memref<16x80x256xi32, #tpu.memory_space<hbm>> -> memref<1x80x256xi32, #tpu.memory_space<hbm>>
      %dma_start3A_7 = tpu.memref_squeeze %dma_start3A_6 : memref<1x80x256xi32, #tpu.memory_space<hbm>> -> memref<80x256xi32, #tpu.memory_space<hbm>>
      %dma_start3A_8 = arith.constant 0 : i32
      %dma_start3A_9 = arith.constant 0 : i32
      %dma_start3A_10 = tpu.memref_slice %arg4[%arg1, %dma_start3A_8, %dma_start3A_9] : memref<16x80x256xi32, #tpu.memory_space<hbm>> -> memref<1x80x256xi32, #tpu.memory_space<hbm>>
      %dma_start3A_11 = tpu.memref_squeeze %dma_start3A_10 : memref<1x80x256xi32, #tpu.memory_space<hbm>> -> memref<80x256xi32, #tpu.memory_space<hbm>>
      tpu.enqueue_dma source(%dma_start3A_11 : memref<80x256xi32, #tpu.memory_space<hbm>>) target(%arg8 : memref<80x256xi32, #tpu.memory_space<vmem>>) target_semaphore(%run_scoped3A : memref<!tpu.dma_semaphore, #tpu.memory_space<semaphore_mem>>)
      %dma_wait3A = arith.constant 0 : i32
      %dma_wait3A_12 = arith.constant 0 : i32
      %dma_wait3A_13 = tpu.memref_slice %arg4[%arg1, %dma_wait3A, %dma_wait3A_12] : memref<16x80x256xi32, #tpu.memory_space<hbm>> -> memref<1x80x256xi32, #tpu.memory_space<hbm>>
      %dma_wait3A_14 = tpu.memref_squeeze %dma_wait3A_13 : memref<1x80x256xi32, #tpu.memory_space<hbm>> -> memref<80x256xi32, #tpu.memory_space<hbm>>
      %dma_wait3A_15 = arith.constant 0 : i32
      %dma_wait3A_16 = arith.constant 0 : i32
      %dma_wait3A_17 = tpu.memref_slice %arg4[%arg1, %dma_wait3A_15, %dma_wait3A_16] : memref<16x80x256xi32, #tpu.memory_space<hbm>> -> memref<1x80x256xi32, #tpu.memory_space<hbm>>
      %dma_wait3A_18 = tpu.memref_squeeze %dma_wait3A_17 : memref<1x80x256xi32, #tpu.memory_space<hbm>> -> memref<80x256xi32, #tpu.memory_space<hbm>>
      tpu.wait_dma2 semaphore(%run_scoped3A : memref<!tpu.dma_semaphore, #tpu.memory_space<semaphore_mem>>) src(%dma_wait3A_18 : memref<80x256xi32, #tpu.memory_space<hbm>>) dst(%arg8 : memref<80x256xi32, #tpu.memory_space<vmem>>)
      tpu.yield
    }) : () -> ()
    %mul3A = arith.constant 632 : i32
    %mul3A_0 = arith.muli %arg1, %mul3A : i32
    %scan3A = arith.constant 0 : i32
    %scan3A_1 = arith.constant 4 : i32
    %scan3A_2 = arith.addi %scan3A, %scan3A_1 : i32
    %scan3A_3 = arith.constant 1 : i32
    scf.for %scan3A_5 = %scan3A to %scan3A_2 step %scan3A_3  : i32 {
      %mul3A_6 = arith.constant 1 : i32
      %mul3A_7 = arith.muli %scan3A_5, %mul3A_6 : i32
      %add3A = arith.constant 0 : i32
      %add3A_8 = arith.addi %add3A, %mul3A_7 : i32
      %mul3A_9 = arith.constant 4 : i32
      %mul3A_10 = arith.muli %mul3A_9, %arg0 : i32
      %add3A_11 = arith.addi %mul3A_10, %add3A_8 : i32
      %mul3A_12 = arith.constant 16 : i32
      %mul3A_13 = arith.muli %mul3A_12, %add3A_11 : i32
      "tpu.region"() ({
        %run_scoped3A = tpu.sem_alloc : memref<!tpu.dma_semaphore, #tpu.memory_space<semaphore_mem>>
        %dma_start3A_84 = arith.constant 0 : i32
        %dma_start3A_85 = tpu.memref_slice %arg17[%mul3A_0, %dma_start3A_84] : memref<10112x16xf32, #tpu.memory_space<vmem_shared>> -> memref<520x16xf32, #tpu.memory_space<vmem_shared>>
        %dma_start3A_86 = tpu.memref_slice %arg2[%mul3A_0, %mul3A_13] : memref<10000x128xf32, #tpu.memory_space<hbm>> -> memref<520x16xf32, #tpu.memory_space<hbm>>
        tpu.enqueue_dma source(%dma_start3A_86 : memref<520x16xf32, #tpu.memory_space<hbm>>) target(%dma_start3A_85 : memref<520x16xf32, #tpu.memory_space<vmem_shared>>) target_semaphore(%run_scoped3A : memref<!tpu.dma_semaphore, #tpu.memory_space<semaphore_mem>>)
        %dma_wait3A = arith.constant 0 : i32
        %dma_wait3A_87 = tpu.memref_slice %arg17[%mul3A_0, %dma_wait3A] : memref<10112x16xf32, #tpu.memory_space<vmem_shared>> -> memref<520x16xf32, #tpu.memory_space<vmem_shared>>
        %dma_wait3A_88 = tpu.memref_slice %arg2[%mul3A_0, %mul3A_13] : memref<10000x128xf32, #tpu.memory_space<hbm>> -> memref<520x16xf32, #tpu.memory_space<hbm>>
        tpu.wait_dma2 semaphore(%run_scoped3A : memref<!tpu.dma_semaphore, #tpu.memory_space<semaphore_mem>>) src(%dma_wait3A_88 : memref<520x16xf32, #tpu.memory_space<hbm>>) dst(%dma_wait3A_87 : memref<520x16xf32, #tpu.memory_space<vmem_shared>>)
        tpu.yield
      }) : () -> ()
      %lt3A = arith.constant 15 : i32
      %lt3A_14 = arith.cmpi slt, %arg1, %lt3A : i32
      %convert_element_type3A = arith.extui %lt3A_14 : i1 to i32
      %cond3A = arith.constant 0 : i32
      %cond3A_15 = arith.cmpi ne, %convert_element_type3A, %cond3A : i32
      scf.if %cond3A_15 {
        %add3A_84 = arith.constant 520 : i32
        %add3A_85 = arith.addi %mul3A_0, %add3A_84 : i32
        %add3A_86 = arith.constant 520 : i32
        %add3A_87 = arith.addi %mul3A_0, %add3A_86 : i32
        "tpu.region"() ({
          %run_scoped3A = tpu.sem_alloc : memref<!tpu.dma_semaphore, #tpu.memory_space<semaphore_mem>>
          %dma_start3A_88 = arith.constant 0 : i32
          %dma_start3A_89 = tpu.memref_slice %arg17[%add3A_87, %dma_start3A_88] : memref<10112x16xf32, #tpu.memory_space<vmem_shared>> -> memref<112x16xf32, #tpu.memory_space<vmem_shared>>
          %dma_start3A_90 = tpu.memref_slice %arg2[%add3A_85, %mul3A_13] : memref<10000x128xf32, #tpu.memory_space<hbm>> -> memref<112x16xf32, #tpu.memory_space<hbm>>
          tpu.enqueue_dma source(%dma_start3A_90 : memref<112x16xf32, #tpu.memory_space<hbm>>) target(%dma_start3A_89 : memref<112x16xf32, #tpu.memory_space<vmem_shared>>) target_semaphore(%run_scoped3A : memref<!tpu.dma_semaphore, #tpu.memory_space<semaphore_mem>>)
          %dma_wait3A = arith.constant 0 : i32
          %dma_wait3A_91 = tpu.memref_slice %arg17[%add3A_87, %dma_wait3A] : memref<10112x16xf32, #tpu.memory_space<vmem_shared>> -> memref<112x16xf32, #tpu.memory_space<vmem_shared>>
          %dma_wait3A_92 = tpu.memref_slice %arg2[%add3A_85, %mul3A_13] : memref<10000x128xf32, #tpu.memory_space<hbm>> -> memref<112x16xf32, #tpu.memory_space<hbm>>
          tpu.wait_dma2 semaphore(%run_scoped3A : memref<!tpu.dma_semaphore, #tpu.memory_space<semaphore_mem>>) src(%dma_wait3A_92 : memref<112x16xf32, #tpu.memory_space<hbm>>) dst(%dma_wait3A_91 : memref<112x16xf32, #tpu.memory_space<vmem_shared>>)
          tpu.yield
        }) : () -> ()
      } else {
      }
      "tpu.region"() ({
        %run_scoped3A = tpu.sem_alloc : memref<!tpu.dma_semaphore, #tpu.memory_space<semaphore_mem>>
        tpu.enqueue_dma source(%arg5 : memref<256x16xf32, #tpu.memory_space<hbm>>) target(%arg9 : memref<256x16xf32, #tpu.memory_space<vmem>>) target_semaphore(%run_scoped3A : memref<!tpu.dma_semaphore, #tpu.memory_space<semaphore_mem>>)
        tpu.wait_dma2 semaphore(%run_scoped3A : memref<!tpu.dma_semaphore, #tpu.memory_space<semaphore_mem>>) src(%arg5 : memref<256x16xf32, #tpu.memory_space<hbm>>) dst(%arg9 : memref<256x16xf32, #tpu.memory_space<vmem>>)
        tpu.yield
      }) : () -> ()
      %scan3A_16 = arith.constant 0 : i32
      %scan3A_17 = arith.constant 2 : i32
      %scan3A_18 = arith.addi %scan3A_16, %scan3A_17 : i32
      %scan3A_19 = arith.constant 1 : i32
      scf.for %scan3A_84 = %scan3A_16 to %scan3A_18 step %scan3A_19  : i32 {
        %mul3A_85 = arith.constant 1 : i32
        %mul3A_86 = arith.muli %scan3A_84, %mul3A_85 : i32
        %add3A_87 = arith.constant 0 : i32
        %add3A_88 = arith.addi %add3A_87, %mul3A_86 : i32
        %mul3A_89 = arith.constant 256 : i32
        %mul3A_90 = arith.muli %add3A_88, %mul3A_89 : i32
        %add3A_91 = arith.addi %mul3A_0, %mul3A_90 : i32
        "tpu.region"() ({
          %run_scoped3A = tpu.sem_alloc : memref<!tpu.dma_semaphore, #tpu.memory_space<semaphore_mem>>
          %dma_start3A_92 = arith.constant 0 : i32
          %dma_start3A_93 = tpu.memref_slice %arg18[%add3A_91, %dma_start3A_92] : memref<10112x16xf32, #tpu.memory_space<vmem_shared>> -> memref<256x16xf32, #tpu.memory_space<vmem_shared>>
          %dma_start3A_94 = arith.constant 0 : i32
          %dma_start3A_95 = tpu.memref_slice %arg18[%add3A_91, %dma_start3A_94] : memref<10112x16xf32, #tpu.memory_space<vmem_shared>> -> memref<256x16xf32, #tpu.memory_space<vmem_shared>>
          tpu.enqueue_dma source(%arg9 : memref<256x16xf32, #tpu.memory_space<vmem>>) target(%dma_start3A_95 : memref<256x16xf32, #tpu.memory_space<vmem_shared>>) target_semaphore(%run_scoped3A : memref<!tpu.dma_semaphore, #tpu.memory_space<semaphore_mem>>)
          %dma_wait3A = arith.constant 0 : i32
          %dma_wait3A_96 = tpu.memref_slice %arg18[%add3A_91, %dma_wait3A] : memref<10112x16xf32, #tpu.memory_space<vmem_shared>> -> memref<256x16xf32, #tpu.memory_space<vmem_shared>>
          %dma_wait3A_97 = arith.constant 0 : i32
          %dma_wait3A_98 = tpu.memref_slice %arg18[%add3A_91, %dma_wait3A_97] : memref<10112x16xf32, #tpu.memory_space<vmem_shared>> -> memref<256x16xf32, #tpu.memory_space<vmem_shared>>
          tpu.wait_dma2 semaphore(%run_scoped3A : memref<!tpu.dma_semaphore, #tpu.memory_space<semaphore_mem>>) src(%arg9 : memref<256x16xf32, #tpu.memory_space<vmem>>) dst(%dma_wait3A_98 : memref<256x16xf32, #tpu.memory_space<vmem_shared>>)
          tpu.yield
        }) : () -> ()
      }
      %scan3A_20 = arith.constant 2 : i32
      %add3A_21 = arith.constant 512 : i32
      %add3A_22 = arith.addi %mul3A_0, %add3A_21 : i32
      "tpu.region"() ({
        %run_scoped3A = tpu.sem_alloc : memref<!tpu.dma_semaphore, #tpu.memory_space<semaphore_mem>>
        %dma_start3A_84 = arith.constant 0 : i32
        %dma_start3A_85 = arith.constant 0 : i32
        %dma_start3A_86 = tpu.memref_slice %arg9[%dma_start3A_84, %dma_start3A_85] : memref<256x16xf32, #tpu.memory_space<vmem>> -> memref<120x16xf32, #tpu.memory_space<vmem>>
        %dma_start3A_87 = arith.constant 0 : i32
        %dma_start3A_88 = tpu.memref_slice %arg18[%add3A_22, %dma_start3A_87] : memref<10112x16xf32, #tpu.memory_space<vmem_shared>> -> memref<120x16xf32, #tpu.memory_space<vmem_shared>>
        %dma_start3A_89 = arith.constant 0 : i32
        %dma_start3A_90 = tpu.memref_slice %arg18[%add3A_22, %dma_start3A_89] : memref<10112x16xf32, #tpu.memory_space<vmem_shared>> -> memref<120x16xf32, #tpu.memory_space<vmem_shared>>
        %dma_start3A_91 = arith.constant 0 : i32
        %dma_start3A_92 = arith.constant 0 : i32
        %dma_start3A_93 = tpu.memref_slice %arg9[%dma_start3A_91, %dma_start3A_92] : memref<256x16xf32, #tpu.memory_space<vmem>> -> memref<120x16xf32, #tpu.memory_space<vmem>>
        tpu.enqueue_dma source(%dma_start3A_93 : memref<120x16xf32, #tpu.memory_space<vmem>>) target(%dma_start3A_90 : memref<120x16xf32, #tpu.memory_space<vmem_shared>>) target_semaphore(%run_scoped3A : memref<!tpu.dma_semaphore, #tpu.memory_space<semaphore_mem>>)
        %dma_wait3A = arith.constant 0 : i32
        %dma_wait3A_94 = arith.constant 0 : i32
        %dma_wait3A_95 = tpu.memref_slice %arg9[%dma_wait3A, %dma_wait3A_94] : memref<256x16xf32, #tpu.memory_space<vmem>> -> memref<120x16xf32, #tpu.memory_space<vmem>>
        %dma_wait3A_96 = arith.constant 0 : i32
        %dma_wait3A_97 = tpu.memref_slice %arg18[%add3A_22, %dma_wait3A_96] : memref<10112x16xf32, #tpu.memory_space<vmem_shared>> -> memref<120x16xf32, #tpu.memory_space<vmem_shared>>
        %dma_wait3A_98 = arith.constant 0 : i32
        %dma_wait3A_99 = tpu.memref_slice %arg18[%add3A_22, %dma_wait3A_98] : memref<10112x16xf32, #tpu.memory_space<vmem_shared>> -> memref<120x16xf32, #tpu.memory_space<vmem_shared>>
        %dma_wait3A_100 = arith.constant 0 : i32
        %dma_wait3A_101 = arith.constant 0 : i32
        %dma_wait3A_102 = tpu.memref_slice %arg9[%dma_wait3A_100, %dma_wait3A_101] : memref<256x16xf32, #tpu.memory_space<vmem>> -> memref<120x16xf32, #tpu.memory_space<vmem>>
        tpu.wait_dma2 semaphore(%run_scoped3A : memref<!tpu.dma_semaphore, #tpu.memory_space<semaphore_mem>>) src(%dma_wait3A_102 : memref<120x16xf32, #tpu.memory_space<vmem>>) dst(%dma_wait3A_99 : memref<120x16xf32, #tpu.memory_space<vmem_shared>>)
        tpu.yield
      }) : () -> ()
      %barrier3A = arith.constant 0 : index
      tpu.barrier barrier_id(%barrier3A)
      %dma_start3A = arith.constant 0 : i32
      %dma_start3A_23 = arith.constant 0 : i32
      %dma_start3A_24 = tpu.memref_slice %arg7[%dma_start3A, %dma_start3A_23] : memref<80x256xi32, #tpu.memory_space<vmem>> -> memref<1x256xi32, #tpu.memory_space<vmem>>
      %dma_start3A_25 = tpu.memref_squeeze %dma_start3A_24 : memref<1x256xi32, #tpu.memory_space<vmem>> -> memref<256xi32, #tpu.memory_space<vmem>>
      %dma_start3A_26 = arith.constant 0 : i32
      %dma_start3A_27 = arith.constant 0 : i32
      %dma_start3A_28 = tpu.memref_slice %arg17[%dma_start3A_26, %dma_start3A_27] : memref<10112x16xf32, #tpu.memory_space<vmem_shared>> -> memref<10112x16xf32, #tpu.memory_space<vmem_shared>>
      tpu.enqueue_indirect_dma source(%dma_start3A_28 : memref<10112x16xf32, #tpu.memory_space<vmem_shared>>) target(%arg9 : memref<256x16xf32, #tpu.memory_space<vmem>>) offsets(%dma_start3A_25 : memref<256xi32, #tpu.memory_space<vmem>>) semaphore(%arg19 : memref<!tpu.dma_semaphore, #tpu.memory_space<semaphore_mem>>)
      %dma_start3A_29 = arith.constant 1 : i32
      %dma_start3A_30 = arith.constant 0 : i32
      %dma_start3A_31 = tpu.memref_slice %arg7[%dma_start3A_29, %dma_start3A_30] : memref<80x256xi32, #tpu.memory_space<vmem>> -> memref<1x256xi32, #tpu.memory_space<vmem>>
      %dma_start3A_32 = tpu.memref_squeeze %dma_start3A_31 : memref<1x256xi32, #tpu.memory_space<vmem>> -> memref<256xi32, #tpu.memory_space<vmem>>
      %dma_start3A_33 = arith.constant 0 : i32
      %dma_start3A_34 = arith.constant 0 : i32
      %dma_start3A_35 = tpu.memref_slice %arg17[%dma_start3A_33, %dma_start3A_34] : memref<10112x16xf32, #tpu.memory_space<vmem_shared>> -> memref<10112x16xf32, #tpu.memory_space<vmem_shared>>
      tpu.enqueue_indirect_dma source(%dma_start3A_35 : memref<10112x16xf32, #tpu.memory_space<vmem_shared>>) target(%arg10 : memref<256x16xf32, #tpu.memory_space<vmem>>) offsets(%dma_start3A_32 : memref<256xi32, #tpu.memory_space<vmem>>) semaphore(%arg19 : memref<!tpu.dma_semaphore, #tpu.memory_space<semaphore_mem>>)
      %dma_start3A_36 = arith.constant 2 : i32
      %dma_start3A_37 = arith.constant 0 : i32
      %dma_start3A_38 = tpu.memref_slice %arg7[%dma_start3A_36, %dma_start3A_37] : memref<80x256xi32, #tpu.memory_space<vmem>> -> memref<1x256xi32, #tpu.memory_space<vmem>>
      %dma_start3A_39 = tpu.memref_squeeze %dma_start3A_38 : memref<1x256xi32, #tpu.memory_space<vmem>> -> memref<256xi32, #tpu.memory_space<vmem>>
      %dma_start3A_40 = arith.constant 0 : i32
      %dma_start3A_41 = arith.constant 0 : i32
      %dma_start3A_42 = tpu.memref_slice %arg17[%dma_start3A_40, %dma_start3A_41] : memref<10112x16xf32, #tpu.memory_space<vmem_shared>> -> memref<10112x16xf32, #tpu.memory_space<vmem_shared>>
      tpu.enqueue_indirect_dma source(%dma_start3A_42 : memref<10112x16xf32, #tpu.memory_space<vmem_shared>>) target(%arg11 : memref<256x16xf32, #tpu.memory_space<vmem>>) offsets(%dma_start3A_39 : memref<256xi32, #tpu.memory_space<vmem>>) semaphore(%arg19 : memref<!tpu.dma_semaphore, #tpu.memory_space<semaphore_mem>>)
      %dma_start3A_43 = arith.constant 3 : i32
      %dma_start3A_44 = arith.constant 0 : i32
      %dma_start3A_45 = tpu.memref_slice %arg7[%dma_start3A_43, %dma_start3A_44] : memref<80x256xi32, #tpu.memory_space<vmem>> -> memref<1x256xi32, #tpu.memory_space<vmem>>
      %dma_start3A_46 = tpu.memref_squeeze %dma_start3A_45 : memref<1x256xi32, #tpu.memory_space<vmem>> -> memref<256xi32, #tpu.memory_space<vmem>>
      %dma_start3A_47 = arith.constant 0 : i32
      %dma_start3A_48 = arith.constant 0 : i32
      %dma_start3A_49 = tpu.memref_slice %arg17[%dma_start3A_47, %dma_start3A_48] : memref<10112x16xf32, #tpu.memory_space<vmem_shared>> -> memref<10112x16xf32, #tpu.memory_space<vmem_shared>>
      tpu.enqueue_indirect_dma source(%dma_start3A_49 : memref<10112x16xf32, #tpu.memory_space<vmem_shared>>) target(%arg12 : memref<256x16xf32, #tpu.memory_space<vmem>>) offsets(%dma_start3A_46 : memref<256xi32, #tpu.memory_space<vmem>>) semaphore(%arg19 : memref<!tpu.dma_semaphore, #tpu.memory_space<semaphore_mem>>)
      %dma_start3A_50 = arith.constant 4 : i32
      %dma_start3A_51 = arith.constant 0 : i32
      %dma_start3A_52 = tpu.memref_slice %arg7[%dma_start3A_50, %dma_start3A_51] : memref<80x256xi32, #tpu.memory_space<vmem>> -> memref<1x256xi32, #tpu.memory_space<vmem>>
      %dma_start3A_53 = tpu.memref_squeeze %dma_start3A_52 : memref<1x256xi32, #tpu.memory_space<vmem>> -> memref<256xi32, #tpu.memory_space<vmem>>
      %dma_start3A_54 = arith.constant 0 : i32
      %dma_start3A_55 = arith.constant 0 : i32
      %dma_start3A_56 = tpu.memref_slice %arg17[%dma_start3A_54, %dma_start3A_55] : memref<10112x16xf32, #tpu.memory_space<vmem_shared>> -> memref<10112x16xf32, #tpu.memory_space<vmem_shared>>
      tpu.enqueue_indirect_dma source(%dma_start3A_56 : memref<10112x16xf32, #tpu.memory_space<vmem_shared>>) target(%arg13 : memref<256x16xf32, #tpu.memory_space<vmem>>) offsets(%dma_start3A_53 : memref<256xi32, #tpu.memory_space<vmem>>) semaphore(%arg19 : memref<!tpu.dma_semaphore, #tpu.memory_space<semaphore_mem>>)
      %dma_start3A_57 = arith.constant 5 : i32
      %dma_start3A_58 = arith.constant 0 : i32
      %dma_start3A_59 = tpu.memref_slice %arg7[%dma_start3A_57, %dma_start3A_58] : memref<80x256xi32, #tpu.memory_space<vmem>> -> memref<1x256xi32, #tpu.memory_space<vmem>>
      %dma_start3A_60 = tpu.memref_squeeze %dma_start3A_59 : memref<1x256xi32, #tpu.memory_space<vmem>> -> memref<256xi32, #tpu.memory_space<vmem>>
      %dma_start3A_61 = arith.constant 0 : i32
      %dma_start3A_62 = arith.constant 0 : i32
      %dma_start3A_63 = tpu.memref_slice %arg17[%dma_start3A_61, %dma_start3A_62] : memref<10112x16xf32, #tpu.memory_space<vmem_shared>> -> memref<10112x16xf32, #tpu.memory_space<vmem_shared>>
      tpu.enqueue_indirect_dma source(%dma_start3A_63 : memref<10112x16xf32, #tpu.memory_space<vmem_shared>>) target(%arg14 : memref<256x16xf32, #tpu.memory_space<vmem>>) offsets(%dma_start3A_60 : memref<256xi32, #tpu.memory_space<vmem>>) semaphore(%arg19 : memref<!tpu.dma_semaphore, #tpu.memory_space<semaphore_mem>>)
      %dma_start3A_64 = arith.constant 6 : i32
      %dma_start3A_65 = arith.constant 0 : i32
      %dma_start3A_66 = tpu.memref_slice %arg7[%dma_start3A_64, %dma_start3A_65] : memref<80x256xi32, #tpu.memory_space<vmem>> -> memref<1x256xi32, #tpu.memory_space<vmem>>
      %dma_start3A_67 = tpu.memref_squeeze %dma_start3A_66 : memref<1x256xi32, #tpu.memory_space<vmem>> -> memref<256xi32, #tpu.memory_space<vmem>>
      %dma_start3A_68 = arith.constant 0 : i32
      %dma_start3A_69 = arith.constant 0 : i32
      %dma_start3A_70 = tpu.memref_slice %arg17[%dma_start3A_68, %dma_start3A_69] : memref<10112x16xf32, #tpu.memory_space<vmem_shared>> -> memref<10112x16xf32, #tpu.memory_space<vmem_shared>>
      tpu.enqueue_indirect_dma source(%dma_start3A_70 : memref<10112x16xf32, #tpu.memory_space<vmem_shared>>) target(%arg15 : memref<256x16xf32, #tpu.memory_space<vmem>>) offsets(%dma_start3A_67 : memref<256xi32, #tpu.memory_space<vmem>>) semaphore(%arg19 : memref<!tpu.dma_semaphore, #tpu.memory_space<semaphore_mem>>)
      %dma_start3A_71 = arith.constant 7 : i32
      %dma_start3A_72 = arith.constant 0 : i32
      %dma_start3A_73 = tpu.memref_slice %arg7[%dma_start3A_71, %dma_start3A_72] : memref<80x256xi32, #tpu.memory_space<vmem>> -> memref<1x256xi32, #tpu.memory_space<vmem>>
      %dma_start3A_74 = tpu.memref_squeeze %dma_start3A_73 : memref<1x256xi32, #tpu.memory_space<vmem>> -> memref<256xi32, #tpu.memory_space<vmem>>
      %dma_start3A_75 = arith.constant 0 : i32
      %dma_start3A_76 = arith.constant 0 : i32
      %dma_start3A_77 = tpu.memref_slice %arg17[%dma_start3A_75, %dma_start3A_76] : memref<10112x16xf32, #tpu.memory_space<vmem_shared>> -> memref<10112x16xf32, #tpu.memory_space<vmem_shared>>
      tpu.enqueue_indirect_dma source(%dma_start3A_77 : memref<10112x16xf32, #tpu.memory_space<vmem_shared>>) target(%arg16 : memref<256x16xf32, #tpu.memory_space<vmem>>) offsets(%dma_start3A_74 : memref<256xi32, #tpu.memory_space<vmem>>) semaphore(%arg19 : memref<!tpu.dma_semaphore, #tpu.memory_space<semaphore_mem>>)
      %scan3A_78 = arith.constant 0 : i32
      %scan3A_79 = arith.constant 10 : i32
      %scan3A_80 = arith.addi %scan3A_78, %scan3A_79 : i32
      %scan3A_81 = arith.constant 1 : i32
      scf.for %scan3A_84 = %scan3A_78 to %scan3A_80 step %scan3A_81  : i32 {
        %mul3A_85 = arith.constant 1 : i32
        %mul3A_86 = arith.muli %scan3A_84, %mul3A_85 : i32
        %add3A_87 = arith.constant 0 : i32
        %add3A_88 = arith.addi %add3A_87, %mul3A_86 : i32
        %mul3A_89 = arith.constant 8 : i32
        %mul3A_90 = arith.muli %mul3A_89, %add3A_88 : i32
        %add3A_91 = arith.constant 0 : i32
        %add3A_92 = arith.addi %mul3A_90, %add3A_91 : i32
        %add3A_93 = arith.constant 0 : i32
        %add3A_94 = arith.addi %add3A_92, %add3A_93 : i32
        %dma_wait3A = arith.constant 0 : i32
        %dma_wait3A_95 = tpu.memref_slice %arg7[%add3A_94, %dma_wait3A] : memref<80x256xi32, #tpu.memory_space<vmem>> -> memref<1x256xi32, #tpu.memory_space<vmem>>
        %dma_wait3A_96 = tpu.memref_squeeze %dma_wait3A_95 : memref<1x256xi32, #tpu.memory_space<vmem>> -> memref<256xi32, #tpu.memory_space<vmem>>
        %dma_wait3A_97 = arith.constant 0 : i32
        %dma_wait3A_98 = arith.constant 0 : i32
        %dma_wait3A_99 = tpu.memref_slice %arg17[%dma_wait3A_97, %dma_wait3A_98] : memref<10112x16xf32, #tpu.memory_space<vmem_shared>> -> memref<10112x16xf32, #tpu.memory_space<vmem_shared>>
        tpu.wait_indirect_dma semaphore(%arg19 : memref<!tpu.dma_semaphore, #tpu.memory_space<semaphore_mem>>) src(%dma_wait3A_99 : memref<10112x16xf32, #tpu.memory_space<vmem_shared>>) dst(%arg9 : memref<256x16xf32, #tpu.memory_space<vmem>>)
        %add3A_100 = arith.constant 1 : i32
        %add3A_101 = arith.addi %add3A_92, %add3A_100 : i32
        %dma_wait3A_102 = arith.constant 0 : i32
        %dma_wait3A_103 = tpu.memref_slice %arg7[%add3A_101, %dma_wait3A_102] : memref<80x256xi32, #tpu.memory_space<vmem>> -> memref<1x256xi32, #tpu.memory_space<vmem>>
        %dma_wait3A_104 = tpu.memref_squeeze %dma_wait3A_103 : memref<1x256xi32, #tpu.memory_space<vmem>> -> memref<256xi32, #tpu.memory_space<vmem>>
        %dma_wait3A_105 = arith.constant 0 : i32
        %dma_wait3A_106 = arith.constant 0 : i32
        %dma_wait3A_107 = tpu.memref_slice %arg17[%dma_wait3A_105, %dma_wait3A_106] : memref<10112x16xf32, #tpu.memory_space<vmem_shared>> -> memref<10112x16xf32, #tpu.memory_space<vmem_shared>>
        tpu.wait_indirect_dma semaphore(%arg19 : memref<!tpu.dma_semaphore, #tpu.memory_space<semaphore_mem>>) src(%dma_wait3A_107 : memref<10112x16xf32, #tpu.memory_space<vmem_shared>>) dst(%arg10 : memref<256x16xf32, #tpu.memory_space<vmem>>)
        %add3A_108 = arith.constant 2 : i32
        %add3A_109 = arith.addi %add3A_92, %add3A_108 : i32
        %dma_wait3A_110 = arith.constant 0 : i32
        %dma_wait3A_111 = tpu.memref_slice %arg7[%add3A_109, %dma_wait3A_110] : memref<80x256xi32, #tpu.memory_space<vmem>> -> memref<1x256xi32, #tpu.memory_space<vmem>>
        %dma_wait3A_112 = tpu.memref_squeeze %dma_wait3A_111 : memref<1x256xi32, #tpu.memory_space<vmem>> -> memref<256xi32, #tpu.memory_space<vmem>>
        %dma_wait3A_113 = arith.constant 0 : i32
        %dma_wait3A_114 = arith.constant 0 : i32
        %dma_wait3A_115 = tpu.memref_slice %arg17[%dma_wait3A_113, %dma_wait3A_114] : memref<10112x16xf32, #tpu.memory_space<vmem_shared>> -> memref<10112x16xf32, #tpu.memory_space<vmem_shared>>
        tpu.wait_indirect_dma semaphore(%arg19 : memref<!tpu.dma_semaphore, #tpu.memory_space<semaphore_mem>>) src(%dma_wait3A_115 : memref<10112x16xf32, #tpu.memory_space<vmem_shared>>) dst(%arg11 : memref<256x16xf32, #tpu.memory_space<vmem>>)
        %add3A_116 = arith.constant 3 : i32
        %add3A_117 = arith.addi %add3A_92, %add3A_116 : i32
        %dma_wait3A_118 = arith.constant 0 : i32
        %dma_wait3A_119 = tpu.memref_slice %arg7[%add3A_117, %dma_wait3A_118] : memref<80x256xi32, #tpu.memory_space<vmem>> -> memref<1x256xi32, #tpu.memory_space<vmem>>
        %dma_wait3A_120 = tpu.memref_squeeze %dma_wait3A_119 : memref<1x256xi32, #tpu.memory_space<vmem>> -> memref<256xi32, #tpu.memory_space<vmem>>
        %dma_wait3A_121 = arith.constant 0 : i32
        %dma_wait3A_122 = arith.constant 0 : i32
        %dma_wait3A_123 = tpu.memref_slice %arg17[%dma_wait3A_121, %dma_wait3A_122] : memref<10112x16xf32, #tpu.memory_space<vmem_shared>> -> memref<10112x16xf32, #tpu.memory_space<vmem_shared>>
        tpu.wait_indirect_dma semaphore(%arg19 : memref<!tpu.dma_semaphore, #tpu.memory_space<semaphore_mem>>) src(%dma_wait3A_123 : memref<10112x16xf32, #tpu.memory_space<vmem_shared>>) dst(%arg12 : memref<256x16xf32, #tpu.memory_space<vmem>>)
        %add3A_124 = arith.constant 0 : i32
        %add3A_125 = arith.addi %add3A_92, %add3A_124 : i32
        %dma_start3A_126 = arith.constant 0 : i32
        %dma_start3A_127 = tpu.memref_slice %arg8[%add3A_125, %dma_start3A_126] : memref<80x256xi32, #tpu.memory_space<vmem>> -> memref<1x256xi32, #tpu.memory_space<vmem>>
        %dma_start3A_128 = tpu.memref_squeeze %dma_start3A_127 : memref<1x256xi32, #tpu.memory_space<vmem>> -> memref<256xi32, #tpu.memory_space<vmem>>
        %dma_start3A_129 = arith.constant 0 : i32
        %dma_start3A_130 = arith.constant 0 : i32
        %dma_start3A_131 = tpu.memref_slice %arg18[%dma_start3A_129, %dma_start3A_130] : memref<10112x16xf32, #tpu.memory_space<vmem_shared>> -> memref<10112x16xf32, #tpu.memory_space<vmem_shared>>
        tpu.enqueue_indirect_dma source(%arg9 : memref<256x16xf32, #tpu.memory_space<vmem>>) target(%dma_start3A_131 : memref<10112x16xf32, #tpu.memory_space<vmem_shared>>) offsets(%dma_start3A_128 : memref<256xi32, #tpu.memory_space<vmem>>) semaphore(%arg20 : memref<!tpu.dma_semaphore, #tpu.memory_space<semaphore_mem>>) {add = true}
        %add3A_132 = arith.constant 1 : i32
        %add3A_133 = arith.addi %add3A_92, %add3A_132 : i32
        %dma_start3A_134 = arith.constant 0 : i32
        %dma_start3A_135 = tpu.memref_slice %arg8[%add3A_133, %dma_start3A_134] : memref<80x256xi32, #tpu.memory_space<vmem>> -> memref<1x256xi32, #tpu.memory_space<vmem>>
        %dma_start3A_136 = tpu.memref_squeeze %dma_start3A_135 : memref<1x256xi32, #tpu.memory_space<vmem>> -> memref<256xi32, #tpu.memory_space<vmem>>
        %dma_start3A_137 = arith.constant 0 : i32
        %dma_start3A_138 = arith.constant 0 : i32
        %dma_start3A_139 = tpu.memref_slice %arg18[%dma_start3A_137, %dma_start3A_138] : memref<10112x16xf32, #tpu.memory_space<vmem_shared>> -> memref<10112x16xf32, #tpu.memory_space<vmem_shared>>
        tpu.enqueue_indirect_dma source(%arg10 : memref<256x16xf32, #tpu.memory_space<vmem>>) target(%dma_start3A_139 : memref<10112x16xf32, #tpu.memory_space<vmem_shared>>) offsets(%dma_start3A_136 : memref<256xi32, #tpu.memory_space<vmem>>) semaphore(%arg20 : memref<!tpu.dma_semaphore, #tpu.memory_space<semaphore_mem>>) {add = true}
        %add3A_140 = arith.constant 2 : i32
        %add3A_141 = arith.addi %add3A_92, %add3A_140 : i32
        %dma_start3A_142 = arith.constant 0 : i32
        %dma_start3A_143 = tpu.memref_slice %arg8[%add3A_141, %dma_start3A_142] : memref<80x256xi32, #tpu.memory_space<vmem>> -> memref<1x256xi32, #tpu.memory_space<vmem>>
        %dma_start3A_144 = tpu.memref_squeeze %dma_start3A_143 : memref<1x256xi32, #tpu.memory_space<vmem>> -> memref<256xi32, #tpu.memory_space<vmem>>
        %dma_start3A_145 = arith.constant 0 : i32
        %dma_start3A_146 = arith.constant 0 : i32
        %dma_start3A_147 = tpu.memref_slice %arg18[%dma_start3A_145, %dma_start3A_146] : memref<10112x16xf32, #tpu.memory_space<vmem_shared>> -> memref<10112x16xf32, #tpu.memory_space<vmem_shared>>
        tpu.enqueue_indirect_dma source(%arg11 : memref<256x16xf32, #tpu.memory_space<vmem>>) target(%dma_start3A_147 : memref<10112x16xf32, #tpu.memory_space<vmem_shared>>) offsets(%dma_start3A_144 : memref<256xi32, #tpu.memory_space<vmem>>) semaphore(%arg20 : memref<!tpu.dma_semaphore, #tpu.memory_space<semaphore_mem>>) {add = true}
        %add3A_148 = arith.constant 3 : i32
        %add3A_149 = arith.addi %add3A_92, %add3A_148 : i32
        %dma_start3A_150 = arith.constant 0 : i32
        %dma_start3A_151 = tpu.memref_slice %arg8[%add3A_149, %dma_start3A_150] : memref<80x256xi32, #tpu.memory_space<vmem>> -> memref<1x256xi32, #tpu.memory_space<vmem>>
        %dma_start3A_152 = tpu.memref_squeeze %dma_start3A_151 : memref<1x256xi32, #tpu.memory_space<vmem>> -> memref<256xi32, #tpu.memory_space<vmem>>
        %dma_start3A_153 = arith.constant 0 : i32
        %dma_start3A_154 = arith.constant 0 : i32
        %dma_start3A_155 = tpu.memref_slice %arg18[%dma_start3A_153, %dma_start3A_154] : memref<10112x16xf32, #tpu.memory_space<vmem_shared>> -> memref<10112x16xf32, #tpu.memory_space<vmem_shared>>
        tpu.enqueue_indirect_dma source(%arg12 : memref<256x16xf32, #tpu.memory_space<vmem>>) target(%dma_start3A_155 : memref<10112x16xf32, #tpu.memory_space<vmem_shared>>) offsets(%dma_start3A_152 : memref<256xi32, #tpu.memory_space<vmem>>) semaphore(%arg20 : memref<!tpu.dma_semaphore, #tpu.memory_space<semaphore_mem>>) {add = true}
        %dma_wait3A_156 = arith.constant 0 : i32
        %dma_wait3A_157 = tpu.memref_slice %arg8[%add3A_125, %dma_wait3A_156] : memref<80x256xi32, #tpu.memory_space<vmem>> -> memref<1x256xi32, #tpu.memory_space<vmem>>
        %dma_wait3A_158 = tpu.memref_squeeze %dma_wait3A_157 : memref<1x256xi32, #tpu.memory_space<vmem>> -> memref<256xi32, #tpu.memory_space<vmem>>
        %dma_wait3A_159 = arith.constant 0 : i32
        %dma_wait3A_160 = arith.constant 0 : i32
        %dma_wait3A_161 = tpu.memref_slice %arg18[%dma_wait3A_159, %dma_wait3A_160] : memref<10112x16xf32, #tpu.memory_space<vmem_shared>> -> memref<10112x16xf32, #tpu.memory_space<vmem_shared>>
        tpu.wait_indirect_dma semaphore(%arg20 : memref<!tpu.dma_semaphore, #tpu.memory_space<semaphore_mem>>) src(%arg9 : memref<256x16xf32, #tpu.memory_space<vmem>>) dst(%dma_wait3A_161 : memref<10112x16xf32, #tpu.memory_space<vmem_shared>>)
        %dma_wait3A_162 = arith.constant 0 : i32
        %dma_wait3A_163 = tpu.memref_slice %arg8[%add3A_133, %dma_wait3A_162] : memref<80x256xi32, #tpu.memory_space<vmem>> -> memref<1x256xi32, #tpu.memory_space<vmem>>
        %dma_wait3A_164 = tpu.memref_squeeze %dma_wait3A_163 : memref<1x256xi32, #tpu.memory_space<vmem>> -> memref<256xi32, #tpu.memory_space<vmem>>
        %dma_wait3A_165 = arith.constant 0 : i32
        %dma_wait3A_166 = arith.constant 0 : i32
        %dma_wait3A_167 = tpu.memref_slice %arg18[%dma_wait3A_165, %dma_wait3A_166] : memref<10112x16xf32, #tpu.memory_space<vmem_shared>> -> memref<10112x16xf32, #tpu.memory_space<vmem_shared>>
        tpu.wait_indirect_dma semaphore(%arg20 : memref<!tpu.dma_semaphore, #tpu.memory_space<semaphore_mem>>) src(%arg10 : memref<256x16xf32, #tpu.memory_space<vmem>>) dst(%dma_wait3A_167 : memref<10112x16xf32, #tpu.memory_space<vmem_shared>>)
        %dma_wait3A_168 = arith.constant 0 : i32
        %dma_wait3A_169 = tpu.memref_slice %arg8[%add3A_141, %dma_wait3A_168] : memref<80x256xi32, #tpu.memory_space<vmem>> -> memref<1x256xi32, #tpu.memory_space<vmem>>
        %dma_wait3A_170 = tpu.memref_squeeze %dma_wait3A_169 : memref<1x256xi32, #tpu.memory_space<vmem>> -> memref<256xi32, #tpu.memory_space<vmem>>
        %dma_wait3A_171 = arith.constant 0 : i32
        %dma_wait3A_172 = arith.constant 0 : i32
        %dma_wait3A_173 = tpu.memref_slice %arg18[%dma_wait3A_171, %dma_wait3A_172] : memref<10112x16xf32, #tpu.memory_space<vmem_shared>> -> memref<10112x16xf32, #tpu.memory_space<vmem_shared>>
        tpu.wait_indirect_dma semaphore(%arg20 : memref<!tpu.dma_semaphore, #tpu.memory_space<semaphore_mem>>) src(%arg11 : memref<256x16xf32, #tpu.memory_space<vmem>>) dst(%dma_wait3A_173 : memref<10112x16xf32, #tpu.memory_space<vmem_shared>>)
        %dma_wait3A_174 = arith.constant 0 : i32
        %dma_wait3A_175 = tpu.memref_slice %arg8[%add3A_149, %dma_wait3A_174] : memref<80x256xi32, #tpu.memory_space<vmem>> -> memref<1x256xi32, #tpu.memory_space<vmem>>
        %dma_wait3A_176 = tpu.memref_squeeze %dma_wait3A_175 : memref<1x256xi32, #tpu.memory_space<vmem>> -> memref<256xi32, #tpu.memory_space<vmem>>
        %dma_wait3A_177 = arith.constant 0 : i32
        %dma_wait3A_178 = arith.constant 0 : i32
        %dma_wait3A_179 = tpu.memref_slice %arg18[%dma_wait3A_177, %dma_wait3A_178] : memref<10112x16xf32, #tpu.memory_space<vmem_shared>> -> memref<10112x16xf32, #tpu.memory_space<vmem_shared>>
        tpu.wait_indirect_dma semaphore(%arg20 : memref<!tpu.dma_semaphore, #tpu.memory_space<semaphore_mem>>) src(%arg12 : memref<256x16xf32, #tpu.memory_space<vmem>>) dst(%dma_wait3A_179 : memref<10112x16xf32, #tpu.memory_space<vmem_shared>>)
        %add3A_180 = arith.constant 8 : i32
        %add3A_181 = arith.addi %add3A_92, %add3A_180 : i32
        %lt3A_182 = arith.constant 80 : i32
        %lt3A_183 = arith.cmpi slt, %add3A_181, %lt3A_182 : i32
        %convert_element_type3A_184 = arith.extui %lt3A_183 : i1 to i32
        %cond3A_185 = arith.constant 0 : i32
        %cond3A_186 = arith.cmpi ne, %convert_element_type3A_184, %cond3A_185 : i32
        scf.if %cond3A_186 {
          %add3A_286 = arith.constant 0 : i32
          %add3A_287 = arith.addi %add3A_181, %add3A_286 : i32
          %dma_start3A_288 = arith.constant 0 : i32
          %dma_start3A_289 = tpu.memref_slice %arg7[%add3A_287, %dma_start3A_288] : memref<80x256xi32, #tpu.memory_space<vmem>> -> memref<1x256xi32, #tpu.memory_space<vmem>>
          %dma_start3A_290 = tpu.memref_squeeze %dma_start3A_289 : memref<1x256xi32, #tpu.memory_space<vmem>> -> memref<256xi32, #tpu.memory_space<vmem>>
          %dma_start3A_291 = arith.constant 0 : i32
          %dma_start3A_292 = arith.constant 0 : i32
          %dma_start3A_293 = tpu.memref_slice %arg17[%dma_start3A_291, %dma_start3A_292] : memref<10112x16xf32, #tpu.memory_space<vmem_shared>> -> memref<10112x16xf32, #tpu.memory_space<vmem_shared>>
          tpu.enqueue_indirect_dma source(%dma_start3A_293 : memref<10112x16xf32, #tpu.memory_space<vmem_shared>>) target(%arg9 : memref<256x16xf32, #tpu.memory_space<vmem>>) offsets(%dma_start3A_290 : memref<256xi32, #tpu.memory_space<vmem>>) semaphore(%arg19 : memref<!tpu.dma_semaphore, #tpu.memory_space<semaphore_mem>>)
          %add3A_294 = arith.constant 1 : i32
          %add3A_295 = arith.addi %add3A_181, %add3A_294 : i32
          %dma_start3A_296 = arith.constant 0 : i32
          %dma_start3A_297 = tpu.memref_slice %arg7[%add3A_295, %dma_start3A_296] : memref<80x256xi32, #tpu.memory_space<vmem>> -> memref<1x256xi32, #tpu.memory_space<vmem>>
          %dma_start3A_298 = tpu.memref_squeeze %dma_start3A_297 : memref<1x256xi32, #tpu.memory_space<vmem>> -> memref<256xi32, #tpu.memory_space<vmem>>
          %dma_start3A_299 = arith.constant 0 : i32
          %dma_start3A_300 = arith.constant 0 : i32
          %dma_start3A_301 = tpu.memref_slice %arg17[%dma_start3A_299, %dma_start3A_300] : memref<10112x16xf32, #tpu.memory_space<vmem_shared>> -> memref<10112x16xf32, #tpu.memory_space<vmem_shared>>
          tpu.enqueue_indirect_dma source(%dma_start3A_301 : memref<10112x16xf32, #tpu.memory_space<vmem_shared>>) target(%arg10 : memref<256x16xf32, #tpu.memory_space<vmem>>) offsets(%dma_start3A_298 : memref<256xi32, #tpu.memory_space<vmem>>) semaphore(%arg19 : memref<!tpu.dma_semaphore, #tpu.memory_space<semaphore_mem>>)
          %add3A_302 = arith.constant 2 : i32
          %add3A_303 = arith.addi %add3A_181, %add3A_302 : i32
          %dma_start3A_304 = arith.constant 0 : i32
          %dma_start3A_305 = tpu.memref_slice %arg7[%add3A_303, %dma_start3A_304] : memref<80x256xi32, #tpu.memory_space<vmem>> -> memref<1x256xi32, #tpu.memory_space<vmem>>
          %dma_start3A_306 = tpu.memref_squeeze %dma_start3A_305 : memref<1x256xi32, #tpu.memory_space<vmem>> -> memref<256xi32, #tpu.memory_space<vmem>>
          %dma_start3A_307 = arith.constant 0 : i32
          %dma_start3A_308 = arith.constant 0 : i32
          %dma_start3A_309 = tpu.memref_slice %arg17[%dma_start3A_307, %dma_start3A_308] : memref<10112x16xf32, #tpu.memory_space<vmem_shared>> -> memref<10112x16xf32, #tpu.memory_space<vmem_shared>>
          tpu.enqueue_indirect_dma source(%dma_start3A_309 : memref<10112x16xf32, #tpu.memory_space<vmem_shared>>) target(%arg11 : memref<256x16xf32, #tpu.memory_space<vmem>>) offsets(%dma_start3A_306 : memref<256xi32, #tpu.memory_space<vmem>>) semaphore(%arg19 : memref<!tpu.dma_semaphore, #tpu.memory_space<semaphore_mem>>)
          %add3A_310 = arith.constant 3 : i32
          %add3A_311 = arith.addi %add3A_181, %add3A_310 : i32
          %dma_start3A_312 = arith.constant 0 : i32
          %dma_start3A_313 = tpu.memref_slice %arg7[%add3A_311, %dma_start3A_312] : memref<80x256xi32, #tpu.memory_space<vmem>> -> memref<1x256xi32, #tpu.memory_space<vmem>>
          %dma_start3A_314 = tpu.memref_squeeze %dma_start3A_313 : memref<1x256xi32, #tpu.memory_space<vmem>> -> memref<256xi32, #tpu.memory_space<vmem>>
          %dma_start3A_315 = arith.constant 0 : i32
          %dma_start3A_316 = arith.constant 0 : i32
          %dma_start3A_317 = tpu.memref_slice %arg17[%dma_start3A_315, %dma_start3A_316] : memref<10112x16xf32, #tpu.memory_space<vmem_shared>> -> memref<10112x16xf32, #tpu.memory_space<vmem_shared>>
          tpu.enqueue_indirect_dma source(%dma_start3A_317 : memref<10112x16xf32, #tpu.memory_space<vmem_shared>>) target(%arg12 : memref<256x16xf32, #tpu.memory_space<vmem>>) offsets(%dma_start3A_314 : memref<256xi32, #tpu.memory_space<vmem>>) semaphore(%arg19 : memref<!tpu.dma_semaphore, #tpu.memory_space<semaphore_mem>>)
        } else {
        }
        %mul3A_187 = arith.constant 8 : i32
        %mul3A_188 = arith.muli %mul3A_187, %add3A_88 : i32
        %add3A_189 = arith.constant 4 : i32
        %add3A_190 = arith.addi %mul3A_188, %add3A_189 : i32
        %add3A_191 = arith.constant 0 : i32
        %add3A_192 = arith.addi %add3A_190, %add3A_191 : i32
        %dma_wait3A_193 = arith.constant 0 : i32
        %dma_wait3A_194 = tpu.memref_slice %arg7[%add3A_192, %dma_wait3A_193] : memref<80x256xi32, #tpu.memory_space<vmem>> -> memref<1x256xi32, #tpu.memory_space<vmem>>
        %dma_wait3A_195 = tpu.memref_squeeze %dma_wait3A_194 : memref<1x256xi32, #tpu.memory_space<vmem>> -> memref<256xi32, #tpu.memory_space<vmem>>
        %dma_wait3A_196 = arith.constant 0 : i32
        %dma_wait3A_197 = arith.constant 0 : i32
        %dma_wait3A_198 = tpu.memref_slice %arg17[%dma_wait3A_196, %dma_wait3A_197] : memref<10112x16xf32, #tpu.memory_space<vmem_shared>> -> memref<10112x16xf32, #tpu.memory_space<vmem_shared>>
        tpu.wait_indirect_dma semaphore(%arg19 : memref<!tpu.dma_semaphore, #tpu.memory_space<semaphore_mem>>) src(%dma_wait3A_198 : memref<10112x16xf32, #tpu.memory_space<vmem_shared>>) dst(%arg13 : memref<256x16xf32, #tpu.memory_space<vmem>>)
        %add3A_199 = arith.constant 1 : i32
        %add3A_200 = arith.addi %add3A_190, %add3A_199 : i32
        %dma_wait3A_201 = arith.constant 0 : i32
        %dma_wait3A_202 = tpu.memref_slice %arg7[%add3A_200, %dma_wait3A_201] : memref<80x256xi32, #tpu.memory_space<vmem>> -> memref<1x256xi32, #tpu.memory_space<vmem>>
        %dma_wait3A_203 = tpu.memref_squeeze %dma_wait3A_202 : memref<1x256xi32, #tpu.memory_space<vmem>> -> memref<256xi32, #tpu.memory_space<vmem>>
        %dma_wait3A_204 = arith.constant 0 : i32
        %dma_wait3A_205 = arith.constant 0 : i32
        %dma_wait3A_206 = tpu.memref_slice %arg17[%dma_wait3A_204, %dma_wait3A_205] : memref<10112x16xf32, #tpu.memory_space<vmem_shared>> -> memref<10112x16xf32, #tpu.memory_space<vmem_shared>>
        tpu.wait_indirect_dma semaphore(%arg19 : memref<!tpu.dma_semaphore, #tpu.memory_space<semaphore_mem>>) src(%dma_wait3A_206 : memref<10112x16xf32, #tpu.memory_space<vmem_shared>>) dst(%arg14 : memref<256x16xf32, #tpu.memory_space<vmem>>)
        %add3A_207 = arith.constant 2 : i32
        %add3A_208 = arith.addi %add3A_190, %add3A_207 : i32
        %dma_wait3A_209 = arith.constant 0 : i32
        %dma_wait3A_210 = tpu.memref_slice %arg7[%add3A_208, %dma_wait3A_209] : memref<80x256xi32, #tpu.memory_space<vmem>> -> memref<1x256xi32, #tpu.memory_space<vmem>>
        %dma_wait3A_211 = tpu.memref_squeeze %dma_wait3A_210 : memref<1x256xi32, #tpu.memory_space<vmem>> -> memref<256xi32, #tpu.memory_space<vmem>>
        %dma_wait3A_212 = arith.constant 0 : i32
        %dma_wait3A_213 = arith.constant 0 : i32
        %dma_wait3A_214 = tpu.memref_slice %arg17[%dma_wait3A_212, %dma_wait3A_213] : memref<10112x16xf32, #tpu.memory_space<vmem_shared>> -> memref<10112x16xf32, #tpu.memory_space<vmem_shared>>
        tpu.wait_indirect_dma semaphore(%arg19 : memref<!tpu.dma_semaphore, #tpu.memory_space<semaphore_mem>>) src(%dma_wait3A_214 : memref<10112x16xf32, #tpu.memory_space<vmem_shared>>) dst(%arg15 : memref<256x16xf32, #tpu.memory_space<vmem>>)
        %add3A_215 = arith.constant 3 : i32
        %add3A_216 = arith.addi %add3A_190, %add3A_215 : i32
        %dma_wait3A_217 = arith.constant 0 : i32
        %dma_wait3A_218 = tpu.memref_slice %arg7[%add3A_216, %dma_wait3A_217] : memref<80x256xi32, #tpu.memory_space<vmem>> -> memref<1x256xi32, #tpu.memory_space<vmem>>
        %dma_wait3A_219 = tpu.memref_squeeze %dma_wait3A_218 : memref<1x256xi32, #tpu.memory_space<vmem>> -> memref<256xi32, #tpu.memory_space<vmem>>
        %dma_wait3A_220 = arith.constant 0 : i32
        %dma_wait3A_221 = arith.constant 0 : i32
        %dma_wait3A_222 = tpu.memref_slice %arg17[%dma_wait3A_220, %dma_wait3A_221] : memref<10112x16xf32, #tpu.memory_space<vmem_shared>> -> memref<10112x16xf32, #tpu.memory_space<vmem_shared>>
        tpu.wait_indirect_dma semaphore(%arg19 : memref<!tpu.dma_semaphore, #tpu.memory_space<semaphore_mem>>) src(%dma_wait3A_222 : memref<10112x16xf32, #tpu.memory_space<vmem_shared>>) dst(%arg16 : memref<256x16xf32, #tpu.memory_space<vmem>>)
        %add3A_223 = arith.constant 0 : i32
        %add3A_224 = arith.addi %add3A_190, %add3A_223 : i32
        %dma_start3A_225 = arith.constant 0 : i32
        %dma_start3A_226 = tpu.memref_slice %arg8[%add3A_224, %dma_start3A_225] : memref<80x256xi32, #tpu.memory_space<vmem>> -> memref<1x256xi32, #tpu.memory_space<vmem>>
        %dma_start3A_227 = tpu.memref_squeeze %dma_start3A_226 : memref<1x256xi32, #tpu.memory_space<vmem>> -> memref<256xi32, #tpu.memory_space<vmem>>
        %dma_start3A_228 = arith.constant 0 : i32
        %dma_start3A_229 = arith.constant 0 : i32
        %dma_start3A_230 = tpu.memref_slice %arg18[%dma_start3A_228, %dma_start3A_229] : memref<10112x16xf32, #tpu.memory_space<vmem_shared>> -> memref<10112x16xf32, #tpu.memory_space<vmem_shared>>
        tpu.enqueue_indirect_dma source(%arg13 : memref<256x16xf32, #tpu.memory_space<vmem>>) target(%dma_start3A_230 : memref<10112x16xf32, #tpu.memory_space<vmem_shared>>) offsets(%dma_start3A_227 : memref<256xi32, #tpu.memory_space<vmem>>) semaphore(%arg20 : memref<!tpu.dma_semaphore, #tpu.memory_space<semaphore_mem>>) {add = true}
        %add3A_231 = arith.constant 1 : i32
        %add3A_232 = arith.addi %add3A_190, %add3A_231 : i32
        %dma_start3A_233 = arith.constant 0 : i32
        %dma_start3A_234 = tpu.memref_slice %arg8[%add3A_232, %dma_start3A_233] : memref<80x256xi32, #tpu.memory_space<vmem>> -> memref<1x256xi32, #tpu.memory_space<vmem>>
        %dma_start3A_235 = tpu.memref_squeeze %dma_start3A_234 : memref<1x256xi32, #tpu.memory_space<vmem>> -> memref<256xi32, #tpu.memory_space<vmem>>
        %dma_start3A_236 = arith.constant 0 : i32
        %dma_start3A_237 = arith.constant 0 : i32
        %dma_start3A_238 = tpu.memref_slice %arg18[%dma_start3A_236, %dma_start3A_237] : memref<10112x16xf32, #tpu.memory_space<vmem_shared>> -> memref<10112x16xf32, #tpu.memory_space<vmem_shared>>
        tpu.enqueue_indirect_dma source(%arg14 : memref<256x16xf32, #tpu.memory_space<vmem>>) target(%dma_start3A_238 : memref<10112x16xf32, #tpu.memory_space<vmem_shared>>) offsets(%dma_start3A_235 : memref<256xi32, #tpu.memory_space<vmem>>) semaphore(%arg20 : memref<!tpu.dma_semaphore, #tpu.memory_space<semaphore_mem>>) {add = true}
        %add3A_239 = arith.constant 2 : i32
        %add3A_240 = arith.addi %add3A_190, %add3A_239 : i32
        %dma_start3A_241 = arith.constant 0 : i32
        %dma_start3A_242 = tpu.memref_slice %arg8[%add3A_240, %dma_start3A_241] : memref<80x256xi32, #tpu.memory_space<vmem>> -> memref<1x256xi32, #tpu.memory_space<vmem>>
        %dma_start3A_243 = tpu.memref_squeeze %dma_start3A_242 : memref<1x256xi32, #tpu.memory_space<vmem>> -> memref<256xi32, #tpu.memory_space<vmem>>
        %dma_start3A_244 = arith.constant 0 : i32
        %dma_start3A_245 = arith.constant 0 : i32
        %dma_start3A_246 = tpu.memref_slice %arg18[%dma_start3A_244, %dma_start3A_245] : memref<10112x16xf32, #tpu.memory_space<vmem_shared>> -> memref<10112x16xf32, #tpu.memory_space<vmem_shared>>
        tpu.enqueue_indirect_dma source(%arg15 : memref<256x16xf32, #tpu.memory_space<vmem>>) target(%dma_start3A_246 : memref<10112x16xf32, #tpu.memory_space<vmem_shared>>) offsets(%dma_start3A_243 : memref<256xi32, #tpu.memory_space<vmem>>) semaphore(%arg20 : memref<!tpu.dma_semaphore, #tpu.memory_space<semaphore_mem>>) {add = true}
        %add3A_247 = arith.constant 3 : i32
        %add3A_248 = arith.addi %add3A_190, %add3A_247 : i32
        %dma_start3A_249 = arith.constant 0 : i32
        %dma_start3A_250 = tpu.memref_slice %arg8[%add3A_248, %dma_start3A_249] : memref<80x256xi32, #tpu.memory_space<vmem>> -> memref<1x256xi32, #tpu.memory_space<vmem>>
        %dma_start3A_251 = tpu.memref_squeeze %dma_start3A_250 : memref<1x256xi32, #tpu.memory_space<vmem>> -> memref<256xi32, #tpu.memory_space<vmem>>
        %dma_start3A_252 = arith.constant 0 : i32
        %dma_start3A_253 = arith.constant 0 : i32
        %dma_start3A_254 = tpu.memref_slice %arg18[%dma_start3A_252, %dma_start3A_253] : memref<10112x16xf32, #tpu.memory_space<vmem_shared>> -> memref<10112x16xf32, #tpu.memory_space<vmem_shared>>
        tpu.enqueue_indirect_dma source(%arg16 : memref<256x16xf32, #tpu.memory_space<vmem>>) target(%dma_start3A_254 : memref<10112x16xf32, #tpu.memory_space<vmem_shared>>) offsets(%dma_start3A_251 : memref<256xi32, #tpu.memory_space<vmem>>) semaphore(%arg20 : memref<!tpu.dma_semaphore, #tpu.memory_space<semaphore_mem>>) {add = true}
        %dma_wait3A_255 = arith.constant 0 : i32
        %dma_wait3A_256 = tpu.memref_slice %arg8[%add3A_224, %dma_wait3A_255] : memref<80x256xi32, #tpu.memory_space<vmem>> -> memref<1x256xi32, #tpu.memory_space<vmem>>
        %dma_wait3A_257 = tpu.memref_squeeze %dma_wait3A_256 : memref<1x256xi32, #tpu.memory_space<vmem>> -> memref<256xi32, #tpu.memory_space<vmem>>
        %dma_wait3A_258 = arith.constant 0 : i32
        %dma_wait3A_259 = arith.constant 0 : i32
        %dma_wait3A_260 = tpu.memref_slice %arg18[%dma_wait3A_258, %dma_wait3A_259] : memref<10112x16xf32, #tpu.memory_space<vmem_shared>> -> memref<10112x16xf32, #tpu.memory_space<vmem_shared>>
        tpu.wait_indirect_dma semaphore(%arg20 : memref<!tpu.dma_semaphore, #tpu.memory_space<semaphore_mem>>) src(%arg13 : memref<256x16xf32, #tpu.memory_space<vmem>>) dst(%dma_wait3A_260 : memref<10112x16xf32, #tpu.memory_space<vmem_shared>>)
        %dma_wait3A_261 = arith.constant 0 : i32
        %dma_wait3A_262 = tpu.memref_slice %arg8[%add3A_232, %dma_wait3A_261] : memref<80x256xi32, #tpu.memory_space<vmem>> -> memref<1x256xi32, #tpu.memory_space<vmem>>
        %dma_wait3A_263 = tpu.memref_squeeze %dma_wait3A_262 : memref<1x256xi32, #tpu.memory_space<vmem>> -> memref<256xi32, #tpu.memory_space<vmem>>
        %dma_wait3A_264 = arith.constant 0 : i32
        %dma_wait3A_265 = arith.constant 0 : i32
        %dma_wait3A_266 = tpu.memref_slice %arg18[%dma_wait3A_264, %dma_wait3A_265] : memref<10112x16xf32, #tpu.memory_space<vmem_shared>> -> memref<10112x16xf32, #tpu.memory_space<vmem_shared>>
        tpu.wait_indirect_dma semaphore(%arg20 : memref<!tpu.dma_semaphore, #tpu.memory_space<semaphore_mem>>) src(%arg14 : memref<256x16xf32, #tpu.memory_space<vmem>>) dst(%dma_wait3A_266 : memref<10112x16xf32, #tpu.memory_space<vmem_shared>>)
        %dma_wait3A_267 = arith.constant 0 : i32
        %dma_wait3A_268 = tpu.memref_slice %arg8[%add3A_240, %dma_wait3A_267] : memref<80x256xi32, #tpu.memory_space<vmem>> -> memref<1x256xi32, #tpu.memory_space<vmem>>
        %dma_wait3A_269 = tpu.memref_squeeze %dma_wait3A_268 : memref<1x256xi32, #tpu.memory_space<vmem>> -> memref<256xi32, #tpu.memory_space<vmem>>
        %dma_wait3A_270 = arith.constant 0 : i32
        %dma_wait3A_271 = arith.constant 0 : i32
        %dma_wait3A_272 = tpu.memref_slice %arg18[%dma_wait3A_270, %dma_wait3A_271] : memref<10112x16xf32, #tpu.memory_space<vmem_shared>> -> memref<10112x16xf32, #tpu.memory_space<vmem_shared>>
        tpu.wait_indirect_dma semaphore(%arg20 : memref<!tpu.dma_semaphore, #tpu.memory_space<semaphore_mem>>) src(%arg15 : memref<256x16xf32, #tpu.memory_space<vmem>>) dst(%dma_wait3A_272 : memref<10112x16xf32, #tpu.memory_space<vmem_shared>>)
        %dma_wait3A_273 = arith.constant 0 : i32
        %dma_wait3A_274 = tpu.memref_slice %arg8[%add3A_248, %dma_wait3A_273] : memref<80x256xi32, #tpu.memory_space<vmem>> -> memref<1x256xi32, #tpu.memory_space<vmem>>
        %dma_wait3A_275 = tpu.memref_squeeze %dma_wait3A_274 : memref<1x256xi32, #tpu.memory_space<vmem>> -> memref<256xi32, #tpu.memory_space<vmem>>
        %dma_wait3A_276 = arith.constant 0 : i32
        %dma_wait3A_277 = arith.constant 0 : i32
        %dma_wait3A_278 = tpu.memref_slice %arg18[%dma_wait3A_276, %dma_wait3A_277] : memref<10112x16xf32, #tpu.memory_space<vmem_shared>> -> memref<10112x16xf32, #tpu.memory_space<vmem_shared>>
        tpu.wait_indirect_dma semaphore(%arg20 : memref<!tpu.dma_semaphore, #tpu.memory_space<semaphore_mem>>) src(%arg16 : memref<256x16xf32, #tpu.memory_space<vmem>>) dst(%dma_wait3A_278 : memref<10112x16xf32, #tpu.memory_space<vmem_shared>>)
        %add3A_279 = arith.constant 8 : i32
        %add3A_280 = arith.addi %add3A_190, %add3A_279 : i32
        %lt3A_281 = arith.constant 80 : i32
        %lt3A_282 = arith.cmpi slt, %add3A_280, %lt3A_281 : i32
        %convert_element_type3A_283 = arith.extui %lt3A_282 : i1 to i32
        %cond3A_284 = arith.constant 0 : i32
        %cond3A_285 = arith.cmpi ne, %convert_element_type3A_283, %cond3A_284 : i32
        scf.if %cond3A_285 {
          %add3A_286 = arith.constant 0 : i32
          %add3A_287 = arith.addi %add3A_280, %add3A_286 : i32
          %dma_start3A_288 = arith.constant 0 : i32
          %dma_start3A_289 = tpu.memref_slice %arg7[%add3A_287, %dma_start3A_288] : memref<80x256xi32, #tpu.memory_space<vmem>> -> memref<1x256xi32, #tpu.memory_space<vmem>>
          %dma_start3A_290 = tpu.memref_squeeze %dma_start3A_289 : memref<1x256xi32, #tpu.memory_space<vmem>> -> memref<256xi32, #tpu.memory_space<vmem>>
          %dma_start3A_291 = arith.constant 0 : i32
          %dma_start3A_292 = arith.constant 0 : i32
          %dma_start3A_293 = tpu.memref_slice %arg17[%dma_start3A_291, %dma_start3A_292] : memref<10112x16xf32, #tpu.memory_space<vmem_shared>> -> memref<10112x16xf32, #tpu.memory_space<vmem_shared>>
          tpu.enqueue_indirect_dma source(%dma_start3A_293 : memref<10112x16xf32, #tpu.memory_space<vmem_shared>>) target(%arg13 : memref<256x16xf32, #tpu.memory_space<vmem>>) offsets(%dma_start3A_290 : memref<256xi32, #tpu.memory_space<vmem>>) semaphore(%arg19 : memref<!tpu.dma_semaphore, #tpu.memory_space<semaphore_mem>>)
          %add3A_294 = arith.constant 1 : i32
          %add3A_295 = arith.addi %add3A_280, %add3A_294 : i32
          %dma_start3A_296 = arith.constant 0 : i32
          %dma_start3A_297 = tpu.memref_slice %arg7[%add3A_295, %dma_start3A_296] : memref<80x256xi32, #tpu.memory_space<vmem>> -> memref<1x256xi32, #tpu.memory_space<vmem>>
          %dma_start3A_298 = tpu.memref_squeeze %dma_start3A_297 : memref<1x256xi32, #tpu.memory_space<vmem>> -> memref<256xi32, #tpu.memory_space<vmem>>
          %dma_start3A_299 = arith.constant 0 : i32
          %dma_start3A_300 = arith.constant 0 : i32
          %dma_start3A_301 = tpu.memref_slice %arg17[%dma_start3A_299, %dma_start3A_300] : memref<10112x16xf32, #tpu.memory_space<vmem_shared>> -> memref<10112x16xf32, #tpu.memory_space<vmem_shared>>
          tpu.enqueue_indirect_dma source(%dma_start3A_301 : memref<10112x16xf32, #tpu.memory_space<vmem_shared>>) target(%arg14 : memref<256x16xf32, #tpu.memory_space<vmem>>) offsets(%dma_start3A_298 : memref<256xi32, #tpu.memory_space<vmem>>) semaphore(%arg19 : memref<!tpu.dma_semaphore, #tpu.memory_space<semaphore_mem>>)
          %add3A_302 = arith.constant 2 : i32
          %add3A_303 = arith.addi %add3A_280, %add3A_302 : i32
          %dma_start3A_304 = arith.constant 0 : i32
          %dma_start3A_305 = tpu.memref_slice %arg7[%add3A_303, %dma_start3A_304] : memref<80x256xi32, #tpu.memory_space<vmem>> -> memref<1x256xi32, #tpu.memory_space<vmem>>
          %dma_start3A_306 = tpu.memref_squeeze %dma_start3A_305 : memref<1x256xi32, #tpu.memory_space<vmem>> -> memref<256xi32, #tpu.memory_space<vmem>>
          %dma_start3A_307 = arith.constant 0 : i32
          %dma_start3A_308 = arith.constant 0 : i32
          %dma_start3A_309 = tpu.memref_slice %arg17[%dma_start3A_307, %dma_start3A_308] : memref<10112x16xf32, #tpu.memory_space<vmem_shared>> -> memref<10112x16xf32, #tpu.memory_space<vmem_shared>>
          tpu.enqueue_indirect_dma source(%dma_start3A_309 : memref<10112x16xf32, #tpu.memory_space<vmem_shared>>) target(%arg15 : memref<256x16xf32, #tpu.memory_space<vmem>>) offsets(%dma_start3A_306 : memref<256xi32, #tpu.memory_space<vmem>>) semaphore(%arg19 : memref<!tpu.dma_semaphore, #tpu.memory_space<semaphore_mem>>)
          %add3A_310 = arith.constant 3 : i32
          %add3A_311 = arith.addi %add3A_280, %add3A_310 : i32
          %dma_start3A_312 = arith.constant 0 : i32
          %dma_start3A_313 = tpu.memref_slice %arg7[%add3A_311, %dma_start3A_312] : memref<80x256xi32, #tpu.memory_space<vmem>> -> memref<1x256xi32, #tpu.memory_space<vmem>>
          %dma_start3A_314 = tpu.memref_squeeze %dma_start3A_313 : memref<1x256xi32, #tpu.memory_space<vmem>> -> memref<256xi32, #tpu.memory_space<vmem>>
          %dma_start3A_315 = arith.constant 0 : i32
          %dma_start3A_316 = arith.constant 0 : i32
          %dma_start3A_317 = tpu.memref_slice %arg17[%dma_start3A_315, %dma_start3A_316] : memref<10112x16xf32, #tpu.memory_space<vmem_shared>> -> memref<10112x16xf32, #tpu.memory_space<vmem_shared>>
          tpu.enqueue_indirect_dma source(%dma_start3A_317 : memref<10112x16xf32, #tpu.memory_space<vmem_shared>>) target(%arg16 : memref<256x16xf32, #tpu.memory_space<vmem>>) offsets(%dma_start3A_314 : memref<256xi32, #tpu.memory_space<vmem>>) semaphore(%arg19 : memref<!tpu.dma_semaphore, #tpu.memory_space<semaphore_mem>>)
        } else {
        }
      }
      %scan3A_82 = arith.constant 10 : i32
      %barrier3A_83 = arith.constant 0 : index
      tpu.barrier barrier_id(%barrier3A_83)
      "tpu.region"() ({
        %run_scoped3A = tpu.sem_alloc : memref<!tpu.dma_semaphore, #tpu.memory_space<semaphore_mem>>
        %dma_start3A_84 = tpu.memref_slice %arg6[%mul3A_0, %mul3A_13] : memref<10112x128xf32, #tpu.memory_space<hbm>> -> memref<632x16xf32, #tpu.memory_space<hbm>>
        %dma_start3A_85 = arith.constant 0 : i32
        %dma_start3A_86 = tpu.memref_slice %arg18[%mul3A_0, %dma_start3A_85] : memref<10112x16xf32, #tpu.memory_space<vmem_shared>> -> memref<632x16xf32, #tpu.memory_space<vmem_shared>>
        tpu.enqueue_dma source(%dma_start3A_86 : memref<632x16xf32, #tpu.memory_space<vmem_shared>>) target(%dma_start3A_84 : memref<632x16xf32, #tpu.memory_space<hbm>>) target_semaphore(%run_scoped3A : memref<!tpu.dma_semaphore, #tpu.memory_space<semaphore_mem>>)
        %dma_wait3A = tpu.memref_slice %arg6[%mul3A_0, %mul3A_13] : memref<10112x128xf32, #tpu.memory_space<hbm>> -> memref<632x16xf32, #tpu.memory_space<hbm>>
        %dma_wait3A_87 = arith.constant 0 : i32
        %dma_wait3A_88 = tpu.memref_slice %arg18[%mul3A_0, %dma_wait3A_87] : memref<10112x16xf32, #tpu.memory_space<vmem_shared>> -> memref<632x16xf32, #tpu.memory_space<vmem_shared>>
        tpu.wait_dma2 semaphore(%run_scoped3A : memref<!tpu.dma_semaphore, #tpu.memory_space<semaphore_mem>>) src(%dma_wait3A_88 : memref<632x16xf32, #tpu.memory_space<vmem_shared>>) dst(%dma_wait3A : memref<632x16xf32, #tpu.memory_space<hbm>>)
        tpu.yield
      }) : () -> ()
    }
    %scan3A_4 = arith.constant 4 : i32
    return
  }
}

#map = affine_map<(d0, d1) -> (0, 0)>
#map1 = affine_map<(d0, d1) -> (0, 0, 0)>
module attributes {stable_mosaic.version = 14 : i64} {
  func.func @kern(%arg0: i32, %arg1: i32, %arg2: memref<10000x128xf32, #tpu.memory_space<hbm>>, %arg3: memref<16x80x256xi32, #tpu.memory_space<hbm>>, %arg4: memref<16x80x256xi32, #tpu.memory_space<hbm>>, %arg5: memref<256x16xf32, #tpu.memory_space<hbm>>, %arg6: memref<10112x128xf32, #tpu.memory_space<hbm>>, %arg7: memref<80x256xi32, #tpu.memory_space<vmem>>, %arg8: memref<80x256xi32, #tpu.memory_space<vmem>>, %arg9: memref<256x16xf32, #tpu.memory_space<vmem>>, %arg10: memref<256x16xf32, #tpu.memory_space<vmem>>, %arg11: memref<256x16xf32, #tpu.memory_space<vmem>>, %arg12: memref<256x16xf32, #tpu.memory_space<vmem>>, %arg13: memref<256x16xf32, #tpu.memory_space<vmem>>, %arg14: memref<256x16xf32, #tpu.memory_space<vmem>>, %arg15: memref<256x16xf32, #tpu.memory_space<vmem>>, %arg16: memref<256x16xf32, #tpu.memory_space<vmem>>, %arg17: memref<10112x16xf32, #tpu.memory_space<vmem_shared>>, %arg18: memref<10112x16xf32, #tpu.memory_space<vmem_shared>>, %arg19: memref<!tpu.dma_semaphore, #tpu.memory_space<semaphore_mem>>, %arg20: memref<!tpu.dma_semaphore, #tpu.memory_space<semaphore_mem>>) attributes {dimension_semantics = [#tpu.dimension_semantics<core_parallel>, #tpu.dimension_semantics<subcore_parallel>], iteration_bounds = array<i64: 2, 16>, scalar_prefetch = 0 : i64, scratch_operands = 14 : i64, tpu.core_type = #tpu.core_type<sc_vector_subcore>, window_params = [{transform_indices = #map}, {transform_indices = #map1}, {transform_indices = #map1}, {transform_indices = #map}, {transform_indices = #map}]} {
    "tpu.region"() ({
      %run_scoped3A = tpu.sem_alloc : memref<!tpu.dma_semaphore, #tpu.memory_space<semaphore_mem>>
      %dma_start3A = arith.constant 0 : i32
      %dma_start3A_5 = arith.constant 0 : i32
      %dma_start3A_6 = tpu.memref_slice %arg3[%arg1, %dma_start3A, %dma_start3A_5] : memref<16x80x256xi32, #tpu.memory_space<hbm>> -> memref<1x80x256xi32, #tpu.memory_space<hbm>>
      %dma_start3A_7 = tpu.memref_squeeze %dma_start3A_6 : memref<1x80x256xi32, #tpu.memory_space<hbm>> -> memref<80x256xi32, #tpu.memory_space<hbm>>
      %dma_start3A_8 = arith.constant 0 : i32
      %dma_start3A_9 = arith.constant 0 : i32
      %dma_start3A_10 = tpu.memref_slice %arg3[%arg1, %dma_start3A_8, %dma_start3A_9] : memref<16x80x256xi32, #tpu.memory_space<hbm>> -> memref<1x80x256xi32, #tpu.memory_space<hbm>>
      %dma_start3A_11 = tpu.memref_squeeze %dma_start3A_10 : memref<1x80x256xi32, #tpu.memory_space<hbm>> -> memref<80x256xi32, #tpu.memory_space<hbm>>
      tpu.enqueue_dma source(%dma_start3A_11 : memref<80x256xi32, #tpu.memory_space<hbm>>) target(%arg7 : memref<80x256xi32, #tpu.memory_space<vmem>>) target_semaphore(%run_scoped3A : memref<!tpu.dma_semaphore, #tpu.memory_space<semaphore_mem>>)
      %dma_wait3A = arith.constant 0 : i32
      %dma_wait3A_12 = arith.constant 0 : i32
      %dma_wait3A_13 = tpu.memref_slice %arg3[%arg1, %dma_wait3A, %dma_wait3A_12] : memref<16x80x256xi32, #tpu.memory_space<hbm>> -> memref<1x80x256xi32, #tpu.memory_space<hbm>>
      %dma_wait3A_14 = tpu.memref_squeeze %dma_wait3A_13 : memref<1x80x256xi32, #tpu.memory_space<hbm>> -> memref<80x256xi32, #tpu.memory_space<hbm>>
      %dma_wait3A_15 = arith.constant 0 : i32
      %dma_wait3A_16 = arith.constant 0 : i32
      %dma_wait3A_17 = tpu.memref_slice %arg3[%arg1, %dma_wait3A_15, %dma_wait3A_16] : memref<16x80x256xi32, #tpu.memory_space<hbm>> -> memref<1x80x256xi32, #tpu.memory_space<hbm>>
      %dma_wait3A_18 = tpu.memref_squeeze %dma_wait3A_17 : memref<1x80x256xi32, #tpu.memory_space<hbm>> -> memref<80x256xi32, #tpu.memory_space<hbm>>
      tpu.wait_dma2 semaphore(%run_scoped3A : memref<!tpu.dma_semaphore, #tpu.memory_space<semaphore_mem>>) src(%dma_wait3A_18 : memref<80x256xi32, #tpu.memory_space<hbm>>) dst(%arg7 : memref<80x256xi32, #tpu.memory_space<vmem>>)
      tpu.yield
    }) : () -> ()
    "tpu.region"() ({
      %run_scoped3A = tpu.sem_alloc : memref<!tpu.dma_semaphore, #tpu.memory_space<semaphore_mem>>
      %dma_start3A = arith.constant 0 : i32
      %dma_start3A_5 = arith.constant 0 : i32
      %dma_start3A_6 = tpu.memref_slice %arg4[%arg1, %dma_start3A, %dma_start3A_5] : memref<16x80x256xi32, #tpu.memory_space<hbm>> -> memref<1x80x256xi32, #tpu.memory_space<hbm>>
      %dma_start3A_7 = tpu.memref_squeeze %dma_start3A_6 : memref<1x80x256xi32, #tpu.memory_space<hbm>> -> memref<80x256xi32, #tpu.memory_space<hbm>>
      %dma_start3A_8 = arith.constant 0 : i32
      %dma_start3A_9 = arith.constant 0 : i32
      %dma_start3A_10 = tpu.memref_slice %arg4[%arg1, %dma_start3A_8, %dma_start3A_9] : memref<16x80x256xi32, #tpu.memory_space<hbm>> -> memref<1x80x256xi32, #tpu.memory_space<hbm>>
      %dma_start3A_11 = tpu.memref_squeeze %dma_start3A_10 : memref<1x80x256xi32, #tpu.memory_space<hbm>> -> memref<80x256xi32, #tpu.memory_space<hbm>>
      tpu.enqueue_dma source(%dma_start3A_11 : memref<80x256xi32, #tpu.memory_space<hbm>>) target(%arg8 : memref<80x256xi32, #tpu.memory_space<vmem>>) target_semaphore(%run_scoped3A : memref<!tpu.dma_semaphore, #tpu.memory_space<semaphore_mem>>)
      %dma_wait3A = arith.constant 0 : i32
      %dma_wait3A_12 = arith.constant 0 : i32
      %dma_wait3A_13 = tpu.memref_slice %arg4[%arg1, %dma_wait3A, %dma_wait3A_12] : memref<16x80x256xi32, #tpu.memory_space<hbm>> -> memref<1x80x256xi32, #tpu.memory_space<hbm>>
      %dma_wait3A_14 = tpu.memref_squeeze %dma_wait3A_13 : memref<1x80x256xi32, #tpu.memory_space<hbm>> -> memref<80x256xi32, #tpu.memory_space<hbm>>
      %dma_wait3A_15 = arith.constant 0 : i32
      %dma_wait3A_16 = arith.constant 0 : i32
      %dma_wait3A_17 = tpu.memref_slice %arg4[%arg1, %dma_wait3A_15, %dma_wait3A_16] : memref<16x80x256xi32, #tpu.memory_space<hbm>> -> memref<1x80x256xi32, #tpu.memory_space<hbm>>
      %dma_wait3A_18 = tpu.memref_squeeze %dma_wait3A_17 : memref<1x80x256xi32, #tpu.memory_space<hbm>> -> memref<80x256xi32, #tpu.memory_space<hbm>>
      tpu.wait_dma2 semaphore(%run_scoped3A : memref<!tpu.dma_semaphore, #tpu.memory_space<semaphore_mem>>) src(%dma_wait3A_18 : memref<80x256xi32, #tpu.memory_space<hbm>>) dst(%arg8 : memref<80x256xi32, #tpu.memory_space<vmem>>)
      tpu.yield
    }) : () -> ()
    %mul3A = arith.constant 632 : i32
    %mul3A_0 = arith.muli %arg1, %mul3A : i32
    %scan3A = arith.constant 0 : i32
    %scan3A_1 = arith.constant 2 : i32
    %scan3A_2 = arith.addi %scan3A, %scan3A_1 : i32
    %scan3A_3 = arith.constant 1 : i32
    scf.for %scan3A_5 = %scan3A to %scan3A_2 step %scan3A_3  : i32 {
      %mul3A_6 = arith.constant 1 : i32
      %mul3A_7 = arith.muli %scan3A_5, %mul3A_6 : i32
      %add3A = arith.constant 0 : i32
      %add3A_8 = arith.addi %add3A, %mul3A_7 : i32
      %mul3A_9 = arith.constant 2 : i32
      %mul3A_10 = arith.muli %mul3A_9, %arg0 : i32
      %add3A_11 = arith.addi %mul3A_10, %add3A_8 : i32
      %mul3A_12 = arith.constant 16 : i32
      %mul3A_13 = arith.muli %mul3A_12, %add3A_11 : i32
      "tpu.region"() ({
        %run_scoped3A = tpu.sem_alloc : memref<!tpu.dma_semaphore, #tpu.memory_space<semaphore_mem>>
        %dma_start3A_84 = arith.constant 0 : i32
        %dma_start3A_85 = tpu.memref_slice %arg17[%mul3A_0, %dma_start3A_84] : memref<10112x16xf32, #tpu.memory_space<vmem_shared>> -> memref<520x16xf32, #tpu.memory_space<vmem_shared>>
        %dma_start3A_86 = tpu.memref_slice %arg2[%mul3A_0, %mul3A_13] : memref<10000x128xf32, #tpu.memory_space<hbm>> -> memref<520x16xf32, #tpu.memory_space<hbm>>
        tpu.enqueue_dma source(%dma_start3A_86 : memref<520x16xf32, #tpu.memory_space<hbm>>) target(%dma_start3A_85 : memref<520x16xf32, #tpu.memory_space<vmem_shared>>) target_semaphore(%run_scoped3A : memref<!tpu.dma_semaphore, #tpu.memory_space<semaphore_mem>>)
        %dma_wait3A = arith.constant 0 : i32
        %dma_wait3A_87 = tpu.memref_slice %arg17[%mul3A_0, %dma_wait3A] : memref<10112x16xf32, #tpu.memory_space<vmem_shared>> -> memref<520x16xf32, #tpu.memory_space<vmem_shared>>
        %dma_wait3A_88 = tpu.memref_slice %arg2[%mul3A_0, %mul3A_13] : memref<10000x128xf32, #tpu.memory_space<hbm>> -> memref<520x16xf32, #tpu.memory_space<hbm>>
        tpu.wait_dma2 semaphore(%run_scoped3A : memref<!tpu.dma_semaphore, #tpu.memory_space<semaphore_mem>>) src(%dma_wait3A_88 : memref<520x16xf32, #tpu.memory_space<hbm>>) dst(%dma_wait3A_87 : memref<520x16xf32, #tpu.memory_space<vmem_shared>>)
        tpu.yield
      }) : () -> ()
      %lt3A = arith.constant 15 : i32
      %lt3A_14 = arith.cmpi slt, %arg1, %lt3A : i32
      %convert_element_type3A = arith.extui %lt3A_14 : i1 to i32
      %cond3A = arith.constant 0 : i32
      %cond3A_15 = arith.cmpi ne, %convert_element_type3A, %cond3A : i32
      scf.if %cond3A_15 {
        %add3A_84 = arith.constant 520 : i32
        %add3A_85 = arith.addi %mul3A_0, %add3A_84 : i32
        %add3A_86 = arith.constant 520 : i32
        %add3A_87 = arith.addi %mul3A_0, %add3A_86 : i32
        "tpu.region"() ({
          %run_scoped3A = tpu.sem_alloc : memref<!tpu.dma_semaphore, #tpu.memory_space<semaphore_mem>>
          %dma_start3A_88 = arith.constant 0 : i32
          %dma_start3A_89 = tpu.memref_slice %arg17[%add3A_87, %dma_start3A_88] : memref<10112x16xf32, #tpu.memory_space<vmem_shared>> -> memref<112x16xf32, #tpu.memory_space<vmem_shared>>
          %dma_start3A_90 = tpu.memref_slice %arg2[%add3A_85, %mul3A_13] : memref<10000x128xf32, #tpu.memory_space<hbm>> -> memref<112x16xf32, #tpu.memory_space<hbm>>
          tpu.enqueue_dma source(%dma_start3A_90 : memref<112x16xf32, #tpu.memory_space<hbm>>) target(%dma_start3A_89 : memref<112x16xf32, #tpu.memory_space<vmem_shared>>) target_semaphore(%run_scoped3A : memref<!tpu.dma_semaphore, #tpu.memory_space<semaphore_mem>>)
          %dma_wait3A = arith.constant 0 : i32
          %dma_wait3A_91 = tpu.memref_slice %arg17[%add3A_87, %dma_wait3A] : memref<10112x16xf32, #tpu.memory_space<vmem_shared>> -> memref<112x16xf32, #tpu.memory_space<vmem_shared>>
          %dma_wait3A_92 = tpu.memref_slice %arg2[%add3A_85, %mul3A_13] : memref<10000x128xf32, #tpu.memory_space<hbm>> -> memref<112x16xf32, #tpu.memory_space<hbm>>
          tpu.wait_dma2 semaphore(%run_scoped3A : memref<!tpu.dma_semaphore, #tpu.memory_space<semaphore_mem>>) src(%dma_wait3A_92 : memref<112x16xf32, #tpu.memory_space<hbm>>) dst(%dma_wait3A_91 : memref<112x16xf32, #tpu.memory_space<vmem_shared>>)
          tpu.yield
        }) : () -> ()
      } else {
      }
      "tpu.region"() ({
        %run_scoped3A = tpu.sem_alloc : memref<!tpu.dma_semaphore, #tpu.memory_space<semaphore_mem>>
        tpu.enqueue_dma source(%arg5 : memref<256x16xf32, #tpu.memory_space<hbm>>) target(%arg9 : memref<256x16xf32, #tpu.memory_space<vmem>>) target_semaphore(%run_scoped3A : memref<!tpu.dma_semaphore, #tpu.memory_space<semaphore_mem>>)
        tpu.wait_dma2 semaphore(%run_scoped3A : memref<!tpu.dma_semaphore, #tpu.memory_space<semaphore_mem>>) src(%arg5 : memref<256x16xf32, #tpu.memory_space<hbm>>) dst(%arg9 : memref<256x16xf32, #tpu.memory_space<vmem>>)
        tpu.yield
      }) : () -> ()
      %scan3A_16 = arith.constant 0 : i32
      %scan3A_17 = arith.constant 2 : i32
      %scan3A_18 = arith.addi %scan3A_16, %scan3A_17 : i32
      %scan3A_19 = arith.constant 1 : i32
      scf.for %scan3A_84 = %scan3A_16 to %scan3A_18 step %scan3A_19  : i32 {
        %mul3A_85 = arith.constant 1 : i32
        %mul3A_86 = arith.muli %scan3A_84, %mul3A_85 : i32
        %add3A_87 = arith.constant 0 : i32
        %add3A_88 = arith.addi %add3A_87, %mul3A_86 : i32
        %mul3A_89 = arith.constant 256 : i32
        %mul3A_90 = arith.muli %add3A_88, %mul3A_89 : i32
        %add3A_91 = arith.addi %mul3A_0, %mul3A_90 : i32
        "tpu.region"() ({
          %run_scoped3A = tpu.sem_alloc : memref<!tpu.dma_semaphore, #tpu.memory_space<semaphore_mem>>
          %dma_start3A_92 = arith.constant 0 : i32
          %dma_start3A_93 = tpu.memref_slice %arg18[%add3A_91, %dma_start3A_92] : memref<10112x16xf32, #tpu.memory_space<vmem_shared>> -> memref<256x16xf32, #tpu.memory_space<vmem_shared>>
          %dma_start3A_94 = arith.constant 0 : i32
          %dma_start3A_95 = tpu.memref_slice %arg18[%add3A_91, %dma_start3A_94] : memref<10112x16xf32, #tpu.memory_space<vmem_shared>> -> memref<256x16xf32, #tpu.memory_space<vmem_shared>>
          tpu.enqueue_dma source(%arg9 : memref<256x16xf32, #tpu.memory_space<vmem>>) target(%dma_start3A_95 : memref<256x16xf32, #tpu.memory_space<vmem_shared>>) target_semaphore(%run_scoped3A : memref<!tpu.dma_semaphore, #tpu.memory_space<semaphore_mem>>)
          %dma_wait3A = arith.constant 0 : i32
          %dma_wait3A_96 = tpu.memref_slice %arg18[%add3A_91, %dma_wait3A] : memref<10112x16xf32, #tpu.memory_space<vmem_shared>> -> memref<256x16xf32, #tpu.memory_space<vmem_shared>>
          %dma_wait3A_97 = arith.constant 0 : i32
          %dma_wait3A_98 = tpu.memref_slice %arg18[%add3A_91, %dma_wait3A_97] : memref<10112x16xf32, #tpu.memory_space<vmem_shared>> -> memref<256x16xf32, #tpu.memory_space<vmem_shared>>
          tpu.wait_dma2 semaphore(%run_scoped3A : memref<!tpu.dma_semaphore, #tpu.memory_space<semaphore_mem>>) src(%arg9 : memref<256x16xf32, #tpu.memory_space<vmem>>) dst(%dma_wait3A_98 : memref<256x16xf32, #tpu.memory_space<vmem_shared>>)
          tpu.yield
        }) : () -> ()
      }
      %scan3A_20 = arith.constant 2 : i32
      %add3A_21 = arith.constant 512 : i32
      %add3A_22 = arith.addi %mul3A_0, %add3A_21 : i32
      "tpu.region"() ({
        %run_scoped3A = tpu.sem_alloc : memref<!tpu.dma_semaphore, #tpu.memory_space<semaphore_mem>>
        %dma_start3A_84 = arith.constant 0 : i32
        %dma_start3A_85 = arith.constant 0 : i32
        %dma_start3A_86 = tpu.memref_slice %arg9[%dma_start3A_84, %dma_start3A_85] : memref<256x16xf32, #tpu.memory_space<vmem>> -> memref<120x16xf32, #tpu.memory_space<vmem>>
        %dma_start3A_87 = arith.constant 0 : i32
        %dma_start3A_88 = tpu.memref_slice %arg18[%add3A_22, %dma_start3A_87] : memref<10112x16xf32, #tpu.memory_space<vmem_shared>> -> memref<120x16xf32, #tpu.memory_space<vmem_shared>>
        %dma_start3A_89 = arith.constant 0 : i32
        %dma_start3A_90 = tpu.memref_slice %arg18[%add3A_22, %dma_start3A_89] : memref<10112x16xf32, #tpu.memory_space<vmem_shared>> -> memref<120x16xf32, #tpu.memory_space<vmem_shared>>
        %dma_start3A_91 = arith.constant 0 : i32
        %dma_start3A_92 = arith.constant 0 : i32
        %dma_start3A_93 = tpu.memref_slice %arg9[%dma_start3A_91, %dma_start3A_92] : memref<256x16xf32, #tpu.memory_space<vmem>> -> memref<120x16xf32, #tpu.memory_space<vmem>>
        tpu.enqueue_dma source(%dma_start3A_93 : memref<120x16xf32, #tpu.memory_space<vmem>>) target(%dma_start3A_90 : memref<120x16xf32, #tpu.memory_space<vmem_shared>>) target_semaphore(%run_scoped3A : memref<!tpu.dma_semaphore, #tpu.memory_space<semaphore_mem>>)
        %dma_wait3A = arith.constant 0 : i32
        %dma_wait3A_94 = arith.constant 0 : i32
        %dma_wait3A_95 = tpu.memref_slice %arg9[%dma_wait3A, %dma_wait3A_94] : memref<256x16xf32, #tpu.memory_space<vmem>> -> memref<120x16xf32, #tpu.memory_space<vmem>>
        %dma_wait3A_96 = arith.constant 0 : i32
        %dma_wait3A_97 = tpu.memref_slice %arg18[%add3A_22, %dma_wait3A_96] : memref<10112x16xf32, #tpu.memory_space<vmem_shared>> -> memref<120x16xf32, #tpu.memory_space<vmem_shared>>
        %dma_wait3A_98 = arith.constant 0 : i32
        %dma_wait3A_99 = tpu.memref_slice %arg18[%add3A_22, %dma_wait3A_98] : memref<10112x16xf32, #tpu.memory_space<vmem_shared>> -> memref<120x16xf32, #tpu.memory_space<vmem_shared>>
        %dma_wait3A_100 = arith.constant 0 : i32
        %dma_wait3A_101 = arith.constant 0 : i32
        %dma_wait3A_102 = tpu.memref_slice %arg9[%dma_wait3A_100, %dma_wait3A_101] : memref<256x16xf32, #tpu.memory_space<vmem>> -> memref<120x16xf32, #tpu.memory_space<vmem>>
        tpu.wait_dma2 semaphore(%run_scoped3A : memref<!tpu.dma_semaphore, #tpu.memory_space<semaphore_mem>>) src(%dma_wait3A_102 : memref<120x16xf32, #tpu.memory_space<vmem>>) dst(%dma_wait3A_99 : memref<120x16xf32, #tpu.memory_space<vmem_shared>>)
        tpu.yield
      }) : () -> ()
      %barrier3A = arith.constant 0 : index
      tpu.barrier barrier_id(%barrier3A)
      %dma_start3A = arith.constant 0 : i32
      %dma_start3A_23 = arith.constant 0 : i32
      %dma_start3A_24 = tpu.memref_slice %arg7[%dma_start3A, %dma_start3A_23] : memref<80x256xi32, #tpu.memory_space<vmem>> -> memref<1x256xi32, #tpu.memory_space<vmem>>
      %dma_start3A_25 = tpu.memref_squeeze %dma_start3A_24 : memref<1x256xi32, #tpu.memory_space<vmem>> -> memref<256xi32, #tpu.memory_space<vmem>>
      %dma_start3A_26 = arith.constant 0 : i32
      %dma_start3A_27 = arith.constant 0 : i32
      %dma_start3A_28 = tpu.memref_slice %arg17[%dma_start3A_26, %dma_start3A_27] : memref<10112x16xf32, #tpu.memory_space<vmem_shared>> -> memref<10112x16xf32, #tpu.memory_space<vmem_shared>>
      tpu.enqueue_indirect_dma source(%dma_start3A_28 : memref<10112x16xf32, #tpu.memory_space<vmem_shared>>) target(%arg9 : memref<256x16xf32, #tpu.memory_space<vmem>>) offsets(%dma_start3A_25 : memref<256xi32, #tpu.memory_space<vmem>>) semaphore(%arg19 : memref<!tpu.dma_semaphore, #tpu.memory_space<semaphore_mem>>)
      %dma_start3A_29 = arith.constant 1 : i32
      %dma_start3A_30 = arith.constant 0 : i32
      %dma_start3A_31 = tpu.memref_slice %arg7[%dma_start3A_29, %dma_start3A_30] : memref<80x256xi32, #tpu.memory_space<vmem>> -> memref<1x256xi32, #tpu.memory_space<vmem>>
      %dma_start3A_32 = tpu.memref_squeeze %dma_start3A_31 : memref<1x256xi32, #tpu.memory_space<vmem>> -> memref<256xi32, #tpu.memory_space<vmem>>
      %dma_start3A_33 = arith.constant 0 : i32
      %dma_start3A_34 = arith.constant 0 : i32
      %dma_start3A_35 = tpu.memref_slice %arg17[%dma_start3A_33, %dma_start3A_34] : memref<10112x16xf32, #tpu.memory_space<vmem_shared>> -> memref<10112x16xf32, #tpu.memory_space<vmem_shared>>
      tpu.enqueue_indirect_dma source(%dma_start3A_35 : memref<10112x16xf32, #tpu.memory_space<vmem_shared>>) target(%arg10 : memref<256x16xf32, #tpu.memory_space<vmem>>) offsets(%dma_start3A_32 : memref<256xi32, #tpu.memory_space<vmem>>) semaphore(%arg19 : memref<!tpu.dma_semaphore, #tpu.memory_space<semaphore_mem>>)
      %dma_start3A_36 = arith.constant 2 : i32
      %dma_start3A_37 = arith.constant 0 : i32
      %dma_start3A_38 = tpu.memref_slice %arg7[%dma_start3A_36, %dma_start3A_37] : memref<80x256xi32, #tpu.memory_space<vmem>> -> memref<1x256xi32, #tpu.memory_space<vmem>>
      %dma_start3A_39 = tpu.memref_squeeze %dma_start3A_38 : memref<1x256xi32, #tpu.memory_space<vmem>> -> memref<256xi32, #tpu.memory_space<vmem>>
      %dma_start3A_40 = arith.constant 0 : i32
      %dma_start3A_41 = arith.constant 0 : i32
      %dma_start3A_42 = tpu.memref_slice %arg17[%dma_start3A_40, %dma_start3A_41] : memref<10112x16xf32, #tpu.memory_space<vmem_shared>> -> memref<10112x16xf32, #tpu.memory_space<vmem_shared>>
      tpu.enqueue_indirect_dma source(%dma_start3A_42 : memref<10112x16xf32, #tpu.memory_space<vmem_shared>>) target(%arg11 : memref<256x16xf32, #tpu.memory_space<vmem>>) offsets(%dma_start3A_39 : memref<256xi32, #tpu.memory_space<vmem>>) semaphore(%arg19 : memref<!tpu.dma_semaphore, #tpu.memory_space<semaphore_mem>>)
      %dma_start3A_43 = arith.constant 3 : i32
      %dma_start3A_44 = arith.constant 0 : i32
      %dma_start3A_45 = tpu.memref_slice %arg7[%dma_start3A_43, %dma_start3A_44] : memref<80x256xi32, #tpu.memory_space<vmem>> -> memref<1x256xi32, #tpu.memory_space<vmem>>
      %dma_start3A_46 = tpu.memref_squeeze %dma_start3A_45 : memref<1x256xi32, #tpu.memory_space<vmem>> -> memref<256xi32, #tpu.memory_space<vmem>>
      %dma_start3A_47 = arith.constant 0 : i32
      %dma_start3A_48 = arith.constant 0 : i32
      %dma_start3A_49 = tpu.memref_slice %arg17[%dma_start3A_47, %dma_start3A_48] : memref<10112x16xf32, #tpu.memory_space<vmem_shared>> -> memref<10112x16xf32, #tpu.memory_space<vmem_shared>>
      tpu.enqueue_indirect_dma source(%dma_start3A_49 : memref<10112x16xf32, #tpu.memory_space<vmem_shared>>) target(%arg12 : memref<256x16xf32, #tpu.memory_space<vmem>>) offsets(%dma_start3A_46 : memref<256xi32, #tpu.memory_space<vmem>>) semaphore(%arg19 : memref<!tpu.dma_semaphore, #tpu.memory_space<semaphore_mem>>)
      %dma_start3A_50 = arith.constant 4 : i32
      %dma_start3A_51 = arith.constant 0 : i32
      %dma_start3A_52 = tpu.memref_slice %arg7[%dma_start3A_50, %dma_start3A_51] : memref<80x256xi32, #tpu.memory_space<vmem>> -> memref<1x256xi32, #tpu.memory_space<vmem>>
      %dma_start3A_53 = tpu.memref_squeeze %dma_start3A_52 : memref<1x256xi32, #tpu.memory_space<vmem>> -> memref<256xi32, #tpu.memory_space<vmem>>
      %dma_start3A_54 = arith.constant 0 : i32
      %dma_start3A_55 = arith.constant 0 : i32
      %dma_start3A_56 = tpu.memref_slice %arg17[%dma_start3A_54, %dma_start3A_55] : memref<10112x16xf32, #tpu.memory_space<vmem_shared>> -> memref<10112x16xf32, #tpu.memory_space<vmem_shared>>
      tpu.enqueue_indirect_dma source(%dma_start3A_56 : memref<10112x16xf32, #tpu.memory_space<vmem_shared>>) target(%arg13 : memref<256x16xf32, #tpu.memory_space<vmem>>) offsets(%dma_start3A_53 : memref<256xi32, #tpu.memory_space<vmem>>) semaphore(%arg19 : memref<!tpu.dma_semaphore, #tpu.memory_space<semaphore_mem>>)
      %dma_start3A_57 = arith.constant 5 : i32
      %dma_start3A_58 = arith.constant 0 : i32
      %dma_start3A_59 = tpu.memref_slice %arg7[%dma_start3A_57, %dma_start3A_58] : memref<80x256xi32, #tpu.memory_space<vmem>> -> memref<1x256xi32, #tpu.memory_space<vmem>>
      %dma_start3A_60 = tpu.memref_squeeze %dma_start3A_59 : memref<1x256xi32, #tpu.memory_space<vmem>> -> memref<256xi32, #tpu.memory_space<vmem>>
      %dma_start3A_61 = arith.constant 0 : i32
      %dma_start3A_62 = arith.constant 0 : i32
      %dma_start3A_63 = tpu.memref_slice %arg17[%dma_start3A_61, %dma_start3A_62] : memref<10112x16xf32, #tpu.memory_space<vmem_shared>> -> memref<10112x16xf32, #tpu.memory_space<vmem_shared>>
      tpu.enqueue_indirect_dma source(%dma_start3A_63 : memref<10112x16xf32, #tpu.memory_space<vmem_shared>>) target(%arg14 : memref<256x16xf32, #tpu.memory_space<vmem>>) offsets(%dma_start3A_60 : memref<256xi32, #tpu.memory_space<vmem>>) semaphore(%arg19 : memref<!tpu.dma_semaphore, #tpu.memory_space<semaphore_mem>>)
      %dma_start3A_64 = arith.constant 6 : i32
      %dma_start3A_65 = arith.constant 0 : i32
      %dma_start3A_66 = tpu.memref_slice %arg7[%dma_start3A_64, %dma_start3A_65] : memref<80x256xi32, #tpu.memory_space<vmem>> -> memref<1x256xi32, #tpu.memory_space<vmem>>
      %dma_start3A_67 = tpu.memref_squeeze %dma_start3A_66 : memref<1x256xi32, #tpu.memory_space<vmem>> -> memref<256xi32, #tpu.memory_space<vmem>>
      %dma_start3A_68 = arith.constant 0 : i32
      %dma_start3A_69 = arith.constant 0 : i32
      %dma_start3A_70 = tpu.memref_slice %arg17[%dma_start3A_68, %dma_start3A_69] : memref<10112x16xf32, #tpu.memory_space<vmem_shared>> -> memref<10112x16xf32, #tpu.memory_space<vmem_shared>>
      tpu.enqueue_indirect_dma source(%dma_start3A_70 : memref<10112x16xf32, #tpu.memory_space<vmem_shared>>) target(%arg15 : memref<256x16xf32, #tpu.memory_space<vmem>>) offsets(%dma_start3A_67 : memref<256xi32, #tpu.memory_space<vmem>>) semaphore(%arg19 : memref<!tpu.dma_semaphore, #tpu.memory_space<semaphore_mem>>)
      %dma_start3A_71 = arith.constant 7 : i32
      %dma_start3A_72 = arith.constant 0 : i32
      %dma_start3A_73 = tpu.memref_slice %arg7[%dma_start3A_71, %dma_start3A_72] : memref<80x256xi32, #tpu.memory_space<vmem>> -> memref<1x256xi32, #tpu.memory_space<vmem>>
      %dma_start3A_74 = tpu.memref_squeeze %dma_start3A_73 : memref<1x256xi32, #tpu.memory_space<vmem>> -> memref<256xi32, #tpu.memory_space<vmem>>
      %dma_start3A_75 = arith.constant 0 : i32
      %dma_start3A_76 = arith.constant 0 : i32
      %dma_start3A_77 = tpu.memref_slice %arg17[%dma_start3A_75, %dma_start3A_76] : memref<10112x16xf32, #tpu.memory_space<vmem_shared>> -> memref<10112x16xf32, #tpu.memory_space<vmem_shared>>
      tpu.enqueue_indirect_dma source(%dma_start3A_77 : memref<10112x16xf32, #tpu.memory_space<vmem_shared>>) target(%arg16 : memref<256x16xf32, #tpu.memory_space<vmem>>) offsets(%dma_start3A_74 : memref<256xi32, #tpu.memory_space<vmem>>) semaphore(%arg19 : memref<!tpu.dma_semaphore, #tpu.memory_space<semaphore_mem>>)
      %scan3A_78 = arith.constant 0 : i32
      %scan3A_79 = arith.constant 10 : i32
      %scan3A_80 = arith.addi %scan3A_78, %scan3A_79 : i32
      %scan3A_81 = arith.constant 1 : i32
      scf.for %scan3A_84 = %scan3A_78 to %scan3A_80 step %scan3A_81  : i32 {
        %mul3A_85 = arith.constant 1 : i32
        %mul3A_86 = arith.muli %scan3A_84, %mul3A_85 : i32
        %add3A_87 = arith.constant 0 : i32
        %add3A_88 = arith.addi %add3A_87, %mul3A_86 : i32
        %mul3A_89 = arith.constant 8 : i32
        %mul3A_90 = arith.muli %mul3A_89, %add3A_88 : i32
        %add3A_91 = arith.constant 0 : i32
        %add3A_92 = arith.addi %mul3A_90, %add3A_91 : i32
        %add3A_93 = arith.constant 0 : i32
        %add3A_94 = arith.addi %add3A_92, %add3A_93 : i32
        %dma_wait3A = arith.constant 0 : i32
        %dma_wait3A_95 = tpu.memref_slice %arg7[%add3A_94, %dma_wait3A] : memref<80x256xi32, #tpu.memory_space<vmem>> -> memref<1x256xi32, #tpu.memory_space<vmem>>
        %dma_wait3A_96 = tpu.memref_squeeze %dma_wait3A_95 : memref<1x256xi32, #tpu.memory_space<vmem>> -> memref<256xi32, #tpu.memory_space<vmem>>
        %dma_wait3A_97 = arith.constant 0 : i32
        %dma_wait3A_98 = arith.constant 0 : i32
        %dma_wait3A_99 = tpu.memref_slice %arg17[%dma_wait3A_97, %dma_wait3A_98] : memref<10112x16xf32, #tpu.memory_space<vmem_shared>> -> memref<10112x16xf32, #tpu.memory_space<vmem_shared>>
        tpu.wait_indirect_dma semaphore(%arg19 : memref<!tpu.dma_semaphore, #tpu.memory_space<semaphore_mem>>) src(%dma_wait3A_99 : memref<10112x16xf32, #tpu.memory_space<vmem_shared>>) dst(%arg9 : memref<256x16xf32, #tpu.memory_space<vmem>>)
        %add3A_100 = arith.constant 1 : i32
        %add3A_101 = arith.addi %add3A_92, %add3A_100 : i32
        %dma_wait3A_102 = arith.constant 0 : i32
        %dma_wait3A_103 = tpu.memref_slice %arg7[%add3A_101, %dma_wait3A_102] : memref<80x256xi32, #tpu.memory_space<vmem>> -> memref<1x256xi32, #tpu.memory_space<vmem>>
        %dma_wait3A_104 = tpu.memref_squeeze %dma_wait3A_103 : memref<1x256xi32, #tpu.memory_space<vmem>> -> memref<256xi32, #tpu.memory_space<vmem>>
        %dma_wait3A_105 = arith.constant 0 : i32
        %dma_wait3A_106 = arith.constant 0 : i32
        %dma_wait3A_107 = tpu.memref_slice %arg17[%dma_wait3A_105, %dma_wait3A_106] : memref<10112x16xf32, #tpu.memory_space<vmem_shared>> -> memref<10112x16xf32, #tpu.memory_space<vmem_shared>>
        tpu.wait_indirect_dma semaphore(%arg19 : memref<!tpu.dma_semaphore, #tpu.memory_space<semaphore_mem>>) src(%dma_wait3A_107 : memref<10112x16xf32, #tpu.memory_space<vmem_shared>>) dst(%arg10 : memref<256x16xf32, #tpu.memory_space<vmem>>)
        %add3A_108 = arith.constant 2 : i32
        %add3A_109 = arith.addi %add3A_92, %add3A_108 : i32
        %dma_wait3A_110 = arith.constant 0 : i32
        %dma_wait3A_111 = tpu.memref_slice %arg7[%add3A_109, %dma_wait3A_110] : memref<80x256xi32, #tpu.memory_space<vmem>> -> memref<1x256xi32, #tpu.memory_space<vmem>>
        %dma_wait3A_112 = tpu.memref_squeeze %dma_wait3A_111 : memref<1x256xi32, #tpu.memory_space<vmem>> -> memref<256xi32, #tpu.memory_space<vmem>>
        %dma_wait3A_113 = arith.constant 0 : i32
        %dma_wait3A_114 = arith.constant 0 : i32
        %dma_wait3A_115 = tpu.memref_slice %arg17[%dma_wait3A_113, %dma_wait3A_114] : memref<10112x16xf32, #tpu.memory_space<vmem_shared>> -> memref<10112x16xf32, #tpu.memory_space<vmem_shared>>
        tpu.wait_indirect_dma semaphore(%arg19 : memref<!tpu.dma_semaphore, #tpu.memory_space<semaphore_mem>>) src(%dma_wait3A_115 : memref<10112x16xf32, #tpu.memory_space<vmem_shared>>) dst(%arg11 : memref<256x16xf32, #tpu.memory_space<vmem>>)
        %add3A_116 = arith.constant 3 : i32
        %add3A_117 = arith.addi %add3A_92, %add3A_116 : i32
        %dma_wait3A_118 = arith.constant 0 : i32
        %dma_wait3A_119 = tpu.memref_slice %arg7[%add3A_117, %dma_wait3A_118] : memref<80x256xi32, #tpu.memory_space<vmem>> -> memref<1x256xi32, #tpu.memory_space<vmem>>
        %dma_wait3A_120 = tpu.memref_squeeze %dma_wait3A_119 : memref<1x256xi32, #tpu.memory_space<vmem>> -> memref<256xi32, #tpu.memory_space<vmem>>
        %dma_wait3A_121 = arith.constant 0 : i32
        %dma_wait3A_122 = arith.constant 0 : i32
        %dma_wait3A_123 = tpu.memref_slice %arg17[%dma_wait3A_121, %dma_wait3A_122] : memref<10112x16xf32, #tpu.memory_space<vmem_shared>> -> memref<10112x16xf32, #tpu.memory_space<vmem_shared>>
        tpu.wait_indirect_dma semaphore(%arg19 : memref<!tpu.dma_semaphore, #tpu.memory_space<semaphore_mem>>) src(%dma_wait3A_123 : memref<10112x16xf32, #tpu.memory_space<vmem_shared>>) dst(%arg12 : memref<256x16xf32, #tpu.memory_space<vmem>>)
        %add3A_124 = arith.constant 0 : i32
        %add3A_125 = arith.addi %add3A_92, %add3A_124 : i32
        %dma_start3A_126 = arith.constant 0 : i32
        %dma_start3A_127 = tpu.memref_slice %arg8[%add3A_125, %dma_start3A_126] : memref<80x256xi32, #tpu.memory_space<vmem>> -> memref<1x256xi32, #tpu.memory_space<vmem>>
        %dma_start3A_128 = tpu.memref_squeeze %dma_start3A_127 : memref<1x256xi32, #tpu.memory_space<vmem>> -> memref<256xi32, #tpu.memory_space<vmem>>
        %dma_start3A_129 = arith.constant 0 : i32
        %dma_start3A_130 = arith.constant 0 : i32
        %dma_start3A_131 = tpu.memref_slice %arg18[%dma_start3A_129, %dma_start3A_130] : memref<10112x16xf32, #tpu.memory_space<vmem_shared>> -> memref<10112x16xf32, #tpu.memory_space<vmem_shared>>
        tpu.enqueue_indirect_dma source(%arg9 : memref<256x16xf32, #tpu.memory_space<vmem>>) target(%dma_start3A_131 : memref<10112x16xf32, #tpu.memory_space<vmem_shared>>) offsets(%dma_start3A_128 : memref<256xi32, #tpu.memory_space<vmem>>) semaphore(%arg20 : memref<!tpu.dma_semaphore, #tpu.memory_space<semaphore_mem>>) {add = true}
        %add3A_132 = arith.constant 1 : i32
        %add3A_133 = arith.addi %add3A_92, %add3A_132 : i32
        %dma_start3A_134 = arith.constant 0 : i32
        %dma_start3A_135 = tpu.memref_slice %arg8[%add3A_133, %dma_start3A_134] : memref<80x256xi32, #tpu.memory_space<vmem>> -> memref<1x256xi32, #tpu.memory_space<vmem>>
        %dma_start3A_136 = tpu.memref_squeeze %dma_start3A_135 : memref<1x256xi32, #tpu.memory_space<vmem>> -> memref<256xi32, #tpu.memory_space<vmem>>
        %dma_start3A_137 = arith.constant 0 : i32
        %dma_start3A_138 = arith.constant 0 : i32
        %dma_start3A_139 = tpu.memref_slice %arg18[%dma_start3A_137, %dma_start3A_138] : memref<10112x16xf32, #tpu.memory_space<vmem_shared>> -> memref<10112x16xf32, #tpu.memory_space<vmem_shared>>
        tpu.enqueue_indirect_dma source(%arg10 : memref<256x16xf32, #tpu.memory_space<vmem>>) target(%dma_start3A_139 : memref<10112x16xf32, #tpu.memory_space<vmem_shared>>) offsets(%dma_start3A_136 : memref<256xi32, #tpu.memory_space<vmem>>) semaphore(%arg20 : memref<!tpu.dma_semaphore, #tpu.memory_space<semaphore_mem>>) {add = true}
        %add3A_140 = arith.constant 2 : i32
        %add3A_141 = arith.addi %add3A_92, %add3A_140 : i32
        %dma_start3A_142 = arith.constant 0 : i32
        %dma_start3A_143 = tpu.memref_slice %arg8[%add3A_141, %dma_start3A_142] : memref<80x256xi32, #tpu.memory_space<vmem>> -> memref<1x256xi32, #tpu.memory_space<vmem>>
        %dma_start3A_144 = tpu.memref_squeeze %dma_start3A_143 : memref<1x256xi32, #tpu.memory_space<vmem>> -> memref<256xi32, #tpu.memory_space<vmem>>
        %dma_start3A_145 = arith.constant 0 : i32
        %dma_start3A_146 = arith.constant 0 : i32
        %dma_start3A_147 = tpu.memref_slice %arg18[%dma_start3A_145, %dma_start3A_146] : memref<10112x16xf32, #tpu.memory_space<vmem_shared>> -> memref<10112x16xf32, #tpu.memory_space<vmem_shared>>
        tpu.enqueue_indirect_dma source(%arg11 : memref<256x16xf32, #tpu.memory_space<vmem>>) target(%dma_start3A_147 : memref<10112x16xf32, #tpu.memory_space<vmem_shared>>) offsets(%dma_start3A_144 : memref<256xi32, #tpu.memory_space<vmem>>) semaphore(%arg20 : memref<!tpu.dma_semaphore, #tpu.memory_space<semaphore_mem>>) {add = true}
        %add3A_148 = arith.constant 3 : i32
        %add3A_149 = arith.addi %add3A_92, %add3A_148 : i32
        %dma_start3A_150 = arith.constant 0 : i32
        %dma_start3A_151 = tpu.memref_slice %arg8[%add3A_149, %dma_start3A_150] : memref<80x256xi32, #tpu.memory_space<vmem>> -> memref<1x256xi32, #tpu.memory_space<vmem>>
        %dma_start3A_152 = tpu.memref_squeeze %dma_start3A_151 : memref<1x256xi32, #tpu.memory_space<vmem>> -> memref<256xi32, #tpu.memory_space<vmem>>
        %dma_start3A_153 = arith.constant 0 : i32
        %dma_start3A_154 = arith.constant 0 : i32
        %dma_start3A_155 = tpu.memref_slice %arg18[%dma_start3A_153, %dma_start3A_154] : memref<10112x16xf32, #tpu.memory_space<vmem_shared>> -> memref<10112x16xf32, #tpu.memory_space<vmem_shared>>
        tpu.enqueue_indirect_dma source(%arg12 : memref<256x16xf32, #tpu.memory_space<vmem>>) target(%dma_start3A_155 : memref<10112x16xf32, #tpu.memory_space<vmem_shared>>) offsets(%dma_start3A_152 : memref<256xi32, #tpu.memory_space<vmem>>) semaphore(%arg20 : memref<!tpu.dma_semaphore, #tpu.memory_space<semaphore_mem>>) {add = true}
        %dma_wait3A_156 = arith.constant 0 : i32
        %dma_wait3A_157 = tpu.memref_slice %arg8[%add3A_125, %dma_wait3A_156] : memref<80x256xi32, #tpu.memory_space<vmem>> -> memref<1x256xi32, #tpu.memory_space<vmem>>
        %dma_wait3A_158 = tpu.memref_squeeze %dma_wait3A_157 : memref<1x256xi32, #tpu.memory_space<vmem>> -> memref<256xi32, #tpu.memory_space<vmem>>
        %dma_wait3A_159 = arith.constant 0 : i32
        %dma_wait3A_160 = arith.constant 0 : i32
        %dma_wait3A_161 = tpu.memref_slice %arg18[%dma_wait3A_159, %dma_wait3A_160] : memref<10112x16xf32, #tpu.memory_space<vmem_shared>> -> memref<10112x16xf32, #tpu.memory_space<vmem_shared>>
        tpu.wait_indirect_dma semaphore(%arg20 : memref<!tpu.dma_semaphore, #tpu.memory_space<semaphore_mem>>) src(%arg9 : memref<256x16xf32, #tpu.memory_space<vmem>>) dst(%dma_wait3A_161 : memref<10112x16xf32, #tpu.memory_space<vmem_shared>>)
        %dma_wait3A_162 = arith.constant 0 : i32
        %dma_wait3A_163 = tpu.memref_slice %arg8[%add3A_133, %dma_wait3A_162] : memref<80x256xi32, #tpu.memory_space<vmem>> -> memref<1x256xi32, #tpu.memory_space<vmem>>
        %dma_wait3A_164 = tpu.memref_squeeze %dma_wait3A_163 : memref<1x256xi32, #tpu.memory_space<vmem>> -> memref<256xi32, #tpu.memory_space<vmem>>
        %dma_wait3A_165 = arith.constant 0 : i32
        %dma_wait3A_166 = arith.constant 0 : i32
        %dma_wait3A_167 = tpu.memref_slice %arg18[%dma_wait3A_165, %dma_wait3A_166] : memref<10112x16xf32, #tpu.memory_space<vmem_shared>> -> memref<10112x16xf32, #tpu.memory_space<vmem_shared>>
        tpu.wait_indirect_dma semaphore(%arg20 : memref<!tpu.dma_semaphore, #tpu.memory_space<semaphore_mem>>) src(%arg10 : memref<256x16xf32, #tpu.memory_space<vmem>>) dst(%dma_wait3A_167 : memref<10112x16xf32, #tpu.memory_space<vmem_shared>>)
        %dma_wait3A_168 = arith.constant 0 : i32
        %dma_wait3A_169 = tpu.memref_slice %arg8[%add3A_141, %dma_wait3A_168] : memref<80x256xi32, #tpu.memory_space<vmem>> -> memref<1x256xi32, #tpu.memory_space<vmem>>
        %dma_wait3A_170 = tpu.memref_squeeze %dma_wait3A_169 : memref<1x256xi32, #tpu.memory_space<vmem>> -> memref<256xi32, #tpu.memory_space<vmem>>
        %dma_wait3A_171 = arith.constant 0 : i32
        %dma_wait3A_172 = arith.constant 0 : i32
        %dma_wait3A_173 = tpu.memref_slice %arg18[%dma_wait3A_171, %dma_wait3A_172] : memref<10112x16xf32, #tpu.memory_space<vmem_shared>> -> memref<10112x16xf32, #tpu.memory_space<vmem_shared>>
        tpu.wait_indirect_dma semaphore(%arg20 : memref<!tpu.dma_semaphore, #tpu.memory_space<semaphore_mem>>) src(%arg11 : memref<256x16xf32, #tpu.memory_space<vmem>>) dst(%dma_wait3A_173 : memref<10112x16xf32, #tpu.memory_space<vmem_shared>>)
        %dma_wait3A_174 = arith.constant 0 : i32
        %dma_wait3A_175 = tpu.memref_slice %arg8[%add3A_149, %dma_wait3A_174] : memref<80x256xi32, #tpu.memory_space<vmem>> -> memref<1x256xi32, #tpu.memory_space<vmem>>
        %dma_wait3A_176 = tpu.memref_squeeze %dma_wait3A_175 : memref<1x256xi32, #tpu.memory_space<vmem>> -> memref<256xi32, #tpu.memory_space<vmem>>
        %dma_wait3A_177 = arith.constant 0 : i32
        %dma_wait3A_178 = arith.constant 0 : i32
        %dma_wait3A_179 = tpu.memref_slice %arg18[%dma_wait3A_177, %dma_wait3A_178] : memref<10112x16xf32, #tpu.memory_space<vmem_shared>> -> memref<10112x16xf32, #tpu.memory_space<vmem_shared>>
        tpu.wait_indirect_dma semaphore(%arg20 : memref<!tpu.dma_semaphore, #tpu.memory_space<semaphore_mem>>) src(%arg12 : memref<256x16xf32, #tpu.memory_space<vmem>>) dst(%dma_wait3A_179 : memref<10112x16xf32, #tpu.memory_space<vmem_shared>>)
        %add3A_180 = arith.constant 8 : i32
        %add3A_181 = arith.addi %add3A_92, %add3A_180 : i32
        %lt3A_182 = arith.constant 80 : i32
        %lt3A_183 = arith.cmpi slt, %add3A_181, %lt3A_182 : i32
        %convert_element_type3A_184 = arith.extui %lt3A_183 : i1 to i32
        %cond3A_185 = arith.constant 0 : i32
        %cond3A_186 = arith.cmpi ne, %convert_element_type3A_184, %cond3A_185 : i32
        scf.if %cond3A_186 {
          %add3A_286 = arith.constant 0 : i32
          %add3A_287 = arith.addi %add3A_181, %add3A_286 : i32
          %dma_start3A_288 = arith.constant 0 : i32
          %dma_start3A_289 = tpu.memref_slice %arg7[%add3A_287, %dma_start3A_288] : memref<80x256xi32, #tpu.memory_space<vmem>> -> memref<1x256xi32, #tpu.memory_space<vmem>>
          %dma_start3A_290 = tpu.memref_squeeze %dma_start3A_289 : memref<1x256xi32, #tpu.memory_space<vmem>> -> memref<256xi32, #tpu.memory_space<vmem>>
          %dma_start3A_291 = arith.constant 0 : i32
          %dma_start3A_292 = arith.constant 0 : i32
          %dma_start3A_293 = tpu.memref_slice %arg17[%dma_start3A_291, %dma_start3A_292] : memref<10112x16xf32, #tpu.memory_space<vmem_shared>> -> memref<10112x16xf32, #tpu.memory_space<vmem_shared>>
          tpu.enqueue_indirect_dma source(%dma_start3A_293 : memref<10112x16xf32, #tpu.memory_space<vmem_shared>>) target(%arg9 : memref<256x16xf32, #tpu.memory_space<vmem>>) offsets(%dma_start3A_290 : memref<256xi32, #tpu.memory_space<vmem>>) semaphore(%arg19 : memref<!tpu.dma_semaphore, #tpu.memory_space<semaphore_mem>>)
          %add3A_294 = arith.constant 1 : i32
          %add3A_295 = arith.addi %add3A_181, %add3A_294 : i32
          %dma_start3A_296 = arith.constant 0 : i32
          %dma_start3A_297 = tpu.memref_slice %arg7[%add3A_295, %dma_start3A_296] : memref<80x256xi32, #tpu.memory_space<vmem>> -> memref<1x256xi32, #tpu.memory_space<vmem>>
          %dma_start3A_298 = tpu.memref_squeeze %dma_start3A_297 : memref<1x256xi32, #tpu.memory_space<vmem>> -> memref<256xi32, #tpu.memory_space<vmem>>
          %dma_start3A_299 = arith.constant 0 : i32
          %dma_start3A_300 = arith.constant 0 : i32
          %dma_start3A_301 = tpu.memref_slice %arg17[%dma_start3A_299, %dma_start3A_300] : memref<10112x16xf32, #tpu.memory_space<vmem_shared>> -> memref<10112x16xf32, #tpu.memory_space<vmem_shared>>
          tpu.enqueue_indirect_dma source(%dma_start3A_301 : memref<10112x16xf32, #tpu.memory_space<vmem_shared>>) target(%arg10 : memref<256x16xf32, #tpu.memory_space<vmem>>) offsets(%dma_start3A_298 : memref<256xi32, #tpu.memory_space<vmem>>) semaphore(%arg19 : memref<!tpu.dma_semaphore, #tpu.memory_space<semaphore_mem>>)
          %add3A_302 = arith.constant 2 : i32
          %add3A_303 = arith.addi %add3A_181, %add3A_302 : i32
          %dma_start3A_304 = arith.constant 0 : i32
          %dma_start3A_305 = tpu.memref_slice %arg7[%add3A_303, %dma_start3A_304] : memref<80x256xi32, #tpu.memory_space<vmem>> -> memref<1x256xi32, #tpu.memory_space<vmem>>
          %dma_start3A_306 = tpu.memref_squeeze %dma_start3A_305 : memref<1x256xi32, #tpu.memory_space<vmem>> -> memref<256xi32, #tpu.memory_space<vmem>>
          %dma_start3A_307 = arith.constant 0 : i32
          %dma_start3A_308 = arith.constant 0 : i32
          %dma_start3A_309 = tpu.memref_slice %arg17[%dma_start3A_307, %dma_start3A_308] : memref<10112x16xf32, #tpu.memory_space<vmem_shared>> -> memref<10112x16xf32, #tpu.memory_space<vmem_shared>>
          tpu.enqueue_indirect_dma source(%dma_start3A_309 : memref<10112x16xf32, #tpu.memory_space<vmem_shared>>) target(%arg11 : memref<256x16xf32, #tpu.memory_space<vmem>>) offsets(%dma_start3A_306 : memref<256xi32, #tpu.memory_space<vmem>>) semaphore(%arg19 : memref<!tpu.dma_semaphore, #tpu.memory_space<semaphore_mem>>)
          %add3A_310 = arith.constant 3 : i32
          %add3A_311 = arith.addi %add3A_181, %add3A_310 : i32
          %dma_start3A_312 = arith.constant 0 : i32
          %dma_start3A_313 = tpu.memref_slice %arg7[%add3A_311, %dma_start3A_312] : memref<80x256xi32, #tpu.memory_space<vmem>> -> memref<1x256xi32, #tpu.memory_space<vmem>>
          %dma_start3A_314 = tpu.memref_squeeze %dma_start3A_313 : memref<1x256xi32, #tpu.memory_space<vmem>> -> memref<256xi32, #tpu.memory_space<vmem>>
          %dma_start3A_315 = arith.constant 0 : i32
          %dma_start3A_316 = arith.constant 0 : i32
          %dma_start3A_317 = tpu.memref_slice %arg17[%dma_start3A_315, %dma_start3A_316] : memref<10112x16xf32, #tpu.memory_space<vmem_shared>> -> memref<10112x16xf32, #tpu.memory_space<vmem_shared>>
          tpu.enqueue_indirect_dma source(%dma_start3A_317 : memref<10112x16xf32, #tpu.memory_space<vmem_shared>>) target(%arg12 : memref<256x16xf32, #tpu.memory_space<vmem>>) offsets(%dma_start3A_314 : memref<256xi32, #tpu.memory_space<vmem>>) semaphore(%arg19 : memref<!tpu.dma_semaphore, #tpu.memory_space<semaphore_mem>>)
        } else {
        }
        %mul3A_187 = arith.constant 8 : i32
        %mul3A_188 = arith.muli %mul3A_187, %add3A_88 : i32
        %add3A_189 = arith.constant 4 : i32
        %add3A_190 = arith.addi %mul3A_188, %add3A_189 : i32
        %add3A_191 = arith.constant 0 : i32
        %add3A_192 = arith.addi %add3A_190, %add3A_191 : i32
        %dma_wait3A_193 = arith.constant 0 : i32
        %dma_wait3A_194 = tpu.memref_slice %arg7[%add3A_192, %dma_wait3A_193] : memref<80x256xi32, #tpu.memory_space<vmem>> -> memref<1x256xi32, #tpu.memory_space<vmem>>
        %dma_wait3A_195 = tpu.memref_squeeze %dma_wait3A_194 : memref<1x256xi32, #tpu.memory_space<vmem>> -> memref<256xi32, #tpu.memory_space<vmem>>
        %dma_wait3A_196 = arith.constant 0 : i32
        %dma_wait3A_197 = arith.constant 0 : i32
        %dma_wait3A_198 = tpu.memref_slice %arg17[%dma_wait3A_196, %dma_wait3A_197] : memref<10112x16xf32, #tpu.memory_space<vmem_shared>> -> memref<10112x16xf32, #tpu.memory_space<vmem_shared>>
        tpu.wait_indirect_dma semaphore(%arg19 : memref<!tpu.dma_semaphore, #tpu.memory_space<semaphore_mem>>) src(%dma_wait3A_198 : memref<10112x16xf32, #tpu.memory_space<vmem_shared>>) dst(%arg13 : memref<256x16xf32, #tpu.memory_space<vmem>>)
        %add3A_199 = arith.constant 1 : i32
        %add3A_200 = arith.addi %add3A_190, %add3A_199 : i32
        %dma_wait3A_201 = arith.constant 0 : i32
        %dma_wait3A_202 = tpu.memref_slice %arg7[%add3A_200, %dma_wait3A_201] : memref<80x256xi32, #tpu.memory_space<vmem>> -> memref<1x256xi32, #tpu.memory_space<vmem>>
        %dma_wait3A_203 = tpu.memref_squeeze %dma_wait3A_202 : memref<1x256xi32, #tpu.memory_space<vmem>> -> memref<256xi32, #tpu.memory_space<vmem>>
        %dma_wait3A_204 = arith.constant 0 : i32
        %dma_wait3A_205 = arith.constant 0 : i32
        %dma_wait3A_206 = tpu.memref_slice %arg17[%dma_wait3A_204, %dma_wait3A_205] : memref<10112x16xf32, #tpu.memory_space<vmem_shared>> -> memref<10112x16xf32, #tpu.memory_space<vmem_shared>>
        tpu.wait_indirect_dma semaphore(%arg19 : memref<!tpu.dma_semaphore, #tpu.memory_space<semaphore_mem>>) src(%dma_wait3A_206 : memref<10112x16xf32, #tpu.memory_space<vmem_shared>>) dst(%arg14 : memref<256x16xf32, #tpu.memory_space<vmem>>)
        %add3A_207 = arith.constant 2 : i32
        %add3A_208 = arith.addi %add3A_190, %add3A_207 : i32
        %dma_wait3A_209 = arith.constant 0 : i32
        %dma_wait3A_210 = tpu.memref_slice %arg7[%add3A_208, %dma_wait3A_209] : memref<80x256xi32, #tpu.memory_space<vmem>> -> memref<1x256xi32, #tpu.memory_space<vmem>>
        %dma_wait3A_211 = tpu.memref_squeeze %dma_wait3A_210 : memref<1x256xi32, #tpu.memory_space<vmem>> -> memref<256xi32, #tpu.memory_space<vmem>>
        %dma_wait3A_212 = arith.constant 0 : i32
        %dma_wait3A_213 = arith.constant 0 : i32
        %dma_wait3A_214 = tpu.memref_slice %arg17[%dma_wait3A_212, %dma_wait3A_213] : memref<10112x16xf32, #tpu.memory_space<vmem_shared>> -> memref<10112x16xf32, #tpu.memory_space<vmem_shared>>
        tpu.wait_indirect_dma semaphore(%arg19 : memref<!tpu.dma_semaphore, #tpu.memory_space<semaphore_mem>>) src(%dma_wait3A_214 : memref<10112x16xf32, #tpu.memory_space<vmem_shared>>) dst(%arg15 : memref<256x16xf32, #tpu.memory_space<vmem>>)
        %add3A_215 = arith.constant 3 : i32
        %add3A_216 = arith.addi %add3A_190, %add3A_215 : i32
        %dma_wait3A_217 = arith.constant 0 : i32
        %dma_wait3A_218 = tpu.memref_slice %arg7[%add3A_216, %dma_wait3A_217] : memref<80x256xi32, #tpu.memory_space<vmem>> -> memref<1x256xi32, #tpu.memory_space<vmem>>
        %dma_wait3A_219 = tpu.memref_squeeze %dma_wait3A_218 : memref<1x256xi32, #tpu.memory_space<vmem>> -> memref<256xi32, #tpu.memory_space<vmem>>
        %dma_wait3A_220 = arith.constant 0 : i32
        %dma_wait3A_221 = arith.constant 0 : i32
        %dma_wait3A_222 = tpu.memref_slice %arg17[%dma_wait3A_220, %dma_wait3A_221] : memref<10112x16xf32, #tpu.memory_space<vmem_shared>> -> memref<10112x16xf32, #tpu.memory_space<vmem_shared>>
        tpu.wait_indirect_dma semaphore(%arg19 : memref<!tpu.dma_semaphore, #tpu.memory_space<semaphore_mem>>) src(%dma_wait3A_222 : memref<10112x16xf32, #tpu.memory_space<vmem_shared>>) dst(%arg16 : memref<256x16xf32, #tpu.memory_space<vmem>>)
        %add3A_223 = arith.constant 0 : i32
        %add3A_224 = arith.addi %add3A_190, %add3A_223 : i32
        %dma_start3A_225 = arith.constant 0 : i32
        %dma_start3A_226 = tpu.memref_slice %arg8[%add3A_224, %dma_start3A_225] : memref<80x256xi32, #tpu.memory_space<vmem>> -> memref<1x256xi32, #tpu.memory_space<vmem>>
        %dma_start3A_227 = tpu.memref_squeeze %dma_start3A_226 : memref<1x256xi32, #tpu.memory_space<vmem>> -> memref<256xi32, #tpu.memory_space<vmem>>
        %dma_start3A_228 = arith.constant 0 : i32
        %dma_start3A_229 = arith.constant 0 : i32
        %dma_start3A_230 = tpu.memref_slice %arg18[%dma_start3A_228, %dma_start3A_229] : memref<10112x16xf32, #tpu.memory_space<vmem_shared>> -> memref<10112x16xf32, #tpu.memory_space<vmem_shared>>
        tpu.enqueue_indirect_dma source(%arg13 : memref<256x16xf32, #tpu.memory_space<vmem>>) target(%dma_start3A_230 : memref<10112x16xf32, #tpu.memory_space<vmem_shared>>) offsets(%dma_start3A_227 : memref<256xi32, #tpu.memory_space<vmem>>) semaphore(%arg20 : memref<!tpu.dma_semaphore, #tpu.memory_space<semaphore_mem>>) {add = true}
        %add3A_231 = arith.constant 1 : i32
        %add3A_232 = arith.addi %add3A_190, %add3A_231 : i32
        %dma_start3A_233 = arith.constant 0 : i32
        %dma_start3A_234 = tpu.memref_slice %arg8[%add3A_232, %dma_start3A_233] : memref<80x256xi32, #tpu.memory_space<vmem>> -> memref<1x256xi32, #tpu.memory_space<vmem>>
        %dma_start3A_235 = tpu.memref_squeeze %dma_start3A_234 : memref<1x256xi32, #tpu.memory_space<vmem>> -> memref<256xi32, #tpu.memory_space<vmem>>
        %dma_start3A_236 = arith.constant 0 : i32
        %dma_start3A_237 = arith.constant 0 : i32
        %dma_start3A_238 = tpu.memref_slice %arg18[%dma_start3A_236, %dma_start3A_237] : memref<10112x16xf32, #tpu.memory_space<vmem_shared>> -> memref<10112x16xf32, #tpu.memory_space<vmem_shared>>
        tpu.enqueue_indirect_dma source(%arg14 : memref<256x16xf32, #tpu.memory_space<vmem>>) target(%dma_start3A_238 : memref<10112x16xf32, #tpu.memory_space<vmem_shared>>) offsets(%dma_start3A_235 : memref<256xi32, #tpu.memory_space<vmem>>) semaphore(%arg20 : memref<!tpu.dma_semaphore, #tpu.memory_space<semaphore_mem>>) {add = true}
        %add3A_239 = arith.constant 2 : i32
        %add3A_240 = arith.addi %add3A_190, %add3A_239 : i32
        %dma_start3A_241 = arith.constant 0 : i32
        %dma_start3A_242 = tpu.memref_slice %arg8[%add3A_240, %dma_start3A_241] : memref<80x256xi32, #tpu.memory_space<vmem>> -> memref<1x256xi32, #tpu.memory_space<vmem>>
        %dma_start3A_243 = tpu.memref_squeeze %dma_start3A_242 : memref<1x256xi32, #tpu.memory_space<vmem>> -> memref<256xi32, #tpu.memory_space<vmem>>
        %dma_start3A_244 = arith.constant 0 : i32
        %dma_start3A_245 = arith.constant 0 : i32
        %dma_start3A_246 = tpu.memref_slice %arg18[%dma_start3A_244, %dma_start3A_245] : memref<10112x16xf32, #tpu.memory_space<vmem_shared>> -> memref<10112x16xf32, #tpu.memory_space<vmem_shared>>
        tpu.enqueue_indirect_dma source(%arg15 : memref<256x16xf32, #tpu.memory_space<vmem>>) target(%dma_start3A_246 : memref<10112x16xf32, #tpu.memory_space<vmem_shared>>) offsets(%dma_start3A_243 : memref<256xi32, #tpu.memory_space<vmem>>) semaphore(%arg20 : memref<!tpu.dma_semaphore, #tpu.memory_space<semaphore_mem>>) {add = true}
        %add3A_247 = arith.constant 3 : i32
        %add3A_248 = arith.addi %add3A_190, %add3A_247 : i32
        %dma_start3A_249 = arith.constant 0 : i32
        %dma_start3A_250 = tpu.memref_slice %arg8[%add3A_248, %dma_start3A_249] : memref<80x256xi32, #tpu.memory_space<vmem>> -> memref<1x256xi32, #tpu.memory_space<vmem>>
        %dma_start3A_251 = tpu.memref_squeeze %dma_start3A_250 : memref<1x256xi32, #tpu.memory_space<vmem>> -> memref<256xi32, #tpu.memory_space<vmem>>
        %dma_start3A_252 = arith.constant 0 : i32
        %dma_start3A_253 = arith.constant 0 : i32
        %dma_start3A_254 = tpu.memref_slice %arg18[%dma_start3A_252, %dma_start3A_253] : memref<10112x16xf32, #tpu.memory_space<vmem_shared>> -> memref<10112x16xf32, #tpu.memory_space<vmem_shared>>
        tpu.enqueue_indirect_dma source(%arg16 : memref<256x16xf32, #tpu.memory_space<vmem>>) target(%dma_start3A_254 : memref<10112x16xf32, #tpu.memory_space<vmem_shared>>) offsets(%dma_start3A_251 : memref<256xi32, #tpu.memory_space<vmem>>) semaphore(%arg20 : memref<!tpu.dma_semaphore, #tpu.memory_space<semaphore_mem>>) {add = true}
        %dma_wait3A_255 = arith.constant 0 : i32
        %dma_wait3A_256 = tpu.memref_slice %arg8[%add3A_224, %dma_wait3A_255] : memref<80x256xi32, #tpu.memory_space<vmem>> -> memref<1x256xi32, #tpu.memory_space<vmem>>
        %dma_wait3A_257 = tpu.memref_squeeze %dma_wait3A_256 : memref<1x256xi32, #tpu.memory_space<vmem>> -> memref<256xi32, #tpu.memory_space<vmem>>
        %dma_wait3A_258 = arith.constant 0 : i32
        %dma_wait3A_259 = arith.constant 0 : i32
        %dma_wait3A_260 = tpu.memref_slice %arg18[%dma_wait3A_258, %dma_wait3A_259] : memref<10112x16xf32, #tpu.memory_space<vmem_shared>> -> memref<10112x16xf32, #tpu.memory_space<vmem_shared>>
        tpu.wait_indirect_dma semaphore(%arg20 : memref<!tpu.dma_semaphore, #tpu.memory_space<semaphore_mem>>) src(%arg13 : memref<256x16xf32, #tpu.memory_space<vmem>>) dst(%dma_wait3A_260 : memref<10112x16xf32, #tpu.memory_space<vmem_shared>>)
        %dma_wait3A_261 = arith.constant 0 : i32
        %dma_wait3A_262 = tpu.memref_slice %arg8[%add3A_232, %dma_wait3A_261] : memref<80x256xi32, #tpu.memory_space<vmem>> -> memref<1x256xi32, #tpu.memory_space<vmem>>
        %dma_wait3A_263 = tpu.memref_squeeze %dma_wait3A_262 : memref<1x256xi32, #tpu.memory_space<vmem>> -> memref<256xi32, #tpu.memory_space<vmem>>
        %dma_wait3A_264 = arith.constant 0 : i32
        %dma_wait3A_265 = arith.constant 0 : i32
        %dma_wait3A_266 = tpu.memref_slice %arg18[%dma_wait3A_264, %dma_wait3A_265] : memref<10112x16xf32, #tpu.memory_space<vmem_shared>> -> memref<10112x16xf32, #tpu.memory_space<vmem_shared>>
        tpu.wait_indirect_dma semaphore(%arg20 : memref<!tpu.dma_semaphore, #tpu.memory_space<semaphore_mem>>) src(%arg14 : memref<256x16xf32, #tpu.memory_space<vmem>>) dst(%dma_wait3A_266 : memref<10112x16xf32, #tpu.memory_space<vmem_shared>>)
        %dma_wait3A_267 = arith.constant 0 : i32
        %dma_wait3A_268 = tpu.memref_slice %arg8[%add3A_240, %dma_wait3A_267] : memref<80x256xi32, #tpu.memory_space<vmem>> -> memref<1x256xi32, #tpu.memory_space<vmem>>
        %dma_wait3A_269 = tpu.memref_squeeze %dma_wait3A_268 : memref<1x256xi32, #tpu.memory_space<vmem>> -> memref<256xi32, #tpu.memory_space<vmem>>
        %dma_wait3A_270 = arith.constant 0 : i32
        %dma_wait3A_271 = arith.constant 0 : i32
        %dma_wait3A_272 = tpu.memref_slice %arg18[%dma_wait3A_270, %dma_wait3A_271] : memref<10112x16xf32, #tpu.memory_space<vmem_shared>> -> memref<10112x16xf32, #tpu.memory_space<vmem_shared>>
        tpu.wait_indirect_dma semaphore(%arg20 : memref<!tpu.dma_semaphore, #tpu.memory_space<semaphore_mem>>) src(%arg15 : memref<256x16xf32, #tpu.memory_space<vmem>>) dst(%dma_wait3A_272 : memref<10112x16xf32, #tpu.memory_space<vmem_shared>>)
        %dma_wait3A_273 = arith.constant 0 : i32
        %dma_wait3A_274 = tpu.memref_slice %arg8[%add3A_248, %dma_wait3A_273] : memref<80x256xi32, #tpu.memory_space<vmem>> -> memref<1x256xi32, #tpu.memory_space<vmem>>
        %dma_wait3A_275 = tpu.memref_squeeze %dma_wait3A_274 : memref<1x256xi32, #tpu.memory_space<vmem>> -> memref<256xi32, #tpu.memory_space<vmem>>
        %dma_wait3A_276 = arith.constant 0 : i32
        %dma_wait3A_277 = arith.constant 0 : i32
        %dma_wait3A_278 = tpu.memref_slice %arg18[%dma_wait3A_276, %dma_wait3A_277] : memref<10112x16xf32, #tpu.memory_space<vmem_shared>> -> memref<10112x16xf32, #tpu.memory_space<vmem_shared>>
        tpu.wait_indirect_dma semaphore(%arg20 : memref<!tpu.dma_semaphore, #tpu.memory_space<semaphore_mem>>) src(%arg16 : memref<256x16xf32, #tpu.memory_space<vmem>>) dst(%dma_wait3A_278 : memref<10112x16xf32, #tpu.memory_space<vmem_shared>>)
        %add3A_279 = arith.constant 8 : i32
        %add3A_280 = arith.addi %add3A_190, %add3A_279 : i32
        %lt3A_281 = arith.constant 80 : i32
        %lt3A_282 = arith.cmpi slt, %add3A_280, %lt3A_281 : i32
        %convert_element_type3A_283 = arith.extui %lt3A_282 : i1 to i32
        %cond3A_284 = arith.constant 0 : i32
        %cond3A_285 = arith.cmpi ne, %convert_element_type3A_283, %cond3A_284 : i32
        scf.if %cond3A_285 {
          %add3A_286 = arith.constant 0 : i32
          %add3A_287 = arith.addi %add3A_280, %add3A_286 : i32
          %dma_start3A_288 = arith.constant 0 : i32
          %dma_start3A_289 = tpu.memref_slice %arg7[%add3A_287, %dma_start3A_288] : memref<80x256xi32, #tpu.memory_space<vmem>> -> memref<1x256xi32, #tpu.memory_space<vmem>>
          %dma_start3A_290 = tpu.memref_squeeze %dma_start3A_289 : memref<1x256xi32, #tpu.memory_space<vmem>> -> memref<256xi32, #tpu.memory_space<vmem>>
          %dma_start3A_291 = arith.constant 0 : i32
          %dma_start3A_292 = arith.constant 0 : i32
          %dma_start3A_293 = tpu.memref_slice %arg17[%dma_start3A_291, %dma_start3A_292] : memref<10112x16xf32, #tpu.memory_space<vmem_shared>> -> memref<10112x16xf32, #tpu.memory_space<vmem_shared>>
          tpu.enqueue_indirect_dma source(%dma_start3A_293 : memref<10112x16xf32, #tpu.memory_space<vmem_shared>>) target(%arg13 : memref<256x16xf32, #tpu.memory_space<vmem>>) offsets(%dma_start3A_290 : memref<256xi32, #tpu.memory_space<vmem>>) semaphore(%arg19 : memref<!tpu.dma_semaphore, #tpu.memory_space<semaphore_mem>>)
          %add3A_294 = arith.constant 1 : i32
          %add3A_295 = arith.addi %add3A_280, %add3A_294 : i32
          %dma_start3A_296 = arith.constant 0 : i32
          %dma_start3A_297 = tpu.memref_slice %arg7[%add3A_295, %dma_start3A_296] : memref<80x256xi32, #tpu.memory_space<vmem>> -> memref<1x256xi32, #tpu.memory_space<vmem>>
          %dma_start3A_298 = tpu.memref_squeeze %dma_start3A_297 : memref<1x256xi32, #tpu.memory_space<vmem>> -> memref<256xi32, #tpu.memory_space<vmem>>
          %dma_start3A_299 = arith.constant 0 : i32
          %dma_start3A_300 = arith.constant 0 : i32
          %dma_start3A_301 = tpu.memref_slice %arg17[%dma_start3A_299, %dma_start3A_300] : memref<10112x16xf32, #tpu.memory_space<vmem_shared>> -> memref<10112x16xf32, #tpu.memory_space<vmem_shared>>
          tpu.enqueue_indirect_dma source(%dma_start3A_301 : memref<10112x16xf32, #tpu.memory_space<vmem_shared>>) target(%arg14 : memref<256x16xf32, #tpu.memory_space<vmem>>) offsets(%dma_start3A_298 : memref<256xi32, #tpu.memory_space<vmem>>) semaphore(%arg19 : memref<!tpu.dma_semaphore, #tpu.memory_space<semaphore_mem>>)
          %add3A_302 = arith.constant 2 : i32
          %add3A_303 = arith.addi %add3A_280, %add3A_302 : i32
          %dma_start3A_304 = arith.constant 0 : i32
          %dma_start3A_305 = tpu.memref_slice %arg7[%add3A_303, %dma_start3A_304] : memref<80x256xi32, #tpu.memory_space<vmem>> -> memref<1x256xi32, #tpu.memory_space<vmem>>
          %dma_start3A_306 = tpu.memref_squeeze %dma_start3A_305 : memref<1x256xi32, #tpu.memory_space<vmem>> -> memref<256xi32, #tpu.memory_space<vmem>>
          %dma_start3A_307 = arith.constant 0 : i32
          %dma_start3A_308 = arith.constant 0 : i32
          %dma_start3A_309 = tpu.memref_slice %arg17[%dma_start3A_307, %dma_start3A_308] : memref<10112x16xf32, #tpu.memory_space<vmem_shared>> -> memref<10112x16xf32, #tpu.memory_space<vmem_shared>>
          tpu.enqueue_indirect_dma source(%dma_start3A_309 : memref<10112x16xf32, #tpu.memory_space<vmem_shared>>) target(%arg15 : memref<256x16xf32, #tpu.memory_space<vmem>>) offsets(%dma_start3A_306 : memref<256xi32, #tpu.memory_space<vmem>>) semaphore(%arg19 : memref<!tpu.dma_semaphore, #tpu.memory_space<semaphore_mem>>)
          %add3A_310 = arith.constant 3 : i32
          %add3A_311 = arith.addi %add3A_280, %add3A_310 : i32
          %dma_start3A_312 = arith.constant 0 : i32
          %dma_start3A_313 = tpu.memref_slice %arg7[%add3A_311, %dma_start3A_312] : memref<80x256xi32, #tpu.memory_space<vmem>> -> memref<1x256xi32, #tpu.memory_space<vmem>>
          %dma_start3A_314 = tpu.memref_squeeze %dma_start3A_313 : memref<1x256xi32, #tpu.memory_space<vmem>> -> memref<256xi32, #tpu.memory_space<vmem>>
          %dma_start3A_315 = arith.constant 0 : i32
          %dma_start3A_316 = arith.constant 0 : i32
          %dma_start3A_317 = tpu.memref_slice %arg17[%dma_start3A_315, %dma_start3A_316] : memref<10112x16xf32, #tpu.memory_space<vmem_shared>> -> memref<10112x16xf32, #tpu.memory_space<vmem_shared>>
          tpu.enqueue_indirect_dma source(%dma_start3A_317 : memref<10112x16xf32, #tpu.memory_space<vmem_shared>>) target(%arg16 : memref<256x16xf32, #tpu.memory_space<vmem>>) offsets(%dma_start3A_314 : memref<256xi32, #tpu.memory_space<vmem>>) semaphore(%arg19 : memref<!tpu.dma_semaphore, #tpu.memory_space<semaphore_mem>>)
        } else {
        }
      }
      %scan3A_82 = arith.constant 10 : i32
      %barrier3A_83 = arith.constant 0 : index
      tpu.barrier barrier_id(%barrier3A_83)
      "tpu.region"() ({
        %run_scoped3A = tpu.sem_alloc : memref<!tpu.dma_semaphore, #tpu.memory_space<semaphore_mem>>
        %dma_start3A_84 = tpu.memref_slice %arg6[%mul3A_0, %mul3A_13] : memref<10112x128xf32, #tpu.memory_space<hbm>> -> memref<632x16xf32, #tpu.memory_space<hbm>>
        %dma_start3A_85 = arith.constant 0 : i32
        %dma_start3A_86 = tpu.memref_slice %arg18[%mul3A_0, %dma_start3A_85] : memref<10112x16xf32, #tpu.memory_space<vmem_shared>> -> memref<632x16xf32, #tpu.memory_space<vmem_shared>>
        tpu.enqueue_dma source(%dma_start3A_86 : memref<632x16xf32, #tpu.memory_space<vmem_shared>>) target(%dma_start3A_84 : memref<632x16xf32, #tpu.memory_space<hbm>>) target_semaphore(%run_scoped3A : memref<!tpu.dma_semaphore, #tpu.memory_space<semaphore_mem>>)
        %dma_wait3A = tpu.memref_slice %arg6[%mul3A_0, %mul3A_13] : memref<10112x128xf32, #tpu.memory_space<hbm>> -> memref<632x16xf32, #tpu.memory_space<hbm>>
        %dma_wait3A_87 = arith.constant 0 : i32
        %dma_wait3A_88 = tpu.memref_slice %arg18[%mul3A_0, %dma_wait3A_87] : memref<10112x16xf32, #tpu.memory_space<vmem_shared>> -> memref<632x16xf32, #tpu.memory_space<vmem_shared>>
        tpu.wait_dma2 semaphore(%run_scoped3A : memref<!tpu.dma_semaphore, #tpu.memory_space<semaphore_mem>>) src(%dma_wait3A_88 : memref<632x16xf32, #tpu.memory_space<vmem_shared>>) dst(%dma_wait3A : memref<632x16xf32, #tpu.memory_space<hbm>>)
        tpu.yield
      }) : () -> ()
    }
    %scan3A_4 = arith.constant 2 : i32
    return
  }
}

module attributes {stable_mosaic.version = 14 : i64} {
  func.func @body(%arg0: memref<10000x128xf32, #tpu.memory_space<vmem>>, %arg1: memref<32x10000xf32, #tpu.memory_space<vmem>>, %arg2: memref<10000x128xf32, #tpu.memory_space<vmem>>, %arg3: memref<10000x1xf32, #tpu.memory_space<vmem>>) attributes {dimension_semantics = [], scalar_prefetch = 0 : i64, scratch_operands = 0 : i64, tpu.core_type = #tpu.core_type<tc>} {
    %get3A = arith.constant 0 : index
    %get3A_0 = arith.constant 0 : index
    %get3A_1 = vector.load %arg1[%get3A, %get3A_0] : memref<32x10000xf32, #tpu.memory_space<vmem>>, vector<32x10000xf32>
    %reduce_sum3A = arith.constant dense<0.000000e+00> : vector<10000xf32>
    %reduce_sum3A_2 = vector.multi_reduction <add>, %get3A_1, %reduce_sum3A [0] : vector<32x10000xf32> to vector<10000xf32>
    %broadcast_in_dim3A = vector.shape_cast %reduce_sum3A_2 : vector<10000xf32> to vector<1x10000xf32>
    %add3A = arith.constant 1.000000e+00 : f32
    %add3A_3 = vector.broadcast %add3A : f32 to vector<1x10000xf32>
    %add3A_4 = arith.addf %broadcast_in_dim3A, %add3A_3 : vector<1x10000xf32>
    %rsqrt3A = math.rsqrt %add3A_4 : vector<1x10000xf32>
    %transpose3A = tpu.transpose %rsqrt3A, [1, 0] : vector<1x10000xf32> -> vector<10000x1xf32>
    %swap3A = arith.constant 0 : index
    %swap3A_5 = arith.constant 0 : index
    %swap3A_6 = vector.load %arg3[%swap3A, %swap3A_5] : memref<10000x1xf32, #tpu.memory_space<vmem>>, vector<10000x1xf32>
    tpu.vector_store %arg3[%swap3A, %swap3A_5], %transpose3A {strides = array<i32>} : memref<10000x1xf32, #tpu.memory_space<vmem>>, vector<10000x1xf32>,
    %get3A_7 = arith.constant 0 : index
    %get3A_8 = arith.constant 0 : index
    %get3A_9 = vector.load %arg0[%get3A_7, %get3A_8] : memref<10000x128xf32, #tpu.memory_space<vmem>>, vector<10000x128xf32>
    %mul3A = vector.broadcast %transpose3A : vector<10000x1xf32> to vector<10000x128xf32>
    %mul3A_10 = arith.mulf %mul3A, %get3A_9 : vector<10000x128xf32>
    %swap3A_11 = arith.constant 0 : index
    %swap3A_12 = arith.constant 0 : index
    %swap3A_13 = vector.load %arg2[%swap3A_11, %swap3A_12] : memref<10000x128xf32, #tpu.memory_space<vmem>>, vector<10000x128xf32>
    tpu.vector_store %arg2[%swap3A_11, %swap3A_12], %mul3A_10 {strides = array<i32>} : memref<10000x128xf32, #tpu.memory_space<vmem>>, vector<10000x128xf32>,
    return
  }
}

module attributes {stable_mosaic.version = 14 : i64} {
  func.func @body(%arg0: i32, %arg1: memref<2000x128xf32, #tpu.memory_space<vmem>>, %arg2: memref<2000x128xf32, #tpu.memory_space<vmem>>, %arg3: memref<2000x1xf32, #tpu.memory_space<vmem>>, %arg4: memref<128x256xf32, #tpu.memory_space<vmem>>, %arg5: memref<1x256xf32, #tpu.memory_space<vmem>>, %arg6: memref<256x128xf32, #tpu.memory_space<vmem>>, %arg7: memref<2000x256xf32, #tpu.memory_space<vmem>>, %arg8: memref<2000x128xf32, #tpu.memory_space<vmem>>) attributes {dimension_semantics = [#tpu.dimension_semantics<arbitrary>], iteration_bounds = array<i64: 5>, scalar_prefetch = 0 : i64, scratch_operands = 0 : i64, tpu.core_type = #tpu.core_type<tc>, window_params = [{transform_indices = @transform_0, window_bounds = array<i64: 2000, 128>}, {transform_indices = @transform_1, window_bounds = array<i64: 2000, 128>}, {transform_indices = @transform_2, window_bounds = array<i64: 2000, 1>}, {pipeline_mode = #tpu.pipeline_mode<synchronous>, transform_indices = @transform_3, window_bounds = array<i64: 128, 256>}, {pipeline_mode = #tpu.pipeline_mode<synchronous>, transform_indices = @transform_4, window_bounds = array<i64: 1, 256>}, {pipeline_mode = #tpu.pipeline_mode<synchronous>, transform_indices = @transform_5, window_bounds = array<i64: 256, 128>}, {transform_indices = @transform_6, window_bounds = array<i64: 2000, 256>}, {transform_indices = @transform_7, window_bounds = array<i64: 2000, 128>}]} {
    %get3A = arith.constant 0 : index
    %get3A_0 = arith.constant 0 : index
    %get3A_1 = vector.load %arg3[%get3A, %get3A_0] : memref<2000x1xf32, #tpu.memory_space<vmem>>, vector<2000x1xf32>
    %get3A_2 = arith.constant 0 : index
    %get3A_3 = arith.constant 0 : index
    %get3A_4 = vector.load %arg1[%get3A_2, %get3A_3] : memref<2000x128xf32, #tpu.memory_space<vmem>>, vector<2000x128xf32>
    %mul3A = vector.broadcast %get3A_1 : vector<2000x1xf32> to vector<2000x128xf32>
    %mul3A_5 = arith.mulf %mul3A, %get3A_4 : vector<2000x128xf32>
    %mul3A_6 = arith.mulf %get3A_1, %get3A_1 : vector<2000x1xf32>
    %get3A_7 = arith.constant 0 : index
    %get3A_8 = arith.constant 0 : index
    %get3A_9 = vector.load %arg2[%get3A_7, %get3A_8] : memref<2000x128xf32, #tpu.memory_space<vmem>>, vector<2000x128xf32>
    %mul3A_10 = vector.broadcast %mul3A_6 : vector<2000x1xf32> to vector<2000x128xf32>
    %mul3A_11 = arith.mulf %mul3A_10, %get3A_9 : vector<2000x128xf32>
    %add3A = arith.addf %mul3A_5, %mul3A_11 : vector<2000x128xf32>
    %get3A_12 = arith.constant 0 : index
    %get3A_13 = arith.constant 0 : index
    %get3A_14 = vector.load %arg4[%get3A_12, %get3A_13] : memref<128x256xf32, #tpu.memory_space<vmem>>, vector<128x256xf32>
    %dot_general3A = arith.constant dense<0.000000e+00> : vector<2000x256xf32>
    %dot_general3A_15 = tpu.matmul %add3A, %get3A_14, %dot_general3A {dimension_numbers = #tpu.dot_dimension_numbers<[1], [0], [0], [1], [0, 0, 1, 1], [], []>, transpose_lhs_hint = false} : vector<2000x128xf32>, vector<128x256xf32>, vector<2000x256xf32> -> vector<2000x256xf32>
    %get3A_16 = arith.constant 0 : index
    %get3A_17 = arith.constant 0 : index
    %get3A_18 = vector.load %arg5[%get3A_16, %get3A_17] : memref<1x256xf32, #tpu.memory_space<vmem>>, vector<1x256xf32>
    %add3A_19 = vector.broadcast %get3A_18 : vector<1x256xf32> to vector<2000x256xf32>
    %add3A_20 = arith.addf %dot_general3A_15, %add3A_19 : vector<2000x256xf32>
    %max3A = arith.constant 0.000000e+00 : f32
    %max3A_21 = vector.broadcast %max3A : f32 to vector<2000x256xf32>
    %max3A_22 = arith.maximumf %add3A_20, %max3A_21 : vector<2000x256xf32>
    %swap3A = arith.constant 0 : index
    %swap3A_23 = arith.constant 0 : index
    %swap3A_24 = vector.load %arg7[%swap3A, %swap3A_23] : memref<2000x256xf32, #tpu.memory_space<vmem>>, vector<2000x256xf32>
    tpu.vector_store %arg7[%swap3A, %swap3A_23], %max3A_22 {strides = array<i32>} : memref<2000x256xf32, #tpu.memory_space<vmem>>, vector<2000x256xf32>,
    %get3A_25 = arith.constant 0 : index
    %get3A_26 = arith.constant 0 : index
    %get3A_27 = vector.load %arg6[%get3A_25, %get3A_26] : memref<256x128xf32, #tpu.memory_space<vmem>>, vector<256x128xf32>
    %dot_general3A_28 = arith.constant dense<0.000000e+00> : vector<2000x128xf32>
    %dot_general3A_29 = tpu.matmul %max3A_22, %get3A_27, %dot_general3A_28 {dimension_numbers = #tpu.dot_dimension_numbers<[1], [0], [0], [1], [0, 0, 1, 1], [], []>, transpose_lhs_hint = false} : vector<2000x256xf32>, vector<256x128xf32>, vector<2000x128xf32> -> vector<2000x128xf32>
    %mul3A_30 = vector.broadcast %get3A_1 : vector<2000x1xf32> to vector<2000x128xf32>
    %mul3A_31 = arith.mulf %mul3A_30, %dot_general3A_29 : vector<2000x128xf32>
    %swap3A_32 = arith.constant 0 : index
    %swap3A_33 = arith.constant 0 : index
    %swap3A_34 = vector.load %arg8[%swap3A_32, %swap3A_33] : memref<2000x128xf32, #tpu.memory_space<vmem>>, vector<2000x128xf32>
    tpu.vector_store %arg8[%swap3A_32, %swap3A_33], %mul3A_31 {strides = array<i32>} : memref<2000x128xf32, #tpu.memory_space<vmem>>, vector<2000x128xf32>,
    return
  }
  func.func @transform_0(%arg0: i32) -> (i32, i32) {
    %c0_i32 = arith.constant 0 : i32
    %c0_i32_0 = arith.constant 0 : i32
    return %arg0, %c0_i32 : i32, i32
  }
  func.func @transform_1(%arg0: i32) -> (i32, i32) {
    %c0_i32 = arith.constant 0 : i32
    %c0_i32_0 = arith.constant 0 : i32
    return %arg0, %c0_i32 : i32, i32
  }
  func.func @transform_2(%arg0: i32) -> (i32, i32) {
    %c0_i32 = arith.constant 0 : i32
    %c0_i32_0 = arith.constant 0 : i32
    return %arg0, %c0_i32 : i32, i32
  }
  func.func @transform_3(%arg0: i32) -> (i32, i32) {
    %c0_i32 = arith.constant 0 : i32
    %c0_i32_0 = arith.constant 0 : i32
    %c0_i32_1 = arith.constant 0 : i32
    return %c0_i32, %c0_i32_0 : i32, i32
  }
  func.func @transform_4(%arg0: i32) -> (i32, i32) {
    %c0_i32 = arith.constant 0 : i32
    %c0_i32_0 = arith.constant 0 : i32
    %c0_i32_1 = arith.constant 0 : i32
    return %c0_i32, %c0_i32_0 : i32, i32
  }
  func.func @transform_5(%arg0: i32) -> (i32, i32) {
    %c0_i32 = arith.constant 0 : i32
    %c0_i32_0 = arith.constant 0 : i32
    %c0_i32_1 = arith.constant 0 : i32
    return %c0_i32, %c0_i32_0 : i32, i32
  }
  func.func @transform_6(%arg0: i32) -> (i32, i32) {
    %c0_i32 = arith.constant 0 : i32
    %c0_i32_0 = arith.constant 0 : i32
    return %arg0, %c0_i32 : i32, i32
  }
  func.func @transform_7(%arg0: i32) -> (i32, i32) {
    %c0_i32 = arith.constant 0 : i32
    %c0_i32_0 = arith.constant 0 : i32
    return %arg0, %c0_i32 : i32, i32
  }
}

module attributes {stable_mosaic.version = 14 : i64} {
  func.func @body(%arg0: i32, %arg1: memref<2000x128xf32, #tpu.memory_space<vmem>>, %arg2: memref<2000x128xf32, #tpu.memory_space<vmem>>, %arg3: memref<2000x1xf32, #tpu.memory_space<vmem>>, %arg4: memref<1x40xf32, #tpu.memory_space<vmem>>, %arg5: memref<2000x40xf32, #tpu.memory_space<vmem>>) attributes {dimension_semantics = [#tpu.dimension_semantics<arbitrary>], iteration_bounds = array<i64: 5>, scalar_prefetch = 0 : i64, scratch_operands = 0 : i64, tpu.core_type = #tpu.core_type<tc>, window_params = [{transform_indices = @transform_0, window_bounds = array<i64: 2000, 128>}, {transform_indices = @transform_1, window_bounds = array<i64: 2000, 128>}, {transform_indices = @transform_2, window_bounds = array<i64: 2000, 1>}, {pipeline_mode = #tpu.pipeline_mode<synchronous>, transform_indices = @transform_3, window_bounds = array<i64: 1, 40>}, {transform_indices = @transform_4, window_bounds = array<i64: 2000, 40>}]} {
    %get3A = arith.constant 0 : index
    %get3A_0 = arith.constant 0 : index
    %get3A_1 = vector.load %arg3[%get3A, %get3A_0] : memref<2000x1xf32, #tpu.memory_space<vmem>>, vector<2000x1xf32>
    %get3A_2 = arith.constant 0 : index
    %get3A_3 = arith.constant 0 : index
    %get3A_4 = vector.load %arg1[%get3A_2, %get3A_3] : memref<2000x128xf32, #tpu.memory_space<vmem>>, vector<2000x128xf32>
    %slice3A = vector.extract_strided_slice %get3A_4 {offsets = [0, 0], sizes = [2000, 40], strides = [1, 1]} : vector<2000x128xf32> to vector<2000x40xf32>
    %get3A_5 = arith.constant 0 : index
    %get3A_6 = arith.constant 0 : index
    %get3A_7 = vector.load %arg2[%get3A_5, %get3A_6] : memref<2000x128xf32, #tpu.memory_space<vmem>>, vector<2000x128xf32>
    %slice3A_8 = vector.extract_strided_slice %get3A_7 {offsets = [0, 0], sizes = [2000, 40], strides = [1, 1]} : vector<2000x128xf32> to vector<2000x40xf32>
    %add3A = arith.addf %slice3A, %slice3A_8 : vector<2000x40xf32>
    %mul3A = vector.broadcast %get3A_1 : vector<2000x1xf32> to vector<2000x40xf32>
    %mul3A_9 = arith.mulf %mul3A, %add3A : vector<2000x40xf32>
    %get3A_10 = arith.constant 0 : index
    %get3A_11 = arith.constant 0 : index
    %get3A_12 = vector.load %arg4[%get3A_10, %get3A_11] : memref<1x40xf32, #tpu.memory_space<vmem>>, vector<1x40xf32>
    %add3A_13 = vector.broadcast %get3A_12 : vector<1x40xf32> to vector<2000x40xf32>
    %add3A_14 = arith.addf %mul3A_9, %add3A_13 : vector<2000x40xf32>
    %max3A = arith.constant 0.000000e+00 : f32
    %max3A_15 = vector.broadcast %max3A : f32 to vector<2000x40xf32>
    %max3A_16 = arith.maximumf %add3A_14, %max3A_15 : vector<2000x40xf32>
    %abs3A = math.absf %add3A_14 : vector<2000x40xf32>
    %neg3A = arith.constant 0.000000e+00 : f32
    %neg3A_17 = vector.broadcast %neg3A : f32 to vector<2000x40xf32>
    %neg3A_18 = arith.subf %neg3A_17, %abs3A : vector<2000x40xf32>
    %exp3A = math.exp %neg3A_18 : vector<2000x40xf32>
    %log1p3A = math.log1p %exp3A : vector<2000x40xf32>
    %add3A_19 = arith.addf %max3A_16, %log1p3A : vector<2000x40xf32>
    %swap3A = arith.constant 0 : index
    %swap3A_20 = arith.constant 0 : index
    %swap3A_21 = vector.load %arg5[%swap3A, %swap3A_20] : memref<2000x40xf32, #tpu.memory_space<vmem>>, vector<2000x40xf32>
    tpu.vector_store %arg5[%swap3A, %swap3A_20], %add3A_19 {strides = array<i32>} : memref<2000x40xf32, #tpu.memory_space<vmem>>, vector<2000x40xf32>,
    return
  }
  func.func @transform_0(%arg0: i32) -> (i32, i32) {
    %c0_i32 = arith.constant 0 : i32
    %c0_i32_0 = arith.constant 0 : i32
    return %arg0, %c0_i32 : i32, i32
  }
  func.func @transform_1(%arg0: i32) -> (i32, i32) {
    %c0_i32 = arith.constant 0 : i32
    %c0_i32_0 = arith.constant 0 : i32
    return %arg0, %c0_i32 : i32, i32
  }
  func.func @transform_2(%arg0: i32) -> (i32, i32) {
    %c0_i32 = arith.constant 0 : i32
    %c0_i32_0 = arith.constant 0 : i32
    return %arg0, %c0_i32 : i32, i32
  }
  func.func @transform_3(%arg0: i32) -> (i32, i32) {
    %c0_i32 = arith.constant 0 : i32
    %c0_i32_0 = arith.constant 0 : i32
    %c0_i32_1 = arith.constant 0 : i32
    return %c0_i32, %c0_i32_0 : i32, i32
  }
  func.func @transform_4(%arg0: i32) -> (i32, i32) {
    %c0_i32 = arith.constant 0 : i32
    %c0_i32_0 = arith.constant 0 : i32
    return %arg0, %c0_i32 : i32, i32
  }
}

</mosaic_0001>

<sc_bundles>
// kernel: kernel.11.cloned.1.call-start
scs
__scs_entry_jumppad:
0x0: {  	(pc) =	sbr.rel $0x88, $3  }
0x1: {  	(tag) =	ssettag $0x0;
	lr =	simm.s32 $0x1  }
0x2: {  	[smem:$0x3F9B] =	sst lr;
	_ =	strace $0xD0000000  }
0x3: {  	_ = 	snop  }
0x4: {  	_ = 	snop  }
0x5: {  	_ = 	snop  }
0x6: {  	_ = 	snop  }
0x7: {  	_ = 	snop  }
__scs_overlays_trampoline_lowered:
0x8: {  	[smem:$0x3FAA] =	sst s0  }
0x9: {  	[smem:$0x3FAB] =	sst s1  }
0xa: {  	[smem:$0x3FAC] =	sst s2  }
0xb: {  	[smem:$0x3FAD] =	sst s3  }
0xc: {  	[smem:$0x3FAE] =	sst s4  }
0xd: {  	[smem:$0x3FAF] =	sst s5  }
0xe: {  	[smem:$0x3FB0] =	sst s6  }
0xf: {  	[smem:$0x3FB1] =	sst s7  }
0x10: {  	[smem:$0x3FB2] =	sst s8  }
0x11: {  	[smem:$0x3FB3] =	sst s9;
	s0 =	simm.s32 @!p0 $0x0  }
0x12: {  	s1 =	sld [smem:$0x3F99];
	s0 =	simm.s32 @p0 $0x1  }
0x13: {  	[smem:$0x3FB4] =	sst s0;
	s0 =	simm.s32 @!p1 $0x0  }
0x14: {  	s2 =	sld [smem:$0x3F98];
	s0 =	simm.s32 @p1 $0x1  }
0x15: {  	[smem:$0x3FB5] =	sst s0;
	s0 =	simm.s32 @!p2 $0x0  }
0x16: {  	s3 =	sld [smem:$0x3FDB];
	s0 =	simm.s32 @p2 $0x1  }
0x17: {  	s4 =	simm.s32 $0x1BF5;
	[smem:$0x3FB7] =	sst s0  }
0x18: {  	s0 =	sld [smem:$0x3F9A];
	_ =	swait.ge [sflag:s4], $0x0  }
0x19: {  	s7 =	sld [smem:$0x3F9B]  }
0x1a: {  	s8 =	sadd.s32 $0xFFFFE003, lr  }
0x1b: {  	s9 =	sadd.s32 $0xFFFFFEF7, lr;
	s5 =	simm.s32 $0xFFFFFFFF;
	p2 =	slt.u32 s8, $0xFFFFF086  }
0x1c: {  	p1 =	slt.u32 s9, $0xF7A;
	s5 =	simm.s32 @!p2 $0x0  }
0x1d: {  	s5 =	simm.s32 @p1 $0x1;
	p0 =	seq.s32 s7, s2  }
0x1e: {  	s7 =	smul.u32 @!p0 $0xF7A, s2;
	p2 =	seq.s32 @!p0 s5, $0x0  }
0x1f: {  	s9 =	smul.u32 $0xF7A, s1;
	s8 =	simm.s32 @!p0 $0x1BF5;
	p2 =	por !p2, p0  }
0x20: {  	[sflag:s8] =	ssyncset.s32 @!p0 $0xFFFFF086;
	s6 =	sadd.s32 @!p0 s3, s7;
	s7 =	simm.s32 @!p0 $0x108  }
0x21: {  	s3 =	sadd.s32 s3, s9;
	s6 =	sadd.s32 @!p0 $0x88, s6;
	s7 =	simm.s32 @p2 $0x1082  }
0x22: {  	[simem:s7], [sflag:s8] =	dma.local @!p0 [hbm:s6], $0xF7A  }
0x23: {  	s9 =	sor.u32 $0xD0000000, s2;
	s6 =	simm.s32 $0x108;
	_ =	swait.ge @!p0 [sflag:s8], $0x0  }
0x24: {  	s3 =	sadd.s32 $0x88, s3;
	s6 =	simm.s32 @!p1 $0x1082;
	[sflag:s4] =	ssyncset.s32 $0xFFFFF086  }
0x25: {  	[simem:s6], [sflag:s4] =	dma.local [hbm:s3], $0xF7A  }
0x26: {  	[smem:$0x3F9B] =	sst s1;
	(tag) =	ssettag s2;
	_ =	strace s9  }
0x27: {  	s1 =	sld [smem:$0x3FAB]  }
0x28: {  	s2 =	sld [smem:$0x3FAC]  }
0x29: {  	s4 =	sld [smem:$0x3FAE]  }
0x2a: {  	p0 =	seq.s32 s5, $0x0;
	s5 =	sld [smem:$0x3FAF]  }
0x2b: {  	s6 =	sld [smem:$0x3FB0]  }
0x2c: {  	s7 =	sld [smem:$0x3FB1]  }
0x2d: {  	s3 =	simm.s32 $0x108;
	s8 =	sld [smem:$0x3FB2]  }
0x2e: {  	s3 =	simm.s32 @!p0 $0x1082;
	s9 =	sld [smem:$0x3FB3]  }
0x2f: {  	lr =	sadd.s32 s0, s3;
	s0 =	sld [smem:$0x3FAA]  }
0x30: {  	s3 =	sld [smem:$0x3FAD]  }
0x31: {  	[smem:$0x3FB6] =	sst s10  }
0x32: {  	s10 =	sld [smem:$0x3FB4];
	_ =	sdelay $0x3  }
0x33: {  	p0 =	seq.s32 s10, $0x1;
	s10 =	sld [smem:$0x3FB6];
	_ =	sdelay $0x3  }
0x34: {  	[smem:$0x3FB6] =	sst s10  }
0x35: {  	s10 =	sld [smem:$0x3FB5];
	_ =	sdelay $0x3  }
0x36: {  	p1 =	seq.s32 s10, $0x1;
	s10 =	sld [smem:$0x3FB6];
	_ =	sdelay $0x3  }
0x37: {  	[smem:$0x3FB6] =	sst s10  }
0x38: {  	s10 =	sld [smem:$0x3FB7]  }
0x39: {  	_ = 	snop;
	(pc) =	sbr.ind lr, $3  }
0x3a: {  	_ = 	snop  }
0x3b: {  	_ = 	snop  }
0x3c: {  	p2 =	seq.s32 s10, $0x1;
	s10 =	sld [smem:$0x3FB6]  }
0x3d: {  	_ =	shalt  }
0x3e: {  	_ =	shalt  }
0x3f: {  	_ =	shalt  }
0x40: {  	_ =	shalt  }
0x41: {  	_ =	shalt  }
0x42: {  	_ =	shalt  }
0x43: {  	_ =	shalt  }
0x44: {  	_ =	shalt  }
0x45: {  	_ =	shalt  }
0x46: {  	_ =	shalt  }
0x47: {  	_ =	shalt  }
0x48: {  	_ =	shalt  }
0x49: {  	_ =	shalt  }
0x4a: {  	_ =	shalt  }
0x4b: {  	_ =	shalt  }
0x4c: {  	_ =	shalt  }
0x4d: {  	_ =	shalt  }
0x4e: {  	_ =	shalt  }
0x4f: {  	_ =	shalt  }
0x50: {  	_ =	shalt  }
0x51: {  	_ =	shalt  }
0x52: {  	_ =	shalt  }
0x53: {  	_ =	shalt  }
0x54: {  	_ =	shalt  }
0x55: {  	_ =	shalt  }
0x56: {  	_ =	shalt  }
0x57: {  	_ =	shalt  }
0x58: {  	_ =	shalt  }
0x59: {  	_ =	shalt  }
0x5a: {  	_ =	shalt  }
0x5b: {  	_ =	shalt  }
0x5c: {  	_ =	shalt  }
0x5d: {  	_ =	shalt  }
0x5e: {  	_ =	shalt  }
0x5f: {  	_ =	shalt  }
0x60: {  	_ =	shalt  }
0x61: {  	_ =	shalt  }
0x62: {  	_ =	shalt  }
0x63: {  	_ =	shalt  }
0x64: {  	_ =	shalt  }
0x65: {  	_ =	shalt  }
0x66: {  	_ =	shalt  }
0x67: {  	_ =	shalt  }
0x68: {  	_ =	shalt  }
0x69: {  	_ =	shalt  }
0x6a: {  	_ =	shalt  }
0x6b: {  	_ =	shalt  }
0x6c: {  	_ =	shalt  }
0x6d: {  	_ =	shalt  }
0x6e: {  	_ =	shalt  }
0x6f: {  	_ =	shalt  }
0x70: {  	_ =	shalt  }
0x71: {  	_ =	shalt  }
0x72: {  	_ =	shalt  }
0x73: {  	_ =	shalt  }
0x74: {  	_ =	shalt  }
0x75: {  	_ =	shalt  }
0x76: {  	_ =	shalt  }
0x77: {  	_ =	shalt  }
0x78: {  	_ =	shalt  }
0x79: {  	_ =	shalt  }
0x7a: {  	_ =	shalt  }
0x7b: {  	_ =	shalt  }
0x7c: {  	_ =	shalt  }
0x7d: {  	_ =	shalt  }
0x7e: {  	_ =	shalt  }
0x7f: {  	_ =	shalt  }
0x80: {  	_ =	shalt  }
0x81: {  	_ =	shalt  }
0x82: {  	_ =	shalt  }
0x83: {  	_ =	shalt  }
0x84: {  	_ =	shalt  }
0x85: {  	_ =	shalt  }
0x86: {  	_ =	shalt  }
0x87: {  	_ =	shalt  }
.Lfunc_end0:
.L_simem_size_0:
called_computation.1_lowered:
.L_overlay_start_0:
0x88: {  	s2 =	sld [smem:$0x3FD9]  }
0x89: {  	s3 =	sld [smem:$0x3FFE];
	_ =	sdelay $0x1  }
0x8a: {  	s1 =	srdreg.scid  }
0x8b: {  	s0 =	sand.u32 $0x1, s1  }
0x8c: {  	s14 =	sshll.u32 s0, $0xA;
	s2 =	sadd.s32 s3, s2  }
0x8d: {  	s2 =	sadd.s32 s2, s14  }
0x8e: {  	[smem:$0x3FC2] =	sst s2  }
0x8f: {  	_ = 	snop  }
0x90: {  	s2 =	sld [smem:$0x3FD0];
	_ =	sdelay $0x2  }
0x91: {  	s15 =	simm.s32 $0xA;
	s4 =	simm.s32 $0x10  }
0x92: {  	[smem:s4], [sflag:s15] =	dma.local [hbm:s2], $0x1  }
0x93: {  	_ =	swait.eq [sflag:s15], $0x1  }
0x94: {  	[sflag:s15] =	ssyncset.done $0x0  }
0x95: {  	s16 =	sld [smem:$0x10];
	[sflag:s15] =	ssyncadd.s32 $0xFFFFFFFF  }
0x96: {  	s17 =	sld [smem:$0x11];
	(tm) =	ssettm $0x1  }
0x97: {  	s18 =	sld [smem:$0x3FFB];
	_ =	sdelay $0x3  }
0x98: {  	_ =	strace s18  }
0x99: {  	s4 =	sld [smem:$0x3FFC];
	_ =	sdelay $0x3  }
0x9a: {  	_ =	strace s4  }
0x9b: {  	s4 =	sld [smem:$0x3FFD];
	_ =	sdelay $0x3  }
0x9c: {  	_ =	strace s4  }
0x9d: {  	_ =	strace $0x8FFFFFFF  }
0x9e: {  	s19 =	sld [smem:$0x3FDB];
	_ =	sdelay $0x1  }
0x9f: {  	s5 =	simm.s32 $_scs_section_size  }
0xa0: {  	s6 =	simm.s32 $_size__tile_overlayer_lowered;
	s7 =	simm.s32 $_tile_overlayer_lowered  }
0xa1: {  	s22 =	simm.s32 $0x1BFF;
	s21 =	sshll.u32 s7, $0x1;
	s4 =	sadd.s32 s5, s19  }
0xa2: {  	s8 =	simm.s32 $0x0;
	s20 =	sshll.u32 s6, $0x1;
	s6 =	sadd.s32 s21, s4  }
0xa3: {  	[timem:s8], [sflag:s22] =	dma.local [hbm:s6], s20  }
0xa4: {  	_ =	swait.ge [sflag:s22], s20  }
0xa5: {  	s5 =	ssub.s32 $0x0, s20;
	[sflag:s22] =	ssyncset.done $0x0  }
0xa6: {  	[sflag:s22] =	ssyncadd.s32 s5;
	_ =	sdelay $0x1  }
0xa7: {  	s23 =	simm.s32 $0x1B8B  }
0xa8: {  	_ =	swait.ge [sflag:s23], $0x1  }
0xa9: {  	[sflag:s23] =	ssyncset.done $0x0  }
0xaa: {  	s25 =	simm.s32 $0x1B8E;
	s24 =	sld [smem:$0x3FFE];
	[sflag:s23] =	ssyncadd.s32 $0xFFFFFFFF  }
0xab: {  	s26 =	simm.s32 $execute0_lowered;
	[smem:$0x3FD2] =	sst s25  }
0xac: {  	s6 =	sshll.u32 s26, $0x1;
	_ =	strace $0x80000049;
	[dreg:$0x1] =	wrdreg $0xFFFFFFFF  }
0xad: {  	s28 =	simm.s32 $_size_execute0_lowered;
	s4 =	sadd.s32 s4, s6;
	[dreg:$0x0] =	wrdreg $0x0  }
0xae: {  	s6 =	sshll.u32 s28, $0x1;
	[dreg:$0x2] =	wrdreg s4  }
0xaf: {  	[dreg:$0x3] =	wrdreg s6  }
0xb0: {  	[dreg:$0x4] =	wrdreg $0xC0  }
0xb1: {  	_ =	task [dreg:s8], $0x5FFFF  }
0xb2: {  	[dreg:$0x1] =	wrdreg $0xFFFFFFFF  }
0xb3: {  	[dreg:$0x0] =	wrdreg $0x60  }
0xb4: {  	[dreg:$0x2] =	wrdreg s24  }
0xb5: {  	[dreg:$0x3] =	wrdreg s16  }
0xb6: {  	[dreg:$0x4] =	wrdreg s17  }
0xb7: {  	[dreg:$0x5] =	wrdreg $0x120000  }
0xb8: {  	[dreg:$0x6] =	wrdreg $0x147800  }
0xb9: {  	[dreg:$0x7] =	wrdreg $0x9  }
0xba: {  	_ =	task.clear_ibuf [dreg:s8], $0x8FFFF;
	_ =	strace $0x90000049  }
0xbb: {  	s29 =	simm.s32 $0x9;
	_ =	strace $0x8000004B  }
0xbc: {  	_ =	swait.ge [sflag:s29], $0x1  }
0xbd: {  	[sflag:s29] =	ssyncadd.s32 $0xFFFFFFFF  }
0xbe: {  	_ =	strace $0x9000004B  }
0xbf: {  	_ =	sfence  }
0xc0: {  	s30 =	sld [smem:$0x0];
	_ =	sdelay $0x2  }
0xc1: {  	s31 =	sshll.u32 s1, $0xD;
	s1 =	sshrl.u32 s1, $0x2  }
0xc2: {  	s3 =	sand.u32 $0x4000, s31;
	s1 =	sadd.s32 s1, s30  }
0xc3: {  	s0 =	sor.u32 s3, s0;
	s1 =	sshll.u32 s1, $0x11  }
0xc4: {  	s0 =	sor.u32 s1, s0  }
0xc5: {  	s0 =	sadd.s32 $0x8F2B, s0  }
0xc6: {  	[sflag:s0] =	ssyncadd.remote.s32 $0x1  }
0xc7: {  	_ =	sfence.sel $0xFFFF  }
0xc8: {  	[dreg:$0x0] =	wrdreg $0xFFFFFFFF;
	(pc) =	sbr.abs _section_cstart, $3  }
0xc9: {  	[dreg:$0x1] =	wrdreg $0xFFFFFFFF  }
0xca: {  	_ =	task.clear_ibuf [dreg:s8], $0x2FFFF;
	_ =	strace $0x9FFFFFFF  }
0xcb: {  	(tm) =	ssettm $0x7FFFFFFF  }
tec
execute0_lowered:
.L_overlay_start_1:
0x0: {  	(tag) =	ssettag $0x1  }
0x1: {  	s0 =	rddreg [dreg:$0x0]  }
0x2: {  	s1 =	rddreg [dreg:$0x1]  }
0x3: {  	s3 =	rddreg [dreg:$0x3]  }
0x4: {  	s4 =	rddreg [dreg:$0x4];
	s5 =	simm.s32 $0x0;
	s7 =	stileid.u32  }
0x5: {  	s2 =	srdreg.scid;
	s17 =	simm.s32 $0x3;
	s19 =	smul.u32 $0xA00, s7  }
0x6: {  	s28 =	simm.s32 $0x100;
	s29 =	simm.s32 $0xB000;
	s12 =	smul.u32 $0x278, s7  }
0x7: {  	s31 =	simm.s32 $0xC000;
	[smem:$0x7FF] =	sst s5;
	s21 =	smul.u32 $0x2780, s7  }
0x8: {  	s2 =	sand.u32 $0x1, s2;
	s6 =	sadd.s32 $0xC800, s0;
	s22 =	smul.u32 $0x9E00, s7  }
0x9: {  	s11 =	smul.u32 $0x13C00, s7;
	s30 =	sshll.u32 s7, $0x6;
	p0 =	seq.s32 s7, $0xF  }
0xa: {  	s5 =	simm.s32 $0xE000;
	_ =	strace $0x8000004A;
	s8 =	ssub.s32 $0x2, s2  }
0xb: {  	s2 =	sshll.u32 s2, $0x6;
	s9 =	sadd.s32 s19, s0;
	s10 =	sshrl.u32 s8, $0x1  }
0xc: {  	s0 =	sadd.s32 $0x33A00, s0;
	s1 =	sadd.s32 s1, s19;
	[dreg:$0x9] =	wrdreg s2  }
0xd: {  	s23 =	sadd.s32 $0x208, s12;
	s24 =	sadd.s32 s21, s3;
	s26 =	sadd.s32 s21, s4  }
0xe: {  	s19 =	sor.u32 $0x1C03, s30;
	s21 =	simm.s32 $0x1;
	[dreg:$0x6] =	wrdreg s0  }
0xf: {  	s20 =	ssub.s32 s8, s10;
	s9 =	sadd.s32 $0x2800, s9;
	[dreg:$0x8] =	wrdreg s1  }
0x10: {  	s25 =	sshll.u32 s23, $0x4;
	s1 =	sshrl.u32 s22, $0x2;
	s12 =	sshll.u32 s23, $0x7  }
0x11: {  	s22 =	simm.s32 $0x2;
	s23 =	simm.s32 $0x10;
	s8 =	simm.s32 $0x0  }
0x12: {  	[dreg:$0x7] =	wrdreg s9;
	s2 =	sadd.s32 s25, s3;
	s13 =	sadd.s32 s1, s4  }
0x13: {  	s0 =	smax.u32 s20, $0x1;
	s20 =	sshrl.u32 s24, $0x3;
	s25 =	sshrl.u32 s26, $0x3  }
0x14: {  	s26 =	simm.s32 $0xA000;
	s9 =	simm.s32 $0xF000;
	s1 =	simm.s32 $0x10000  }
0x15: {  	s14 =	sadd.s32 $0x2000, s13;
	[dreg:$0xa] =	wrdreg s0;
	s16 =	sadd.s32 $0x1000, s13  }
0x16: {  	s24 =	sshrl.u32 @!p0 s2, $0x3;
	s2 =	simm.s32 $0xD000;
	s0 =	simm.s32 $0x11000  }
.LBB2_1:
0x17: {  	[dreg:$0xb] =	wrdreg s8  }
0x18: {  	s7 =	simm.s32 $0x0;
	s18 =	rddreg [dreg:$0x7]  }
0x19: {  	[tilespmem:s7], [sflag:$0x3] =	stream.linear.gather [hbm4b:s18+s7], $0x5000, $0x38;
	[tilespmem:$0x16F00] =	vst v63  }
0x1a: {  	_ =	swait.ge [sflag:s17], $0x5000  }
0x1b: {  	[sflag:s17] =	ssyncset.done $0x0  }
0x1c: {  	s10 =	simm.s32 $0x5000;
	s30 =	rddreg [dreg:$0x8];
	[sflag:s17] =	ssyncadd.s32 $0xFFFFB000  }
0x1d: {  	[tilespmem:s10], [sflag:$0x3] =	stream.linear.gather [hbm4b:s30+s7], $0x5000, $0x38;
	[tilespmem:$0x16F00] =	vst v63  }
0x1e: {  	_ =	swait.ge [sflag:s17], $0x5000  }
0x1f: {  	[sflag:s17] =	ssyncset.done $0x0  }
0x20: {  	s18 =	simm.s32 $0x0;
	[sflag:s17] =	ssyncadd.s32 $0xFFFFB000  }
.LBB2_2:
0x21: {  	s8 =	sshll.u32 s18, $0x4;
	s7 =	rddreg [dreg:$0x9]  }
0x22: {  	s15 =	sadd.s32 s7, s8  }
0x23: {  	s8 =	sadd.s32 s11, s15  }
0x24: {  	s8 =	sshrl.u32 s8, $0x3  }
0x25: {  	s30 =	sadd.s32 s6, s8  }
0x26: {  	[spmem:s20@s22], [sflag:s19] =	dma.strided [hbm:s30@s23], $0x410, s21, $0x2   }
0x27: {  	s10 =	simm.s32 @!p0 $0x10;
	s15 =	sadd.s32 @!p0 s12, s15;
	_ =	swait.ge [sflag:s17], $0x410  }
0x28: {  	s7 =	simm.s32 @!p0 $0x2;
	s15 =	sshrl.u32 @!p0 s15, $0x3;
	[sflag:s17] =	ssyncset.done $0x0  }
0x29: {  	s15 =	sadd.s32 @!p0 s6, s15;
	s30 =	simm.s32 @!p0 $0x1;
	[sflag:s17] =	ssyncadd.s32 $0xFFFFFBF0  }
0x2a: {  	[spmem:s24@s7], [sflag:s19] =	dma.strided @!p0 [hbm:s15@s10], $0xE0, s30, $0x2   }
0x2b: {  	s7 =	simm.s32 @!p0 $0x3  }
0x2c: {  	_ =	swait.ge @!p0 [sflag:s7], $0xE0  }
0x2d: {  	[sflag:s7] =	ssyncset.done @!p0 $0x0  }
0x2e: {  	s15 =	rddreg [dreg:$0x6];
	[sflag:s7] =	ssyncadd.s32 @!p0 $0xFFFFFF20;
	s7 =	simm.s32 $0x0  }
0x2f: {  	[tilespmem:s26], [sflag:$0x3] =	stream.linear.gather [hbm4b:s15+s7], $0x1000, $0x38;
	[tilespmem:$0x16F00] =	vst v63  }
0x30: {  	_ =	swait.ge [sflag:s17], $0x1000  }
0x31: {  	[sflag:s17] =	ssyncset.done $0x0  }
0x32: {  	[sflag:s17] =	ssyncadd.s32 $0xFFFFF000  }
0x33: {  	[spmem:s13] =	stream.linear.scatter [tilespmem:s26], [sflag:$0x3], $0x1000, $0x38;
	[tilespmem:$0x16F00] =	vst v63  }
0x34: {  	_ =	swait.ge [sflag:s17], $0x1000  }
0x35: {  	[sflag:s17] =	ssyncset.done $0x0  }
0x36: {  	[sflag:s17] =	ssyncadd.s32 $0xFFFFF000  }
0x37: {  	[spmem:s16] =	stream.linear.scatter [tilespmem:s26], [sflag:$0x3], $0x1000, $0x38;
	[tilespmem:$0x16F00] =	vst v63  }
0x38: {  	_ =	swait.ge [sflag:s17], $0x1000  }
0x39: {  	[sflag:s17] =	ssyncset.done $0x0  }
0x3a: {  	[sflag:s17] =	ssyncadd.s32 $0xFFFFF000  }
0x3b: {  	[spmem:s14] =	stream.linear.scatter [tilespmem:s26], [sflag:$0x3], $0x780, $0x38;
	[tilespmem:$0x16F00] =	vst v63  }
0x3c: {  	_ =	swait.ge [sflag:s17], $0x780  }
0x3d: {  	[sflag:s17] =	ssyncset.done $0x0  }
0x3e: {  	[sflag:s17] =	ssyncadd.s32 $0xFFFFF880  }
0x3f: {  	[bflag:$0x0] =	sbarrier.arrive $0xFFFF  }
0x40: {  	[tilespmem:s26], [sflag:$0x1] =	stream.indirect.gather [spmem:s3], $0x10, s7, s28, $0xb8;
	[tilespmem:$0x16F00] =	vst v63  }
0x41: {  	_ = 	snop  }
0x42: {  	[tilespmem:s29], [sflag:$0x1] =	stream.indirect.gather [spmem:s3], $0x10, s28, s28, $0xb8;
	[tilespmem:$0x16F00] =	vst v63  }
0x43: {  	s15 =	simm.s32 $0x200  }
0x44: {  	[tilespmem:s31], [sflag:$0x1] =	stream.indirect.gather [spmem:s3], $0x10, s15, s28, $0xb8;
	[tilespmem:$0x16F00] =	vst v63  }
0x45: {  	s10 =	simm.s32 $0x300  }
0x46: {  	[tilespmem:s2], [sflag:$0x1] =	stream.indirect.gather [spmem:s3], $0x10, s10, s28, $0xb8;
	[tilespmem:$0x16F00] =	vst v63  }
0x47: {  	s15 =	simm.s32 $0x400  }
0x48: {  	[tilespmem:s5], [sflag:$0x1] =	stream.indirect.gather [spmem:s3], $0x10, s15, s28, $0xb8;
	[tilespmem:$0x16F00] =	vst v63  }
0x49: {  	s10 =	simm.s32 $0x500  }
0x4a: {  	[tilespmem:s9], [sflag:$0x1] =	stream.indirect.gather [spmem:s3], $0x10, s10, s28, $0xb8;
	[tilespmem:$0x16F00] =	vst v63  }
0x4b: {  	s15 =	simm.s32 $0x600  }
0x4c: {  	[tilespmem:s1], [sflag:$0x1] =	stream.indirect.gather [spmem:s3], $0x10, s15, s28, $0xb8;
	[tilespmem:$0x16F00] =	vst v63  }
0x4d: {  	s10 =	simm.s32 $0x700  }
0x4e: {  	[tilespmem:s0], [sflag:$0x1] =	stream.indirect.gather [spmem:s3], $0x10, s10, s28, $0xb8;
	[tilespmem:$0x16F00] =	vst v63  }
0x4f: {  	_ =	swait.ge [sflag:s21], $0x1000  }
0x50: {  	[sflag:s21] =	ssyncset.done $0x0  }
0x51: {  	[sflag:s21] =	ssyncadd.s32 $0xFFFFF000  }
0x52: {  	_ =	swait.ge [sflag:s21], $0x1000  }
0x53: {  	[sflag:s21] =	ssyncset.done $0x0  }
0x54: {  	[sflag:s21] =	ssyncadd.s32 $0xFFFFF000  }
0x55: {  	_ =	swait.ge [sflag:s21], $0x1000  }
0x56: {  	[sflag:s21] =	ssyncset.done $0x0  }
0x57: {  	[sflag:s21] =	ssyncadd.s32 $0xFFFFF000  }
0x58: {  	_ =	swait.ge [sflag:s21], $0x1000  }
0x59: {  	[sflag:s21] =	ssyncset.done $0x0  }
0x5a: {  	s15 =	simm.s32 $0x5000;
	[sflag:s21] =	ssyncadd.s32 $0xFFFFF000  }
0x5b: {  	[spmem:s4] =	stream.indirect.scatter.add.f32 [tilespmem:s26], [sflag:$0x2], $0x10, s15, s28, $0xb8;
	[tilespmem:$0x16F00] =	vst v63  }
0x5c: {  	s10 =	simm.s32 $0x5100  }
0x5d: {  	[spmem:s4] =	stream.indirect.scatter.add.f32 [tilespmem:s29], [sflag:$0x2], $0x10, s10, s28, $0xb8;
	[tilespmem:$0x16F00] =	vst v63  }
0x5e: {  	s15 =	simm.s32 $0x5200  }
0x5f: {  	[spmem:s4] =	stream.indirect.scatter.add.f32 [tilespmem:s31], [sflag:$0x2], $0x10, s15, s28, $0xb8;
	[tilespmem:$0x16F00] =	vst v63  }
0x60: {  	s10 =	simm.s32 $0x5300  }
0x61: {  	[spmem:s4] =	stream.indirect.scatter.add.f32 [tilespmem:s2], [sflag:$0x2], $0x10, s10, s28, $0xb8;
	[tilespmem:$0x16F00] =	vst v63  }
0x62: {  	_ =	swait.ge [sflag:s22], $0x1000  }
0x63: {  	[sflag:s22] =	ssyncset.done $0x0  }
0x64: {  	[sflag:s22] =	ssyncadd.s32 $0xFFFFF000  }
0x65: {  	_ =	swait.ge [sflag:s22], $0x1000  }
0x66: {  	[sflag:s22] =	ssyncset.done $0x0  }
0x67: {  	[sflag:s22] =	ssyncadd.s32 $0xFFFFF000  }
0x68: {  	_ =	swait.ge [sflag:s22], $0x1000  }
0x69: {  	[sflag:s22] =	ssyncset.done $0x0  }
0x6a: {  	[sflag:s22] =	ssyncadd.s32 $0xFFFFF000  }
0x6b: {  	_ =	swait.ge [sflag:s22], $0x1000  }
0x6c: {  	[sflag:s22] =	ssyncset.done $0x0  }
0x6d: {  	s15 =	simm.s32 $0x800;
	[sflag:s22] =	ssyncadd.s32 $0xFFFFF000  }
0x6e: {  	[tilespmem:s26], [sflag:$0x1] =	stream.indirect.gather [spmem:s3], $0x10, s15, s28, $0xb8;
	[tilespmem:$0x16F00] =	vst v63  }
0x6f: {  	s10 =	simm.s32 $0x900  }
0x70: {  	[tilespmem:s29], [sflag:$0x1] =	stream.indirect.gather [spmem:s3], $0x10, s10, s28, $0xb8;
	[tilespmem:$0x16F00] =	vst v63  }
0x71: {  	s15 =	simm.s32 $0xA00  }
0x72: {  	[tilespmem:s31], [sflag:$0x1] =	stream.indirect.gather [spmem:s3], $0x10, s15, s28, $0xb8;
	[tilespmem:$0x16F00] =	vst v63  }
0x73: {  	s10 =	simm.s32 $0xB00  }
0x74: {  	[tilespmem:s2], [sflag:$0x1] =	stream.indirect.gather [spmem:s3], $0x10, s10, s28, $0xb8;
	[tilespmem:$0x16F00] =	vst v63  }
0x75: {  	_ =	swait.ge [sflag:s21], $0x1000  }
0x76: {  	[sflag:s21] =	ssyncset.done $0x0  }
0x77: {  	[sflag:s21] =	ssyncadd.s32 $0xFFFFF000  }
0x78: {  	_ =	swait.ge [sflag:s21], $0x1000  }
0x79: {  	[sflag:s21] =	ssyncset.done $0x0  }
0x7a: {  	[sflag:s21] =	ssyncadd.s32 $0xFFFFF000  }
0x7b: {  	_ =	swait.ge [sflag:s21], $0x1000  }
0x7c: {  	[sflag:s21] =	ssyncset.done $0x0  }
0x7d: {  	[sflag:s21] =	ssyncadd.s32 $0xFFFFF000  }
0x7e: {  	_ =	swait.ge [sflag:s21], $0x1000  }
0x7f: {  	[sflag:s21] =	ssyncset.done $0x0  }
0x80: {  	s15 =	simm.s32 $0x5400;
	[sflag:s21] =	ssyncadd.s32 $0xFFFFF000  }
0x81: {  	[spmem:s4] =	stream.indirect.scatter.add.f32 [tilespmem:s5], [sflag:$0x2], $0x10, s15, s28, $0xb8;
	[tilespmem:$0x16F00] =	vst v63  }
0x82: {  	s10 =	simm.s32 $0x5500  }
0x83: {  	[spmem:s4] =	stream.indirect.scatter.add.f32 [tilespmem:s9], [sflag:$0x2], $0x10, s10, s28, $0xb8;
	[tilespmem:$0x16F00] =	vst v63  }
0x84: {  	s15 =	simm.s32 $0x5600  }
0x85: {  	[spmem:s4] =	stream.indirect.scatter.add.f32 [tilespmem:s1], [sflag:$0x2], $0x10, s15, s28, $0xb8;
	[tilespmem:$0x16F00] =	vst v63  }
0x86: {  	s10 =	simm.s32 $0x5700  }
0x87: {  	[spmem:s4] =	stream.indirect.scatter.add.f32 [tilespmem:s0], [sflag:$0x2], $0x10, s10, s28, $0xb8;
	[tilespmem:$0x16F00] =	vst v63  }
0x88: {  	_ =	swait.ge [sflag:s22], $0x1000  }
0x89: {  	[sflag:s22] =	ssyncset.done $0x0  }
0x8a: {  	[sflag:s22] =	ssyncadd.s32 $0xFFFFF000  }
0x8b: {  	_ =	swait.ge [sflag:s22], $0x1000  }
0x8c: {  	[sflag:s22] =	ssyncset.done $0x0  }
0x8d: {  	[sflag:s22] =	ssyncadd.s32 $0xFFFFF000  }
0x8e: {  	_ =	swait.ge [sflag:s22], $0x1000  }
0x8f: {  	[sflag:s22] =	ssyncset.done $0x0  }
0x90: {  	[sflag:s22] =	ssyncadd.s32 $0xFFFFF000  }
0x91: {  	_ =	swait.ge [sflag:s22], $0x1000  }
0x92: {  	[sflag:s22] =	ssyncset.done $0x0  }
0x93: {  	s15 =	simm.s32 $0xC00;
	[sflag:s22] =	ssyncadd.s32 $0xFFFFF000  }
0x94: {  	[tilespmem:s5], [sflag:$0x1] =	stream.indirect.gather [spmem:s3], $0x10, s15, s28, $0xb8;
	[tilespmem:$0x16F00] =	vst v63  }
0x95: {  	s10 =	simm.s32 $0xD00  }
0x96: {  	[tilespmem:s9], [sflag:$0x1] =	stream.indirect.gather [spmem:s3], $0x10, s10, s28, $0xb8;
	[tilespmem:$0x16F00] =	vst v63  }
0x97: {  	s15 =	simm.s32 $0xE00  }
0x98: {  	[tilespmem:s1], [sflag:$0x1] =	stream.indirect.gather [spmem:s3], $0x10, s15, s28, $0xb8;
	[tilespmem:$0x16F00] =	vst v63  }
0x99: {  	s30 =	simm.s32 $0xF00;
	s15 =	simm.s32 $0x2000  }
.LBB2_3:
0x9a: {  	[tilespmem:s0], [sflag:$0x1] =	stream.indirect.gather [spmem:s3], $0x10, s30, s28, $0xb8;
	[tilespmem:$0x16F00] =	vst v63  }
0x9b: {  	s7 =	smov.u32 s15  }
0x9c: {  	p1 =	sne.s32 s15, $0x10000;
	s15 =	sadd.s32 $0x2000, s15;
	_ =	swait.ge [sflag:s21], $0x1000  }
0x9d: {  	[sflag:s21] =	ssyncset.done $0x0  }
0x9e: {  	[sflag:s21] =	ssyncadd.s32 $0xFFFFF000  }
0x9f: {  	_ =	swait.ge [sflag:s21], $0x1000  }
0xa0: {  	[sflag:s21] =	ssyncset.done $0x0  }
0xa1: {  	[sflag:s21] =	ssyncadd.s32 $0xFFFFF000  }
0xa2: {  	_ =	swait.ge [sflag:s21], $0x1000  }
0xa3: {  	[sflag:s21] =	ssyncset.done $0x0  }
0xa4: {  	[sflag:s21] =	ssyncadd.s32 $0xFFFFF000  }
0xa5: {  	_ =	swait.ge [sflag:s21], $0x1000  }
0xa6: {  	s30 =	sshra.s32 s7, $0x2;
	[sflag:s21] =	ssyncset.done $0x0  }
0xa7: {  	s7 =	sadd.s32 $0x5000, s30;
	[sflag:s21] =	ssyncadd.s32 $0xFFFFF000  }
0xa8: {  	[spmem:s4] =	stream.indirect.scatter.add.f32 [tilespmem:s26], [sflag:$0x2], $0x10, s7, s28, $0xb8;
	[tilespmem:$0x16F00] =	vst v63  }
0xa9: {  	s7 =	sadd.s32 $0x5100, s30  }
0xaa: {  	[spmem:s4] =	stream.indirect.scatter.add.f32 [tilespmem:s29], [sflag:$0x2], $0x10, s7, s28, $0xb8;
	[tilespmem:$0x16F00] =	vst v63  }
0xab: {  	s7 =	sadd.s32 $0x5200, s30  }
0xac: {  	[spmem:s4] =	stream.indirect.scatter.add.f32 [tilespmem:s31], [sflag:$0x2], $0x10, s7, s28, $0xb8;
	[tilespmem:$0x16F00] =	vst v63  }
0xad: {  	s7 =	sadd.s32 $0x5300, s30  }
0xae: {  	[spmem:s4] =	stream.indirect.scatter.add.f32 [tilespmem:s2], [sflag:$0x2], $0x10, s7, s28, $0xb8;
	[tilespmem:$0x16F00] =	vst v63  }
0xaf: {  	_ =	swait.ge [sflag:s22], $0x1000  }
0xb0: {  	[sflag:s22] =	ssyncset.done $0x0  }
0xb1: {  	[sflag:s22] =	ssyncadd.s32 $0xFFFFF000  }
0xb2: {  	_ =	swait.ge [sflag:s22], $0x1000  }
0xb3: {  	[sflag:s22] =	ssyncset.done $0x0  }
0xb4: {  	[sflag:s22] =	ssyncadd.s32 $0xFFFFF000  }
0xb5: {  	_ =	swait.ge [sflag:s22], $0x1000  }
0xb6: {  	[sflag:s22] =	ssyncset.done $0x0  }
0xb7: {  	[sflag:s22] =	ssyncadd.s32 $0xFFFFF000  }
0xb8: {  	_ =	swait.ge [sflag:s22], $0x1000  }
0xb9: {  	[sflag:s22] =	ssyncset.done $0x0  }
0xba: {  	s7 =	sadd.s32 $0x800, s30;
	[sflag:s22] =	ssyncadd.s32 $0xFFFFF000  }
0xbb: {  	[tilespmem:s26], [sflag:$0x1] =	stream.indirect.gather [spmem:s3], $0x10, s7, s28, $0xb8;
	[tilespmem:$0x16F00] =	vst v63  }
0xbc: {  	s7 =	sadd.s32 $0x900, s30  }
0xbd: {  	[tilespmem:s29], [sflag:$0x1] =	stream.indirect.gather [spmem:s3], $0x10, s7, s28, $0xb8;
	[tilespmem:$0x16F00] =	vst v63  }
0xbe: {  	s7 =	sadd.s32 $0xA00, s30  }
0xbf: {  	[tilespmem:s31], [sflag:$0x1] =	stream.indirect.gather [spmem:s3], $0x10, s7, s28, $0xb8;
	[tilespmem:$0x16F00] =	vst v63  }
0xc0: {  	s7 =	sadd.s32 $0xB00, s30  }
0xc1: {  	[tilespmem:s2], [sflag:$0x1] =	stream.indirect.gather [spmem:s3], $0x10, s7, s28, $0xb8;
	[tilespmem:$0x16F00] =	vst v63  }
0xc2: {  	_ =	swait.ge [sflag:s21], $0x1000  }
0xc3: {  	[sflag:s21] =	ssyncset.done $0x0  }
0xc4: {  	[sflag:s21] =	ssyncadd.s32 $0xFFFFF000  }
0xc5: {  	_ =	swait.ge [sflag:s21], $0x1000  }
0xc6: {  	[sflag:s21] =	ssyncset.done $0x0  }
0xc7: {  	[sflag:s21] =	ssyncadd.s32 $0xFFFFF000  }
0xc8: {  	_ =	swait.ge [sflag:s21], $0x1000  }
0xc9: {  	[sflag:s21] =	ssyncset.done $0x0  }
0xca: {  	[sflag:s21] =	ssyncadd.s32 $0xFFFFF000  }
0xcb: {  	_ =	swait.ge [sflag:s21], $0x1000  }
0xcc: {  	[sflag:s21] =	ssyncset.done $0x0  }
0xcd: {  	s7 =	sadd.s32 $0x5400, s30;
	[sflag:s21] =	ssyncadd.s32 $0xFFFFF000  }
0xce: {  	[spmem:s4] =	stream.indirect.scatter.add.f32 [tilespmem:s5], [sflag:$0x2], $0x10, s7, s28, $0xb8;
	[tilespmem:$0x16F00] =	vst v63  }
0xcf: {  	s7 =	sadd.s32 $0x5500, s30  }
0xd0: {  	[spmem:s4] =	stream.indirect.scatter.add.f32 [tilespmem:s9], [sflag:$0x2], $0x10, s7, s28, $0xb8;
	[tilespmem:$0x16F00] =	vst v63  }
0xd1: {  	s7 =	sadd.s32 $0x5600, s30  }
0xd2: {  	[spmem:s4] =	stream.indirect.scatter.add.f32 [tilespmem:s1], [sflag:$0x2], $0x10, s7, s28, $0xb8;
	[tilespmem:$0x16F00] =	vst v63  }
0xd3: {  	s7 =	sadd.s32 $0x5700, s30  }
0xd4: {  	[spmem:s4] =	stream.indirect.scatter.add.f32 [tilespmem:s0], [sflag:$0x2], $0x10, s7, s28, $0xb8;
	[tilespmem:$0x16F00] =	vst v63  }
0xd5: {  	_ =	swait.ge [sflag:s22], $0x1000  }
0xd6: {  	[sflag:s22] =	ssyncset.done $0x0  }
0xd7: {  	[sflag:s22] =	ssyncadd.s32 $0xFFFFF000  }
0xd8: {  	_ =	swait.ge [sflag:s22], $0x1000  }
0xd9: {  	[sflag:s22] =	ssyncset.done $0x0  }
0xda: {  	[sflag:s22] =	ssyncadd.s32 $0xFFFFF000  }
0xdb: {  	_ =	swait.ge [sflag:s22], $0x1000  }
0xdc: {  	[sflag:s22] =	ssyncset.done $0x0  }
0xdd: {  	[sflag:s22] =	ssyncadd.s32 $0xFFFFF000  }
0xde: {  	_ =	swait.ge [sflag:s22], $0x1000  }
0xdf: {  	[sflag:s22] =	ssyncset.done $0x0  }
0xe0: {  	s7 =	sadd.s32 $0xC00, s30;
	[sflag:s22] =	ssyncadd.s32 $0xFFFFF000  }
0xe1: {  	[tilespmem:s5], [sflag:$0x1] =	stream.indirect.gather [spmem:s3], $0x10, s7, s28, $0xb8;
	[tilespmem:$0x16F00] =	vst v63  }
.Ltmp0:
0xe2: {  	s7 =	sadd.s32 $0xD00, s30;
	(pc) =	sbr.rel @p1 .LBB2_3-.Ltmp0, $4  }
0xe3: {  	[tilespmem:s9], [sflag:$0x1] =	stream.indirect.gather [spmem:s3], $0x10, s7, s28, $0xb8;
	[tilespmem:$0x16F00] =	vst v63  }
0xe4: {  	s7 =	sadd.s32 $0xE00, s30  }
0xe5: {  	[tilespmem:s1], [sflag:$0x1] =	stream.indirect.gather [spmem:s3], $0x10, s7, s28, $0xb8;
	[tilespmem:$0x16F00] =	vst v63  }
0xe6: {  	s30 =	sadd.s32 $0xF00, s30  }
0xe7: {  	[tilespmem:s0], [sflag:$0x1] =	stream.indirect.gather [spmem:s3], $0x10, s30, s28, $0xb8;
	[tilespmem:$0x16F00] =	vst v63  }
0xe8: {  	_ =	swait.ge [sflag:s21], $0x1000  }
0xe9: {  	[sflag:s21] =	ssyncset.done $0x0  }
0xea: {  	[sflag:s21] =	ssyncadd.s32 $0xFFFFF000  }
0xeb: {  	_ =	swait.ge [sflag:s21], $0x1000  }
0xec: {  	[sflag:s21] =	ssyncset.done $0x0  }
0xed: {  	[sflag:s21] =	ssyncadd.s32 $0xFFFFF000  }
0xee: {  	_ =	swait.ge [sflag:s21], $0x1000  }
0xef: {  	[sflag:s21] =	ssyncset.done $0x0  }
0xf0: {  	[sflag:s21] =	ssyncadd.s32 $0xFFFFF000  }
0xf1: {  	_ =	swait.ge [sflag:s21], $0x1000  }
0xf2: {  	[sflag:s21] =	ssyncset.done $0x0  }
0xf3: {  	s7 =	simm.s32 $0x9800;
	[sflag:s21] =	ssyncadd.s32 $0xFFFFF000  }
0xf4: {  	[spmem:s4] =	stream.indirect.scatter.add.f32 [tilespmem:s26], [sflag:$0x2], $0x10, s7, s28, $0xb8;
	[tilespmem:$0x16F00] =	vst v63  }
0xf5: {  	s15 =	simm.s32 $0x9900  }
0xf6: {  	[spmem:s4] =	stream.indirect.scatter.add.f32 [tilespmem:s29], [sflag:$0x2], $0x10, s15, s28, $0xb8;
	[tilespmem:$0x16F00] =	vst v63  }
0xf7: {  	s30 =	simm.s32 $0x9A00  }
0xf8: {  	[spmem:s4] =	stream.indirect.scatter.add.f32 [tilespmem:s31], [sflag:$0x2], $0x10, s30, s28, $0xb8;
	[tilespmem:$0x16F00] =	vst v63  }
0xf9: {  	s10 =	simm.s32 $0x9B00  }
0xfa: {  	[spmem:s4] =	stream.indirect.scatter.add.f32 [tilespmem:s2], [sflag:$0x2], $0x10, s10, s28, $0xb8;
	[tilespmem:$0x16F00] =	vst v63  }
0xfb: {  	_ =	swait.ge [sflag:s22], $0x1000  }
0xfc: {  	[sflag:s22] =	ssyncset.done $0x0  }
0xfd: {  	[sflag:s22] =	ssyncadd.s32 $0xFFFFF000  }
0xfe: {  	_ =	swait.ge [sflag:s22], $0x1000  }
0xff: {  	[sflag:s22] =	ssyncset.done $0x0  }
0x100: {  	[sflag:s22] =	ssyncadd.s32 $0xFFFFF000  }
0x101: {  	_ =	swait.ge [sflag:s22], $0x1000  }
0x102: {  	[sflag:s22] =	ssyncset.done $0x0  }
0x103: {  	[sflag:s22] =	ssyncadd.s32 $0xFFFFF000  }
0x104: {  	_ =	swait.ge [sflag:s22], $0x1000  }
0x105: {  	[sflag:s22] =	ssyncset.done $0x0  }
0x106: {  	[sflag:s22] =	ssyncadd.s32 $0xFFFFF000  }
0x107: {  	_ =	swait.ge [sflag:s21], $0x1000  }
0x108: {  	[sflag:s21] =	ssyncset.done $0x0  }
0x109: {  	[sflag:s21] =	ssyncadd.s32 $0xFFFFF000  }
0x10a: {  	_ =	swait.ge [sflag:s21], $0x1000  }
0x10b: {  	[sflag:s21] =	ssyncset.done $0x0  }
0x10c: {  	[sflag:s21] =	ssyncadd.s32 $0xFFFFF000  }
0x10d: {  	_ =	swait.ge [sflag:s21], $0x1000  }
0x10e: {  	[sflag:s21] =	ssyncset.done $0x0  }
0x10f: {  	[sflag:s21] =	ssyncadd.s32 $0xFFFFF000  }
0x110: {  	_ =	swait.ge [sflag:s21], $0x1000  }
0x111: {  	[sflag:s21] =	ssyncset.done $0x0  }
0x112: {  	s15 =	simm.s32 $0x9C00;
	[sflag:s21] =	ssyncadd.s32 $0xFFFFF000  }
0x113: {  	[spmem:s4] =	stream.indirect.scatter.add.f32 [tilespmem:s5], [sflag:$0x2], $0x10, s15, s28, $0xb8;
	[tilespmem:$0x16F00] =	vst v63  }
0x114: {  	s30 =	simm.s32 $0x9D00  }
0x115: {  	[spmem:s4] =	stream.indirect.scatter.add.f32 [tilespmem:s9], [sflag:$0x2], $0x10, s30, s28, $0xb8;
	[tilespmem:$0x16F00] =	vst v63  }
0x116: {  	s10 =	simm.s32 $0x9E00  }
0x117: {  	[spmem:s4] =	stream.indirect.scatter.add.f32 [tilespmem:s1], [sflag:$0x2], $0x10, s10, s28, $0xb8;
	[tilespmem:$0x16F00] =	vst v63  }
0x118: {  	s15 =	simm.s32 $0x9F00  }
0x119: {  	[spmem:s4] =	stream.indirect.scatter.add.f32 [tilespmem:s0], [sflag:$0x2], $0x10, s15, s28, $0xb8;
	[tilespmem:$0x16F00] =	vst v63  }
0x11a: {  	_ =	swait.ge [sflag:s22], $0x1000  }
0x11b: {  	[sflag:s22] =	ssyncset.done $0x0  }
0x11c: {  	[sflag:s22] =	ssyncadd.s32 $0xFFFFF000  }
0x11d: {  	_ =	swait.ge [sflag:s22], $0x1000  }
0x11e: {  	[sflag:s22] =	ssyncset.done $0x0  }
0x11f: {  	[sflag:s22] =	ssyncadd.s32 $0xFFFFF000  }
0x120: {  	_ =	swait.ge [sflag:s22], $0x1000  }
0x121: {  	[sflag:s22] =	ssyncset.done $0x0  }
0x122: {  	[sflag:s22] =	ssyncadd.s32 $0xFFFFF000  }
0x123: {  	_ =	swait.ge [sflag:s22], $0x1000  }
0x124: {  	[sflag:s22] =	ssyncset.done $0x0  }
0x125: {  	[sflag:s22] =	ssyncadd.s32 $0xFFFFF000  }
0x126: {  	s18 =	sadd.s32 $0x1, s18;
	[bflag:$0x0] =	sbarrier.arrive $0xFFFF  }
0x127: {  	p1 =	sne.s32 s18, $0x4;
	s30 =	rddreg [dreg:$0x2]  }
.Ltmp1:
0x128: {  	s7 =	sadd.s32 s30, s8;
	(pc) =	sbr.rel @p1 .LBB2_2-.Ltmp1, $4  }
0x129: {  	[hbm:s7@s23], [sflag:s19] =	dma.strided [spmem:s25@s22], $0x4F0, s21, $0x2   }
0x12a: {  	_ =	swait.ge [sflag:s17], $0x4F0  }
0x12b: {  	[sflag:s17] =	ssyncset.done $0x0  }
0x12c: {  	[sflag:s17] =	ssyncadd.s32 $0xFFFFFB10  }
0x12d: {  	s8 =	rddreg [dreg:$0xb]  }
0x12e: {  	s7 =	rddreg [dreg:$0xa];
	s8 =	sadd.s32 $0x1, s8  }
0x12f: {  	p1 =	sne.s32 s8, s7  }
.Ltmp2:
0x130: {  	_ = 	snop;
	(pc) =	sbr.rel @p1 .LBB2_1-.Ltmp2, $1  }
0x131: {  	_ =	sdelay $0x3  }
0x132: {  	_ =	sfence.sel $0x180000  }
0x133: {  	[bflag:$0x0] =	sbarrier.arrive $0xFFFF  }
0x134: {  	_ =	strace $0x9000004A  }
0x135: {  	s0 =	stileid.u32;
	[bflag:$0x2] =	sbarrier.arrive $0xFFFF  }
0x136: {  	p0 =	sne.s32 s0, $0x0;
	s0 =	rddreg [dreg:$0x5]  }
0x137: {  	s0 =	sadd.s32 @!p0 $0x100000, s0  }
0x138: {  	[sflag:s0] =	ssyncadd.tile.s32 @!p0 $0x1;
	_ =	shalt  }
.Lfunc_end2:
_tile_overlayer_lowered:
.L_overlay_start_2:
0x139: {  	(tag) =	ssettag $0x2  }
0x13a: {  	s0 =	rddreg [dreg:$0x0];
	s2 =	stileid.u32  }
0x13b: {  	s1 =	rddreg [dreg:$0x1];
	p0 =	sne.s32 s2, $0x0  }
0x13c: {  	s3 =	rddreg [dreg:$0x2];
	[bflag:$0x3] =	sbarrier.arrive $0xFFFF;
	s2 =	simm.s32 @!p0 $0x1C03  }
0x13d: {  	[timem:s3], [sflag:s2] =	dma.local @!p0 [hbm:s0], s1  }
0x13e: {  	s0 =	simm.s32 @!p0 $0x3  }
0x13f: {  	_ =	swait.ge @!p0 [sflag:s0], s1  }
0x140: {  	s1 =	ssub.s32 @!p0 $0x0, s1;
	[sflag:s0] =	ssyncset.done @!p0 $0x0  }
0x141: {  	[sflag:s0] =	ssyncadd.s32 @!p0 s1  }
0x142: {  	[bflag:$0x3] =	sbarrier.arrive $0xFFFF  }
0x143: {  	_ =	shalt  }

// kernel: kernel.14.cloned.1.call-start
scs
__scs_entry_jumppad:
0x0: {  	(pc) =	sbr.rel $0x88, $3  }
0x1: {  	(tag) =	ssettag $0x0;
	lr =	simm.s32 $0x1  }
0x2: {  	[smem:$0x3F9B] =	sst lr;
	_ =	strace $0xD0000000  }
0x3: {  	_ = 	snop  }
0x4: {  	_ = 	snop  }
0x5: {  	_ = 	snop  }
0x6: {  	_ = 	snop  }
0x7: {  	_ = 	snop  }
__scs_overlays_trampoline_lowered:
0x8: {  	[smem:$0x3FAA] =	sst s0  }
0x9: {  	[smem:$0x3FAB] =	sst s1  }
0xa: {  	[smem:$0x3FAC] =	sst s2  }
0xb: {  	[smem:$0x3FAD] =	sst s3  }
0xc: {  	[smem:$0x3FAE] =	sst s4  }
0xd: {  	[smem:$0x3FAF] =	sst s5  }
0xe: {  	[smem:$0x3FB0] =	sst s6  }
0xf: {  	[smem:$0x3FB1] =	sst s7  }
0x10: {  	[smem:$0x3FB2] =	sst s8  }
0x11: {  	[smem:$0x3FB3] =	sst s9;
	s0 =	simm.s32 @!p0 $0x0  }
0x12: {  	s1 =	sld [smem:$0x3F99];
	s0 =	simm.s32 @p0 $0x1  }
0x13: {  	[smem:$0x3FB4] =	sst s0;
	s0 =	simm.s32 @!p1 $0x0  }
0x14: {  	s2 =	sld [smem:$0x3F98];
	s0 =	simm.s32 @p1 $0x1  }
0x15: {  	[smem:$0x3FB5] =	sst s0;
	s0 =	simm.s32 @!p2 $0x0  }
0x16: {  	s3 =	sld [smem:$0x3FDB];
	s0 =	simm.s32 @p2 $0x1  }
0x17: {  	s4 =	simm.s32 $0x1BF5;
	[smem:$0x3FB7] =	sst s0  }
0x18: {  	s0 =	sld [smem:$0x3F9A];
	_ =	swait.ge [sflag:s4], $0x0  }
0x19: {  	s7 =	sld [smem:$0x3F9B]  }
0x1a: {  	s8 =	sadd.s32 $0xFFFFE003, lr  }
0x1b: {  	s9 =	sadd.s32 $0xFFFFFEF7, lr;
	s5 =	simm.s32 $0xFFFFFFFF;
	p2 =	slt.u32 s8, $0xFFFFF086  }
0x1c: {  	p1 =	slt.u32 s9, $0xF7A;
	s5 =	simm.s32 @!p2 $0x0  }
0x1d: {  	s5 =	simm.s32 @p1 $0x1;
	p0 =	seq.s32 s7, s2  }
0x1e: {  	s7 =	smul.u32 @!p0 $0xF7A, s2;
	p2 =	seq.s32 @!p0 s5, $0x0  }
0x1f: {  	s9 =	smul.u32 $0xF7A, s1;
	s8 =	simm.s32 @!p0 $0x1BF5;
	p2 =	por !p2, p0  }
0x20: {  	[sflag:s8] =	ssyncset.s32 @!p0 $0xFFFFF086;
	s6 =	sadd.s32 @!p0 s3, s7;
	s7 =	simm.s32 @!p0 $0x108  }
0x21: {  	s3 =	sadd.s32 s3, s9;
	s6 =	sadd.s32 @!p0 $0x88, s6;
	s7 =	simm.s32 @p2 $0x1082  }
0x22: {  	[simem:s7], [sflag:s8] =	dma.local @!p0 [hbm:s6], $0xF7A  }
0x23: {  	s9 =	sor.u32 $0xD0000000, s2;
	s6 =	simm.s32 $0x108;
	_ =	swait.ge @!p0 [sflag:s8], $0x0  }
0x24: {  	s3 =	sadd.s32 $0x88, s3;
	s6 =	simm.s32 @!p1 $0x1082;
	[sflag:s4] =	ssyncset.s32 $0xFFFFF086  }
0x25: {  	[simem:s6], [sflag:s4] =	dma.local [hbm:s3], $0xF7A  }
0x26: {  	[smem:$0x3F9B] =	sst s1;
	(tag) =	ssettag s2;
	_ =	strace s9  }
0x27: {  	s1 =	sld [smem:$0x3FAB]  }
0x28: {  	s2 =	sld [smem:$0x3FAC]  }
0x29: {  	s4 =	sld [smem:$0x3FAE]  }
0x2a: {  	p0 =	seq.s32 s5, $0x0;
	s5 =	sld [smem:$0x3FAF]  }
0x2b: {  	s6 =	sld [smem:$0x3FB0]  }
0x2c: {  	s7 =	sld [smem:$0x3FB1]  }
0x2d: {  	s3 =	simm.s32 $0x108;
	s8 =	sld [smem:$0x3FB2]  }
0x2e: {  	s3 =	simm.s32 @!p0 $0x1082;
	s9 =	sld [smem:$0x3FB3]  }
0x2f: {  	lr =	sadd.s32 s0, s3;
	s0 =	sld [smem:$0x3FAA]  }
0x30: {  	s3 =	sld [smem:$0x3FAD]  }
0x31: {  	[smem:$0x3FB6] =	sst s10  }
0x32: {  	s10 =	sld [smem:$0x3FB4];
	_ =	sdelay $0x3  }
0x33: {  	p0 =	seq.s32 s10, $0x1;
	s10 =	sld [smem:$0x3FB6];
	_ =	sdelay $0x3  }
0x34: {  	[smem:$0x3FB6] =	sst s10  }
0x35: {  	s10 =	sld [smem:$0x3FB5];
	_ =	sdelay $0x3  }
0x36: {  	p1 =	seq.s32 s10, $0x1;
	s10 =	sld [smem:$0x3FB6];
	_ =	sdelay $0x3  }
0x37: {  	[smem:$0x3FB6] =	sst s10  }
0x38: {  	s10 =	sld [smem:$0x3FB7]  }
0x39: {  	_ = 	snop;
	(pc) =	sbr.ind lr, $3  }
0x3a: {  	_ = 	snop  }
0x3b: {  	_ = 	snop  }
0x3c: {  	p2 =	seq.s32 s10, $0x1;
	s10 =	sld [smem:$0x3FB6]  }
0x3d: {  	_ =	shalt  }
0x3e: {  	_ =	shalt  }
0x3f: {  	_ =	shalt  }
0x40: {  	_ =	shalt  }
0x41: {  	_ =	shalt  }
0x42: {  	_ =	shalt  }
0x43: {  	_ =	shalt  }
0x44: {  	_ =	shalt  }
0x45: {  	_ =	shalt  }
0x46: {  	_ =	shalt  }
0x47: {  	_ =	shalt  }
0x48: {  	_ =	shalt  }
0x49: {  	_ =	shalt  }
0x4a: {  	_ =	shalt  }
0x4b: {  	_ =	shalt  }
0x4c: {  	_ =	shalt  }
0x4d: {  	_ =	shalt  }
0x4e: {  	_ =	shalt  }
0x4f: {  	_ =	shalt  }
0x50: {  	_ =	shalt  }
0x51: {  	_ =	shalt  }
0x52: {  	_ =	shalt  }
0x53: {  	_ =	shalt  }
0x54: {  	_ =	shalt  }
0x55: {  	_ =	shalt  }
0x56: {  	_ =	shalt  }
0x57: {  	_ =	shalt  }
0x58: {  	_ =	shalt  }
0x59: {  	_ =	shalt  }
0x5a: {  	_ =	shalt  }
0x5b: {  	_ =	shalt  }
0x5c: {  	_ =	shalt  }
0x5d: {  	_ =	shalt  }
0x5e: {  	_ =	shalt  }
0x5f: {  	_ =	shalt  }
0x60: {  	_ =	shalt  }
0x61: {  	_ =	shalt  }
0x62: {  	_ =	shalt  }
0x63: {  	_ =	shalt  }
0x64: {  	_ =	shalt  }
0x65: {  	_ =	shalt  }
0x66: {  	_ =	shalt  }
0x67: {  	_ =	shalt  }
0x68: {  	_ =	shalt  }
0x69: {  	_ =	shalt  }
0x6a: {  	_ =	shalt  }
0x6b: {  	_ =	shalt  }
0x6c: {  	_ =	shalt  }
0x6d: {  	_ =	shalt  }
0x6e: {  	_ =	shalt  }
0x6f: {  	_ =	shalt  }
0x70: {  	_ =	shalt  }
0x71: {  	_ =	shalt  }
0x72: {  	_ =	shalt  }
0x73: {  	_ =	shalt  }
0x74: {  	_ =	shalt  }
0x75: {  	_ =	shalt  }
0x76: {  	_ =	shalt  }
0x77: {  	_ =	shalt  }
0x78: {  	_ =	shalt  }
0x79: {  	_ =	shalt  }
0x7a: {  	_ =	shalt  }
0x7b: {  	_ =	shalt  }
0x7c: {  	_ =	shalt  }
0x7d: {  	_ =	shalt  }
0x7e: {  	_ =	shalt  }
0x7f: {  	_ =	shalt  }
0x80: {  	_ =	shalt  }
0x81: {  	_ =	shalt  }
0x82: {  	_ =	shalt  }
0x83: {  	_ =	shalt  }
0x84: {  	_ =	shalt  }
0x85: {  	_ =	shalt  }
0x86: {  	_ =	shalt  }
0x87: {  	_ =	shalt  }
.Lfunc_end0:
.L_simem_size_0:
called_computation.2_lowered:
.L_overlay_start_0:
0x88: {  	s2 =	sld [smem:$0x3FD9]  }
0x89: {  	s3 =	sld [smem:$0x3FFE];
	_ =	sdelay $0x1  }
0x8a: {  	s1 =	srdreg.scid  }
0x8b: {  	s0 =	sand.u32 $0x1, s1  }
0x8c: {  	s14 =	sshll.u32 s0, $0xA;
	s2 =	sadd.s32 s3, s2  }
0x8d: {  	s2 =	sadd.s32 s2, s14  }
0x8e: {  	[smem:$0x3FC2] =	sst s2  }
0x8f: {  	_ = 	snop  }
0x90: {  	s2 =	sld [smem:$0x3FD0];
	_ =	sdelay $0x2  }
0x91: {  	s15 =	simm.s32 $0xA;
	s4 =	simm.s32 $0x10  }
0x92: {  	[smem:s4], [sflag:s15] =	dma.local [hbm:s2], $0x1  }
0x93: {  	_ =	swait.eq [sflag:s15], $0x1  }
0x94: {  	[sflag:s15] =	ssyncset.done $0x0  }
0x95: {  	[sflag:s15] =	ssyncadd.s32 $0xFFFFFFFF  }
0x96: {  	s16 =	sld [smem:$0x10];
	(tm) =	ssettm $0x1  }
0x97: {  	s17 =	sld [smem:$0x3FFB];
	_ =	sdelay $0x3  }
0x98: {  	_ =	strace s17  }
0x99: {  	s3 =	sld [smem:$0x3FFC];
	_ =	sdelay $0x3  }
0x9a: {  	_ =	strace s3  }
0x9b: {  	s3 =	sld [smem:$0x3FFD];
	_ =	sdelay $0x3  }
0x9c: {  	_ =	strace s3  }
0x9d: {  	_ =	strace $0x8FFFFFFF  }
0x9e: {  	s18 =	sld [smem:$0x3FDB];
	_ =	sdelay $0x1  }
0x9f: {  	s19 =	simm.s32 $_scs_section_size  }
0xa0: {  	s5 =	simm.s32 $_size__tile_overlayer_lowered;
	s6 =	simm.s32 $_tile_overlayer_lowered  }
0xa1: {  	s22 =	simm.s32 $0x1BFF;
	s21 =	sshll.u32 s6, $0x1;
	s3 =	sadd.s32 s19, s18  }
0xa2: {  	s7 =	simm.s32 $0x0;
	s20 =	sshll.u32 s5, $0x1;
	s5 =	sadd.s32 s21, s3  }
0xa3: {  	[timem:s7], [sflag:s22] =	dma.local [hbm:s5], s20  }
0xa4: {  	_ =	swait.ge [sflag:s22], s20  }
0xa5: {  	s4 =	ssub.s32 $0x0, s20;
	[sflag:s22] =	ssyncset.done $0x0  }
0xa6: {  	[sflag:s22] =	ssyncadd.s32 s4;
	_ =	sdelay $0x1  }
0xa7: {  	s23 =	simm.s32 $0x1B8B  }
0xa8: {  	_ =	swait.ge [sflag:s23], $0x1  }
0xa9: {  	[sflag:s23] =	ssyncset.done $0x0  }
0xaa: {  	s25 =	simm.s32 $0x1B8E;
	s24 =	sld [smem:$0x3FFE];
	[sflag:s23] =	ssyncadd.s32 $0xFFFFFFFF  }
0xab: {  	s26 =	simm.s32 $execute0_lowered;
	[smem:$0x3FD2] =	sst s25  }
0xac: {  	s5 =	sshll.u32 s26, $0x1;
	_ =	strace $0x8000004C;
	[dreg:$0x1] =	wrdreg $0xFFFFFFFF  }
0xad: {  	s28 =	simm.s32 $_size_execute0_lowered;
	s3 =	sadd.s32 s3, s5;
	[dreg:$0x0] =	wrdreg $0x0  }
0xae: {  	s5 =	sshll.u32 s28, $0x1;
	[dreg:$0x2] =	wrdreg s3  }
0xaf: {  	[dreg:$0x3] =	wrdreg s5  }
0xb0: {  	[dreg:$0x4] =	wrdreg $0xC0  }
0xb1: {  	_ =	task [dreg:s7], $0x5FFFF  }
0xb2: {  	[dreg:$0x1] =	wrdreg $0xFFFFFFFF  }
0xb3: {  	[dreg:$0x0] =	wrdreg $0x60  }
0xb4: {  	[dreg:$0x2] =	wrdreg s24  }
0xb5: {  	[dreg:$0x3] =	wrdreg s16  }
0xb6: {  	[dreg:$0x4] =	wrdreg $0x120000  }
0xb7: {  	[dreg:$0x5] =	wrdreg $0x147800  }
0xb8: {  	[dreg:$0x6] =	wrdreg $0x9  }
0xb9: {  	_ =	task.clear_ibuf [dreg:s7], $0x7FFFF;
	_ =	strace $0x9000004C  }
0xba: {  	s29 =	simm.s32 $0x9;
	_ =	strace $0x8000004E  }
0xbb: {  	_ =	swait.ge [sflag:s29], $0x1  }
0xbc: {  	[sflag:s29] =	ssyncadd.s32 $0xFFFFFFFF  }
0xbd: {  	_ =	strace $0x9000004E  }
0xbe: {  	_ =	sfence  }
0xbf: {  	s30 =	sld [smem:$0x0];
	_ =	sdelay $0x2  }
0xc0: {  	s31 =	sshll.u32 s1, $0xD;
	s1 =	sshrl.u32 s1, $0x2  }
0xc1: {  	s3 =	sand.u32 $0x4000, s31;
	s1 =	sadd.s32 s1, s30  }
0xc2: {  	s0 =	sor.u32 s3, s0;
	s1 =	sshll.u32 s1, $0x11  }
0xc3: {  	s0 =	sor.u32 s1, s0  }
0xc4: {  	s0 =	sadd.s32 $0x8F2B, s0  }
0xc5: {  	[sflag:s0] =	ssyncadd.remote.s32 $0x1  }
0xc6: {  	_ =	sfence.sel $0xFFFF  }
0xc7: {  	[dreg:$0x0] =	wrdreg $0xFFFFFFFF;
	(pc) =	sbr.abs _section_cstart, $3  }
0xc8: {  	[dreg:$0x1] =	wrdreg $0xFFFFFFFF  }
0xc9: {  	_ =	task.clear_ibuf [dreg:s7], $0x2FFFF;
	_ =	strace $0x9FFFFFFF  }
0xca: {  	(tm) =	ssettm $0x7FFFFFFF  }
0xcb: {  	_ =	shalt  }
tec
execute0_lowered:
.L_overlay_start_1:
0x0: {  	(tag) =	ssettag $0x1  }
0x1: {  	s0 =	rddreg [dreg:$0x0]  }
0x2: {  	s2 =	rddreg [dreg:$0x1]  }
0x3: {  	s1 =	rddreg [dreg:$0x2]  }
0x4: {  	s3 =	rddreg [dreg:$0x3];
	s4 =	simm.s32 $0x0  }
0x5: {  	s6 =	stileid.u32;
	s5 =	srdreg.scid;
	s17 =	simm.s32 $0x3  }
0x6: {  	s28 =	simm.s32 $0x100;
	s29 =	simm.s32 $0xB000;
	s20 =	smul.u32 $0xA00, s6  }
0x7: {  	s31 =	simm.s32 $0xC000;
	[smem:$0x7FF] =	sst s4;
	s12 =	smul.u32 $0x278, s6  }
0x8: {  	s8 =	sand.u32 $0x1, s5;
	s5 =	sadd.s32 $0xC800, s0;
	s15 =	smul.u32 $0x2780, s6  }
0x9: {  	s7 =	sadd.s32 $0x33A00, s0;
	s22 =	smul.u32 $0x9E00, s6;
	s30 =	sshll.u32 s6, $0x6  }
0xa: {  	p0 =	seq.s32 s6, $0xF;
	_ =	strace $0x8000004D;
	s10 =	ssub.s32 $0x2, s8  }
0xb: {  	[dreg:$0x5] =	wrdreg s7;
	s7 =	sadd.s32 $0x33C00, s0;
	s19 =	sor.u32 $0x1C03, s30  }
0xc: {  	s9 =	sadd.s32 s20, s0;
	s11 =	sshrl.u32 s10, $0x1;
	s2 =	sadd.s32 s2, s20  }
0xd: {  	s23 =	sadd.s32 $0x208, s12;
	s24 =	sadd.s32 s15, s1;
	s26 =	sadd.s32 s15, s3  }
0xe: {  	s21 =	ssub.s32 s10, s11;
	s9 =	sadd.s32 $0x2800, s9;
	[dreg:$0x7] =	wrdreg s2  }
0xf: {  	s10 =	sshll.u32 s8, $0x5;
	s11 =	smul.u32 $0x13C00, s6;
	s25 =	sshll.u32 s23, $0x4  }
0x10: {  	s2 =	sshrl.u32 s22, $0x2;
	s12 =	sshll.u32 s23, $0x7;
	s20 =	sshrl.u32 s24, $0x3  }
0x11: {  	s22 =	simm.s32 $0x2;
	s23 =	simm.s32 $0x10000;
	s8 =	simm.s32 $0x0  }
0x12: {  	[dreg:$0x6] =	wrdreg s9;
	s4 =	sadd.s32 s25, s1;
	s13 =	sadd.s32 s2, s3  }
0x13: {  	s0 =	smax.u32 s21, $0x1;
	s21 =	simm.s32 $0x1;
	s25 =	sshrl.u32 s26, $0x3  }
0x14: {  	s26 =	simm.s32 $0xA000;
	s2 =	simm.s32 $0xD000;
	s9 =	simm.s32 $0xF000  }
0x15: {  	s14 =	sadd.s32 $0x2000, s13;
	[dreg:$0x8] =	wrdreg s0;
	s16 =	sadd.s32 $0x1000, s13  }
0x16: {  	s24 =	sshrl.u32 @!p0 s4, $0x3;
	s4 =	simm.s32 $0xE000;
	s0 =	simm.s32 $0x11000  }
.LBB2_1:
0x17: {  	[dreg:$0x9] =	wrdreg s8  }
0x18: {  	s6 =	simm.s32 $0x0;
	s18 =	rddreg [dreg:$0x6]  }
0x19: {  	[tilespmem:s6], [sflag:$0x3] =	stream.linear.gather [hbm4b:s18+s6], $0x5000, $0x38;
	[tilespmem:$0x16F00] =	vst v63  }
0x1a: {  	_ =	swait.ge [sflag:s17], $0x5000  }
0x1b: {  	[sflag:s17] =	ssyncset.done $0x0  }
0x1c: {  	s15 =	simm.s32 $0x5000;
	s30 =	rddreg [dreg:$0x7];
	[sflag:s17] =	ssyncadd.s32 $0xFFFFB000  }
0x1d: {  	[tilespmem:s15], [sflag:$0x3] =	stream.linear.gather [hbm4b:s30+s6], $0x5000, $0x38;
	[tilespmem:$0x16F00] =	vst v63  }
0x1e: {  	_ =	swait.ge [sflag:s17], $0x5000  }
0x1f: {  	[sflag:s17] =	ssyncset.done $0x0  }
0x20: {  	p2 =	por $0x1, $0x1;
	s8 =	simm.s32 $0x0;
	[sflag:s17] =	ssyncadd.s32 $0xFFFFB000  }
.LBB2_2:
0x21: {  	s8 =	sor.u32 s10, s8  }
0x22: {  	s15 =	sor.u32 s11, s8  }
0x23: {  	s18 =	sshrl.u32 s15, $0x3  }
0x24: {  	s6 =	simm.s32 $0x10;
	s8 =	sor.u32 @!p0 s12, s8;
	s15 =	sadd.s32 s5, s18  }
0x25: {  	[spmem:s20@s22], [sflag:s19] =	dma.strided [hbm:s15@s6], $0x410, s21, $0x2   }
0x26: {  	s8 =	sshrl.u32 @!p0 s8, $0x3;
	_ =	swait.ge [sflag:s17], $0x410  }
0x27: {  	s30 =	simm.s32 @!p0 $0x2;
	s8 =	sadd.s32 @!p0 s5, s8;
	[sflag:s17] =	ssyncset.done $0x0  }
0x28: {  	s15 =	simm.s32 @!p0 $0x1;
	s6 =	simm.s32 @!p0 $0x10;
	[sflag:s17] =	ssyncadd.s32 $0xFFFFFBF0  }
0x29: {  	[spmem:s24@s30], [sflag:s19] =	dma.strided @!p0 [hbm:s8@s6], $0xE0, s15, $0x2   }
0x2a: {  	s6 =	simm.s32 @!p0 $0x3  }
0x2b: {  	_ =	swait.ge @!p0 [sflag:s6], $0xE0  }
0x2c: {  	[sflag:s6] =	ssyncset.done @!p0 $0x0  }
0x2d: {  	s15 =	simm.s32 $0x0;
	s30 =	rddreg [dreg:$0x5];
	[sflag:s6] =	ssyncadd.s32 @!p0 $0xFFFFFF20  }
0x2e: {  	[tilespmem:s26], [sflag:$0x3] =	stream.linear.gather [hbm4b:s30+s15], $0x1000, $0x38;
	[tilespmem:$0x16F00] =	vst v63  }
0x2f: {  	_ =	swait.ge [sflag:s17], $0x1000  }
0x30: {  	[sflag:s17] =	ssyncset.done $0x0  }
0x31: {  	[sflag:s17] =	ssyncadd.s32 $0xFFFFF000  }
0x32: {  	[spmem:s13] =	stream.linear.scatter [tilespmem:s26], [sflag:$0x3], $0x1000, $0x38;
	[tilespmem:$0x16F00] =	vst v63  }
0x33: {  	_ =	swait.ge [sflag:s17], $0x1000  }
0x34: {  	[sflag:s17] =	ssyncset.done $0x0  }
0x35: {  	[sflag:s17] =	ssyncadd.s32 $0xFFFFF000  }
0x36: {  	[spmem:s16] =	stream.linear.scatter [tilespmem:s26], [sflag:$0x3], $0x1000, $0x38;
	[tilespmem:$0x16F00] =	vst v63  }
0x37: {  	_ =	swait.ge [sflag:s17], $0x1000  }
0x38: {  	[sflag:s17] =	ssyncset.done $0x0  }
0x39: {  	[sflag:s17] =	ssyncadd.s32 $0xFFFFF000  }
0x3a: {  	[spmem:s14] =	stream.linear.scatter [tilespmem:s26], [sflag:$0x3], $0x780, $0x38;
	[tilespmem:$0x16F00] =	vst v63  }
0x3b: {  	_ =	swait.ge [sflag:s17], $0x780  }
0x3c: {  	[sflag:s17] =	ssyncset.done $0x0  }
0x3d: {  	[sflag:s17] =	ssyncadd.s32 $0xFFFFF880  }
0x3e: {  	[bflag:$0x0] =	sbarrier.arrive $0xFFFF  }
0x3f: {  	[tilespmem:s26], [sflag:$0x1] =	stream.indirect.gather [spmem:s1], $0x10, s15, s28, $0xb8;
	[tilespmem:$0x16F00] =	vst v63  }
0x40: {  	_ = 	snop  }
0x41: {  	[tilespmem:s29], [sflag:$0x1] =	stream.indirect.gather [spmem:s1], $0x10, s28, s28, $0xb8;
	[tilespmem:$0x16F00] =	vst v63  }
0x42: {  	s8 =	simm.s32 $0x200  }
0x43: {  	[tilespmem:s31], [sflag:$0x1] =	stream.indirect.gather [spmem:s1], $0x10, s8, s28, $0xb8;
	[tilespmem:$0x16F00] =	vst v63  }
0x44: {  	s15 =	simm.s32 $0x300  }
0x45: {  	[tilespmem:s2], [sflag:$0x1] =	stream.indirect.gather [spmem:s1], $0x10, s15, s28, $0xb8;
	[tilespmem:$0x16F00] =	vst v63  }
0x46: {  	s30 =	simm.s32 $0x400  }
0x47: {  	[tilespmem:s4], [sflag:$0x1] =	stream.indirect.gather [spmem:s1], $0x10, s30, s28, $0xb8;
	[tilespmem:$0x16F00] =	vst v63  }
0x48: {  	s8 =	simm.s32 $0x500  }
0x49: {  	[tilespmem:s9], [sflag:$0x1] =	stream.indirect.gather [spmem:s1], $0x10, s8, s28, $0xb8;
	[tilespmem:$0x16F00] =	vst v63  }
0x4a: {  	s15 =	simm.s32 $0x600  }
0x4b: {  	[tilespmem:s23], [sflag:$0x1] =	stream.indirect.gather [spmem:s1], $0x10, s15, s28, $0xb8;
	[tilespmem:$0x16F00] =	vst v63  }
0x4c: {  	s30 =	simm.s32 $0x700  }
0x4d: {  	[tilespmem:s0], [sflag:$0x1] =	stream.indirect.gather [spmem:s1], $0x10, s30, s28, $0xb8;
	[tilespmem:$0x16F00] =	vst v63  }
0x4e: {  	_ =	swait.ge [sflag:s21], $0x1000  }
0x4f: {  	[sflag:s21] =	ssyncset.done $0x0  }
0x50: {  	[sflag:s21] =	ssyncadd.s32 $0xFFFFF000  }
0x51: {  	_ =	swait.ge [sflag:s21], $0x1000  }
0x52: {  	[sflag:s21] =	ssyncset.done $0x0  }
0x53: {  	[sflag:s21] =	ssyncadd.s32 $0xFFFFF000  }
0x54: {  	_ =	swait.ge [sflag:s21], $0x1000  }
0x55: {  	[sflag:s21] =	ssyncset.done $0x0  }
0x56: {  	[sflag:s21] =	ssyncadd.s32 $0xFFFFF000  }
0x57: {  	_ =	swait.ge [sflag:s21], $0x1000  }
0x58: {  	[sflag:s21] =	ssyncset.done $0x0  }
0x59: {  	s8 =	simm.s32 $0x5000;
	[sflag:s21] =	ssyncadd.s32 $0xFFFFF000  }
0x5a: {  	[spmem:s3] =	stream.indirect.scatter.add.f32 [tilespmem:s26], [sflag:$0x2], $0x10, s8, s28, $0xb8;
	[tilespmem:$0x16F00] =	vst v63  }
0x5b: {  	s15 =	simm.s32 $0x5100  }
0x5c: {  	[spmem:s3] =	stream.indirect.scatter.add.f32 [tilespmem:s29], [sflag:$0x2], $0x10, s15, s28, $0xb8;
	[tilespmem:$0x16F00] =	vst v63  }
0x5d: {  	s30 =	simm.s32 $0x5200  }
0x5e: {  	[spmem:s3] =	stream.indirect.scatter.add.f32 [tilespmem:s31], [sflag:$0x2], $0x10, s30, s28, $0xb8;
	[tilespmem:$0x16F00] =	vst v63  }
0x5f: {  	s8 =	simm.s32 $0x5300  }
0x60: {  	[spmem:s3] =	stream.indirect.scatter.add.f32 [tilespmem:s2], [sflag:$0x2], $0x10, s8, s28, $0xb8;
	[tilespmem:$0x16F00] =	vst v63  }
0x61: {  	_ =	swait.ge [sflag:s22], $0x1000  }
0x62: {  	[sflag:s22] =	ssyncset.done $0x0  }
0x63: {  	[sflag:s22] =	ssyncadd.s32 $0xFFFFF000  }
0x64: {  	_ =	swait.ge [sflag:s22], $0x1000  }
0x65: {  	[sflag:s22] =	ssyncset.done $0x0  }
0x66: {  	[sflag:s22] =	ssyncadd.s32 $0xFFFFF000  }
0x67: {  	_ =	swait.ge [sflag:s22], $0x1000  }
0x68: {  	[sflag:s22] =	ssyncset.done $0x0  }
0x69: {  	[sflag:s22] =	ssyncadd.s32 $0xFFFFF000  }
0x6a: {  	_ =	swait.ge [sflag:s22], $0x1000  }
0x6b: {  	[sflag:s22] =	ssyncset.done $0x0  }
0x6c: {  	s15 =	simm.s32 $0x800;
	[sflag:s22] =	ssyncadd.s32 $0xFFFFF000  }
0x6d: {  	[tilespmem:s26], [sflag:$0x1] =	stream.indirect.gather [spmem:s1], $0x10, s15, s28, $0xb8;
	[tilespmem:$0x16F00] =	vst v63  }
0x6e: {  	s30 =	simm.s32 $0x900  }
0x6f: {  	[tilespmem:s29], [sflag:$0x1] =	stream.indirect.gather [spmem:s1], $0x10, s30, s28, $0xb8;
	[tilespmem:$0x16F00] =	vst v63  }
0x70: {  	s8 =	simm.s32 $0xA00  }
0x71: {  	[tilespmem:s31], [sflag:$0x1] =	stream.indirect.gather [spmem:s1], $0x10, s8, s28, $0xb8;
	[tilespmem:$0x16F00] =	vst v63  }
0x72: {  	s15 =	simm.s32 $0xB00  }
0x73: {  	[tilespmem:s2], [sflag:$0x1] =	stream.indirect.gather [spmem:s1], $0x10, s15, s28, $0xb8;
	[tilespmem:$0x16F00] =	vst v63  }
0x74: {  	_ =	swait.ge [sflag:s21], $0x1000  }
0x75: {  	[sflag:s21] =	ssyncset.done $0x0  }
0x76: {  	[sflag:s21] =	ssyncadd.s32 $0xFFFFF000  }
0x77: {  	_ =	swait.ge [sflag:s21], $0x1000  }
0x78: {  	[sflag:s21] =	ssyncset.done $0x0  }
0x79: {  	[sflag:s21] =	ssyncadd.s32 $0xFFFFF000  }
0x7a: {  	_ =	swait.ge [sflag:s21], $0x1000  }
0x7b: {  	[sflag:s21] =	ssyncset.done $0x0  }
0x7c: {  	[sflag:s21] =	ssyncadd.s32 $0xFFFFF000  }
0x7d: {  	_ =	swait.ge [sflag:s21], $0x1000  }
0x7e: {  	[sflag:s21] =	ssyncset.done $0x0  }
0x7f: {  	s30 =	simm.s32 $0x5400;
	[sflag:s21] =	ssyncadd.s32 $0xFFFFF000  }
0x80: {  	[spmem:s3] =	stream.indirect.scatter.add.f32 [tilespmem:s4], [sflag:$0x2], $0x10, s30, s28, $0xb8;
	[tilespmem:$0x16F00] =	vst v63  }
0x81: {  	s8 =	simm.s32 $0x5500  }
0x82: {  	[spmem:s3] =	stream.indirect.scatter.add.f32 [tilespmem:s9], [sflag:$0x2], $0x10, s8, s28, $0xb8;
	[tilespmem:$0x16F00] =	vst v63  }
0x83: {  	s15 =	simm.s32 $0x5600  }
0x84: {  	[spmem:s3] =	stream.indirect.scatter.add.f32 [tilespmem:s23], [sflag:$0x2], $0x10, s15, s28, $0xb8;
	[tilespmem:$0x16F00] =	vst v63  }
0x85: {  	s30 =	simm.s32 $0x5700  }
0x86: {  	[spmem:s3] =	stream.indirect.scatter.add.f32 [tilespmem:s0], [sflag:$0x2], $0x10, s30, s28, $0xb8;
	[tilespmem:$0x16F00] =	vst v63  }
0x87: {  	_ =	swait.ge [sflag:s22], $0x1000  }
0x88: {  	[sflag:s22] =	ssyncset.done $0x0  }
0x89: {  	[sflag:s22] =	ssyncadd.s32 $0xFFFFF000  }
0x8a: {  	_ =	swait.ge [sflag:s22], $0x1000  }
0x8b: {  	[sflag:s22] =	ssyncset.done $0x0  }
0x8c: {  	[sflag:s22] =	ssyncadd.s32 $0xFFFFF000  }
0x8d: {  	_ =	swait.ge [sflag:s22], $0x1000  }
0x8e: {  	[sflag:s22] =	ssyncset.done $0x0  }
0x8f: {  	[sflag:s22] =	ssyncadd.s32 $0xFFFFF000  }
0x90: {  	_ =	swait.ge [sflag:s22], $0x1000  }
0x91: {  	[sflag:s22] =	ssyncset.done $0x0  }
0x92: {  	s8 =	simm.s32 $0xC00;
	[sflag:s22] =	ssyncadd.s32 $0xFFFFF000  }
0x93: {  	[tilespmem:s4], [sflag:$0x1] =	stream.indirect.gather [spmem:s1], $0x10, s8, s28, $0xb8;
	[tilespmem:$0x16F00] =	vst v63  }
0x94: {  	p1 =	por p2, p2;
	s15 =	simm.s32 $0xD00  }
0x95: {  	[tilespmem:s9], [sflag:$0x1] =	stream.indirect.gather [spmem:s1], $0x10, s15, s28, $0xb8;
	[tilespmem:$0x16F00] =	vst v63  }
0x96: {  	s30 =	simm.s32 $0xE00;
	s8 =	simm.s32 $0x2000;
	s15 =	simm.s32 $0xF00  }
0x97: {  	[tilespmem:s23], [sflag:$0x1] =	stream.indirect.gather [spmem:s1], $0x10, s30, s28, $0xb8;
	[tilespmem:$0x16F00] =	vst v63  }
.LBB2_3:
0x98: {  	[tilespmem:s0], [sflag:$0x1] =	stream.indirect.gather [spmem:s1], $0x10, s15, s28, $0xb8;
	[tilespmem:$0x16F00] =	vst v63  }
0x99: {  	s6 =	smov.u32 s8  }
0x9a: {  	p2 =	sne.s32 s8, $0x10000;
	s8 =	sadd.s32 $0x2000, s8;
	_ =	swait.ge [sflag:s21], $0x1000  }
0x9b: {  	[sflag:s21] =	ssyncset.done $0x0  }
0x9c: {  	[sflag:s21] =	ssyncadd.s32 $0xFFFFF000  }
0x9d: {  	_ =	swait.ge [sflag:s21], $0x1000  }
0x9e: {  	[sflag:s21] =	ssyncset.done $0x0  }
0x9f: {  	[sflag:s21] =	ssyncadd.s32 $0xFFFFF000  }
0xa0: {  	_ =	swait.ge [sflag:s21], $0x1000  }
0xa1: {  	[sflag:s21] =	ssyncset.done $0x0  }
0xa2: {  	[sflag:s21] =	ssyncadd.s32 $0xFFFFF000  }
0xa3: {  	_ =	swait.ge [sflag:s21], $0x1000  }
0xa4: {  	s15 =	sshra.s32 s6, $0x2;
	[sflag:s21] =	ssyncset.done $0x0  }
0xa5: {  	s6 =	sadd.s32 $0x5000, s15;
	[sflag:s21] =	ssyncadd.s32 $0xFFFFF000  }
0xa6: {  	[spmem:s3] =	stream.indirect.scatter.add.f32 [tilespmem:s26], [sflag:$0x2], $0x10, s6, s28, $0xb8;
	[tilespmem:$0x16F00] =	vst v63  }
0xa7: {  	s6 =	sadd.s32 $0x5100, s15  }
0xa8: {  	[spmem:s3] =	stream.indirect.scatter.add.f32 [tilespmem:s29], [sflag:$0x2], $0x10, s6, s28, $0xb8;
	[tilespmem:$0x16F00] =	vst v63  }
0xa9: {  	s6 =	sadd.s32 $0x5200, s15  }
0xaa: {  	[spmem:s3] =	stream.indirect.scatter.add.f32 [tilespmem:s31], [sflag:$0x2], $0x10, s6, s28, $0xb8;
	[tilespmem:$0x16F00] =	vst v63  }
0xab: {  	s6 =	sadd.s32 $0x5300, s15  }
0xac: {  	[spmem:s3] =	stream.indirect.scatter.add.f32 [tilespmem:s2], [sflag:$0x2], $0x10, s6, s28, $0xb8;
	[tilespmem:$0x16F00] =	vst v63  }
0xad: {  	_ =	swait.ge [sflag:s22], $0x1000  }
0xae: {  	[sflag:s22] =	ssyncset.done $0x0  }
0xaf: {  	[sflag:s22] =	ssyncadd.s32 $0xFFFFF000  }
0xb0: {  	_ =	swait.ge [sflag:s22], $0x1000  }
0xb1: {  	[sflag:s22] =	ssyncset.done $0x0  }
0xb2: {  	[sflag:s22] =	ssyncadd.s32 $0xFFFFF000  }
0xb3: {  	_ =	swait.ge [sflag:s22], $0x1000  }
0xb4: {  	[sflag:s22] =	ssyncset.done $0x0  }
0xb5: {  	[sflag:s22] =	ssyncadd.s32 $0xFFFFF000  }
0xb6: {  	_ =	swait.ge [sflag:s22], $0x1000  }
0xb7: {  	[sflag:s22] =	ssyncset.done $0x0  }
0xb8: {  	s6 =	sadd.s32 $0x800, s15;
	[sflag:s22] =	ssyncadd.s32 $0xFFFFF000  }
0xb9: {  	[tilespmem:s26], [sflag:$0x1] =	stream.indirect.gather [spmem:s1], $0x10, s6, s28, $0xb8;
	[tilespmem:$0x16F00] =	vst v63  }
0xba: {  	s6 =	sadd.s32 $0x900, s15  }
0xbb: {  	[tilespmem:s29], [sflag:$0x1] =	stream.indirect.gather [spmem:s1], $0x10, s6, s28, $0xb8;
	[tilespmem:$0x16F00] =	vst v63  }
0xbc: {  	s6 =	sadd.s32 $0xA00, s15  }
0xbd: {  	[tilespmem:s31], [sflag:$0x1] =	stream.indirect.gather [spmem:s1], $0x10, s6, s28, $0xb8;
	[tilespmem:$0x16F00] =	vst v63  }
0xbe: {  	s6 =	sadd.s32 $0xB00, s15  }
0xbf: {  	[tilespmem:s2], [sflag:$0x1] =	stream.indirect.gather [spmem:s1], $0x10, s6, s28, $0xb8;
	[tilespmem:$0x16F00] =	vst v63  }
0xc0: {  	_ =	swait.ge [sflag:s21], $0x1000  }
0xc1: {  	[sflag:s21] =	ssyncset.done $0x0  }
0xc2: {  	[sflag:s21] =	ssyncadd.s32 $0xFFFFF000  }
0xc3: {  	_ =	swait.ge [sflag:s21], $0x1000  }
0xc4: {  	[sflag:s21] =	ssyncset.done $0x0  }
0xc5: {  	[sflag:s21] =	ssyncadd.s32 $0xFFFFF000  }
0xc6: {  	_ =	swait.ge [sflag:s21], $0x1000  }
0xc7: {  	[sflag:s21] =	ssyncset.done $0x0  }
0xc8: {  	[sflag:s21] =	ssyncadd.s32 $0xFFFFF000  }
0xc9: {  	_ =	swait.ge [sflag:s21], $0x1000  }
0xca: {  	[sflag:s21] =	ssyncset.done $0x0  }
0xcb: {  	s6 =	sadd.s32 $0x5400, s15;
	[sflag:s21] =	ssyncadd.s32 $0xFFFFF000  }
0xcc: {  	[spmem:s3] =	stream.indirect.scatter.add.f32 [tilespmem:s4], [sflag:$0x2], $0x10, s6, s28, $0xb8;
	[tilespmem:$0x16F00] =	vst v63  }
0xcd: {  	s6 =	sadd.s32 $0x5500, s15  }
0xce: {  	[spmem:s3] =	stream.indirect.scatter.add.f32 [tilespmem:s9], [sflag:$0x2], $0x10, s6, s28, $0xb8;
	[tilespmem:$0x16F00] =	vst v63  }
0xcf: {  	s6 =	sadd.s32 $0x5600, s15  }
0xd0: {  	[spmem:s3] =	stream.indirect.scatter.add.f32 [tilespmem:s23], [sflag:$0x2], $0x10, s6, s28, $0xb8;
	[tilespmem:$0x16F00] =	vst v63  }
0xd1: {  	s6 =	sadd.s32 $0x5700, s15  }
0xd2: {  	[spmem:s3] =	stream.indirect.scatter.add.f32 [tilespmem:s0], [sflag:$0x2], $0x10, s6, s28, $0xb8;
	[tilespmem:$0x16F00] =	vst v63  }
0xd3: {  	_ =	swait.ge [sflag:s22], $0x1000  }
0xd4: {  	[sflag:s22] =	ssyncset.done $0x0  }
0xd5: {  	[sflag:s22] =	ssyncadd.s32 $0xFFFFF000  }
0xd6: {  	_ =	swait.ge [sflag:s22], $0x1000  }
0xd7: {  	[sflag:s22] =	ssyncset.done $0x0  }
0xd8: {  	[sflag:s22] =	ssyncadd.s32 $0xFFFFF000  }
0xd9: {  	_ =	swait.ge [sflag:s22], $0x1000  }
0xda: {  	[sflag:s22] =	ssyncset.done $0x0  }
0xdb: {  	[sflag:s22] =	ssyncadd.s32 $0xFFFFF000  }
0xdc: {  	_ =	swait.ge [sflag:s22], $0x1000  }
0xdd: {  	[sflag:s22] =	ssyncset.done $0x0  }
0xde: {  	s6 =	sadd.s32 $0xC00, s15;
	[sflag:s22] =	ssyncadd.s32 $0xFFFFF000  }
0xdf: {  	[tilespmem:s4], [sflag:$0x1] =	stream.indirect.gather [spmem:s1], $0x10, s6, s28, $0xb8;
	[tilespmem:$0x16F00] =	vst v63  }
.Ltmp0:
0xe0: {  	s6 =	sadd.s32 $0xD00, s15;
	(pc) =	sbr.rel @p2 .LBB2_3-.Ltmp0, $4  }
0xe1: {  	[tilespmem:s9], [sflag:$0x1] =	stream.indirect.gather [spmem:s1], $0x10, s6, s28, $0xb8;
	[tilespmem:$0x16F00] =	vst v63  }
0xe2: {  	s6 =	sadd.s32 $0xE00, s15  }
0xe3: {  	[tilespmem:s23], [sflag:$0x1] =	stream.indirect.gather [spmem:s1], $0x10, s6, s28, $0xb8;
	[tilespmem:$0x16F00] =	vst v63  }
0xe4: {  	s15 =	sadd.s32 $0xF00, s15  }
0xe5: {  	[tilespmem:s0], [sflag:$0x1] =	stream.indirect.gather [spmem:s1], $0x10, s15, s28, $0xb8;
	[tilespmem:$0x16F00] =	vst v63  }
0xe6: {  	_ =	swait.ge [sflag:s21], $0x1000  }
0xe7: {  	[sflag:s21] =	ssyncset.done $0x0  }
0xe8: {  	[sflag:s21] =	ssyncadd.s32 $0xFFFFF000  }
0xe9: {  	_ =	swait.ge [sflag:s21], $0x1000  }
0xea: {  	[sflag:s21] =	ssyncset.done $0x0  }
0xeb: {  	[sflag:s21] =	ssyncadd.s32 $0xFFFFF000  }
0xec: {  	_ =	swait.ge [sflag:s21], $0x1000  }
0xed: {  	[sflag:s21] =	ssyncset.done $0x0  }
0xee: {  	[sflag:s21] =	ssyncadd.s32 $0xFFFFF000  }
0xef: {  	_ =	swait.ge [sflag:s21], $0x1000  }
0xf0: {  	[sflag:s21] =	ssyncset.done $0x0  }
0xf1: {  	s6 =	simm.s32 $0x9800;
	[sflag:s21] =	ssyncadd.s32 $0xFFFFF000  }
0xf2: {  	[spmem:s3] =	stream.indirect.scatter.add.f32 [tilespmem:s26], [sflag:$0x2], $0x10, s6, s28, $0xb8;
	[tilespmem:$0x16F00] =	vst v63  }
0xf3: {  	s15 =	simm.s32 $0x9900  }
0xf4: {  	[spmem:s3] =	stream.indirect.scatter.add.f32 [tilespmem:s29], [sflag:$0x2], $0x10, s15, s28, $0xb8;
	[tilespmem:$0x16F00] =	vst v63  }
0xf5: {  	s30 =	simm.s32 $0x9A00  }
0xf6: {  	[spmem:s3] =	stream.indirect.scatter.add.f32 [tilespmem:s31], [sflag:$0x2], $0x10, s30, s28, $0xb8;
	[tilespmem:$0x16F00] =	vst v63  }
0xf7: {  	s8 =	simm.s32 $0x9B00  }
0xf8: {  	[spmem:s3] =	stream.indirect.scatter.add.f32 [tilespmem:s2], [sflag:$0x2], $0x10, s8, s28, $0xb8;
	[tilespmem:$0x16F00] =	vst v63  }
0xf9: {  	_ =	swait.ge [sflag:s22], $0x1000  }
0xfa: {  	[sflag:s22] =	ssyncset.done $0x0  }
0xfb: {  	[sflag:s22] =	ssyncadd.s32 $0xFFFFF000  }
0xfc: {  	_ =	swait.ge [sflag:s22], $0x1000  }
0xfd: {  	[sflag:s22] =	ssyncset.done $0x0  }
0xfe: {  	[sflag:s22] =	ssyncadd.s32 $0xFFFFF000  }
0xff: {  	_ =	swait.ge [sflag:s22], $0x1000  }
0x100: {  	[sflag:s22] =	ssyncset.done $0x0  }
0x101: {  	[sflag:s22] =	ssyncadd.s32 $0xFFFFF000  }
0x102: {  	_ =	swait.ge [sflag:s22], $0x1000  }
0x103: {  	[sflag:s22] =	ssyncset.done $0x0  }
0x104: {  	[sflag:s22] =	ssyncadd.s32 $0xFFFFF000  }
0x105: {  	_ =	swait.ge [sflag:s21], $0x1000  }
0x106: {  	[sflag:s21] =	ssyncset.done $0x0  }
0x107: {  	[sflag:s21] =	ssyncadd.s32 $0xFFFFF000  }
0x108: {  	_ =	swait.ge [sflag:s21], $0x1000  }
0x109: {  	[sflag:s21] =	ssyncset.done $0x0  }
0x10a: {  	[sflag:s21] =	ssyncadd.s32 $0xFFFFF000  }
0x10b: {  	_ =	swait.ge [sflag:s21], $0x1000  }
0x10c: {  	[sflag:s21] =	ssyncset.done $0x0  }
0x10d: {  	[sflag:s21] =	ssyncadd.s32 $0xFFFFF000  }
0x10e: {  	_ =	swait.ge [sflag:s21], $0x1000  }
0x10f: {  	[sflag:s21] =	ssyncset.done $0x0  }
0x110: {  	s15 =	simm.s32 $0x9C00;
	[sflag:s21] =	ssyncadd.s32 $0xFFFFF000  }
0x111: {  	[spmem:s3] =	stream.indirect.scatter.add.f32 [tilespmem:s4], [sflag:$0x2], $0x10, s15, s28, $0xb8;
	[tilespmem:$0x16F00] =	vst v63  }
0x112: {  	s30 =	simm.s32 $0x9D00  }
0x113: {  	[spmem:s3] =	stream.indirect.scatter.add.f32 [tilespmem:s9], [sflag:$0x2], $0x10, s30, s28, $0xb8;
	[tilespmem:$0x16F00] =	vst v63  }
0x114: {  	s8 =	simm.s32 $0x9E00  }
0x115: {  	[spmem:s3] =	stream.indirect.scatter.add.f32 [tilespmem:s23], [sflag:$0x2], $0x10, s8, s28, $0xb8;
	[tilespmem:$0x16F00] =	vst v63  }
0x116: {  	s15 =	simm.s32 $0x9F00  }
0x117: {  	[spmem:s3] =	stream.indirect.scatter.add.f32 [tilespmem:s0], [sflag:$0x2], $0x10, s15, s28, $0xb8;
	[tilespmem:$0x16F00] =	vst v63  }
0x118: {  	_ =	swait.ge [sflag:s22], $0x1000  }
0x119: {  	[sflag:s22] =	ssyncset.done $0x0  }
0x11a: {  	[sflag:s22] =	ssyncadd.s32 $0xFFFFF000  }
0x11b: {  	_ =	swait.ge [sflag:s22], $0x1000  }
0x11c: {  	[sflag:s22] =	ssyncset.done $0x0  }
0x11d: {  	[sflag:s22] =	ssyncadd.s32 $0xFFFFF000  }
0x11e: {  	_ =	swait.ge [sflag:s22], $0x1000  }
0x11f: {  	[sflag:s22] =	ssyncset.done $0x0  }
0x120: {  	[sflag:s22] =	ssyncadd.s32 $0xFFFFF000  }
0x121: {  	_ =	swait.ge [sflag:s22], $0x1000  }
0x122: {  	[sflag:s22] =	ssyncset.done $0x0  }
0x123: {  	s30 =	sadd.s32 s7, s18;
	[sflag:s22] =	ssyncadd.s32 $0xFFFFF000  }
.Ltmp1:
0x124: {  	s8 =	simm.s32 $0x10;
	[bflag:$0x0] =	sbarrier.arrive $0xFFFF;
	(pc) =	sbr.rel @p1 .LBB2_2-.Ltmp1, $4  }
0x125: {  	[hbm:s30@s8], [sflag:s19] =	dma.strided [spmem:s25@s22], $0x4F0, s21, $0x2   }
0x126: {  	_ =	swait.ge [sflag:s17], $0x4F0  }
0x127: {  	[sflag:s17] =	ssyncset.done $0x0  }
0x128: {  	p2 =	por $0x0, $0x0;
	[sflag:s17] =	ssyncadd.s32 $0xFFFFFB10  }
0x129: {  	s8 =	rddreg [dreg:$0x9]  }
0x12a: {  	s6 =	rddreg [dreg:$0x8];
	s8 =	sadd.s32 $0x1, s8  }
0x12b: {  	p1 =	sne.s32 s8, s6  }
.Ltmp2:
0x12c: {  	_ = 	snop;
	(pc) =	sbr.rel @p1 .LBB2_1-.Ltmp2, $1  }
0x12d: {  	_ =	sdelay $0x3  }
0x12e: {  	_ =	sfence.sel $0x180000  }
0x12f: {  	[bflag:$0x0] =	sbarrier.arrive $0xFFFF  }
0x130: {  	_ =	strace $0x9000004D  }
0x131: {  	s0 =	stileid.u32;
	[bflag:$0x2] =	sbarrier.arrive $0xFFFF  }
0x132: {  	p0 =	sne.s32 s0, $0x0;
	s0 =	rddreg [dreg:$0x4]  }
0x133: {  	s0 =	sadd.s32 @!p0 $0x100000, s0  }
0x134: {  	[sflag:s0] =	ssyncadd.tile.s32 @!p0 $0x1;
	_ =	shalt  }
.Lfunc_end2:
_tile_overlayer_lowered:
.L_overlay_start_2:
0x135: {  	(tag) =	ssettag $0x2  }
0x136: {  	s0 =	rddreg [dreg:$0x0];
	s2 =	stileid.u32  }
0x137: {  	s1 =	rddreg [dreg:$0x1];
	p0 =	sne.s32 s2, $0x0  }
0x138: {  	s3 =	rddreg [dreg:$0x2];
	[bflag:$0x3] =	sbarrier.arrive $0xFFFF;
	s2 =	simm.s32 @!p0 $0x1C03  }
0x139: {  	[timem:s3], [sflag:s2] =	dma.local @!p0 [hbm:s0], s1  }
0x13a: {  	s0 =	simm.s32 @!p0 $0x3  }
0x13b: {  	_ =	swait.ge @!p0 [sflag:s0], s1  }
0x13c: {  	s1 =	ssub.s32 @!p0 $0x0, s1;
	[sflag:s0] =	ssyncset.done @!p0 $0x0  }
0x13d: {  	[sflag:s0] =	ssyncadd.s32 @!p0 s1  }
0x13e: {  	[bflag:$0x3] =	sbarrier.arrive $0xFFFF  }
0x13f: {  	_ =	shalt  }

// kernel: kernel.8.cloned.1.call-start
scs
__scs_entry_jumppad:
0x0: {  	(pc) =	sbr.rel $0x88, $3  }
0x1: {  	(tag) =	ssettag $0x0;
	lr =	simm.s32 $0x1  }
0x2: {  	[smem:$0x3F9B] =	sst lr;
	_ =	strace $0xD0000000  }
0x3: {  	_ = 	snop  }
0x4: {  	_ = 	snop  }
0x5: {  	_ = 	snop  }
0x6: {  	_ = 	snop  }
0x7: {  	_ = 	snop  }
__scs_overlays_trampoline_lowered:
0x8: {  	[smem:$0x3FAA] =	sst s0  }
0x9: {  	[smem:$0x3FAB] =	sst s1  }
0xa: {  	[smem:$0x3FAC] =	sst s2  }
0xb: {  	[smem:$0x3FAD] =	sst s3  }
0xc: {  	[smem:$0x3FAE] =	sst s4  }
0xd: {  	[smem:$0x3FAF] =	sst s5  }
0xe: {  	[smem:$0x3FB0] =	sst s6  }
0xf: {  	[smem:$0x3FB1] =	sst s7  }
0x10: {  	[smem:$0x3FB2] =	sst s8  }
0x11: {  	[smem:$0x3FB3] =	sst s9;
	s0 =	simm.s32 @!p0 $0x0  }
0x12: {  	s1 =	sld [smem:$0x3F99];
	s0 =	simm.s32 @p0 $0x1  }
0x13: {  	[smem:$0x3FB4] =	sst s0;
	s0 =	simm.s32 @!p1 $0x0  }
0x14: {  	s2 =	sld [smem:$0x3F98];
	s0 =	simm.s32 @p1 $0x1  }
0x15: {  	[smem:$0x3FB5] =	sst s0;
	s0 =	simm.s32 @!p2 $0x0  }
0x16: {  	s3 =	sld [smem:$0x3FDB];
	s0 =	simm.s32 @p2 $0x1  }
0x17: {  	s4 =	simm.s32 $0x1BF5;
	[smem:$0x3FB7] =	sst s0  }
0x18: {  	s0 =	sld [smem:$0x3F9A];
	_ =	swait.ge [sflag:s4], $0x0  }
0x19: {  	s7 =	sld [smem:$0x3F9B]  }
0x1a: {  	s8 =	sadd.s32 $0xFFFFE003, lr  }
0x1b: {  	s9 =	sadd.s32 $0xFFFFFEF7, lr;
	s5 =	simm.s32 $0xFFFFFFFF;
	p2 =	slt.u32 s8, $0xFFFFF086  }
0x1c: {  	p1 =	slt.u32 s9, $0xF7A;
	s5 =	simm.s32 @!p2 $0x0  }
0x1d: {  	s5 =	simm.s32 @p1 $0x1;
	p0 =	seq.s32 s7, s2  }
0x1e: {  	s7 =	smul.u32 @!p0 $0xF7A, s2;
	p2 =	seq.s32 @!p0 s5, $0x0  }
0x1f: {  	s9 =	smul.u32 $0xF7A, s1;
	s8 =	simm.s32 @!p0 $0x1BF5;
	p2 =	por !p2, p0  }
0x20: {  	[sflag:s8] =	ssyncset.s32 @!p0 $0xFFFFF086;
	s6 =	sadd.s32 @!p0 s3, s7;
	s7 =	simm.s32 @!p0 $0x108  }
0x21: {  	s3 =	sadd.s32 s3, s9;
	s6 =	sadd.s32 @!p0 $0x88, s6;
	s7 =	simm.s32 @p2 $0x1082  }
0x22: {  	[simem:s7], [sflag:s8] =	dma.local @!p0 [hbm:s6], $0xF7A  }
0x23: {  	s9 =	sor.u32 $0xD0000000, s2;
	s6 =	simm.s32 $0x108;
	_ =	swait.ge @!p0 [sflag:s8], $0x0  }
0x24: {  	s3 =	sadd.s32 $0x88, s3;
	s6 =	simm.s32 @!p1 $0x1082;
	[sflag:s4] =	ssyncset.s32 $0xFFFFF086  }
0x25: {  	[simem:s6], [sflag:s4] =	dma.local [hbm:s3], $0xF7A  }
0x26: {  	[smem:$0x3F9B] =	sst s1;
	(tag) =	ssettag s2;
	_ =	strace s9  }
0x27: {  	s1 =	sld [smem:$0x3FAB]  }
0x28: {  	s2 =	sld [smem:$0x3FAC]  }
0x29: {  	s4 =	sld [smem:$0x3FAE]  }
0x2a: {  	p0 =	seq.s32 s5, $0x0;
	s5 =	sld [smem:$0x3FAF]  }
0x2b: {  	s6 =	sld [smem:$0x3FB0]  }
0x2c: {  	s7 =	sld [smem:$0x3FB1]  }
0x2d: {  	s3 =	simm.s32 $0x108;
	s8 =	sld [smem:$0x3FB2]  }
0x2e: {  	s3 =	simm.s32 @!p0 $0x1082;
	s9 =	sld [smem:$0x3FB3]  }
0x2f: {  	lr =	sadd.s32 s0, s3;
	s0 =	sld [smem:$0x3FAA]  }
0x30: {  	s3 =	sld [smem:$0x3FAD]  }
0x31: {  	[smem:$0x3FB6] =	sst s10  }
0x32: {  	s10 =	sld [smem:$0x3FB4];
	_ =	sdelay $0x3  }
0x33: {  	p0 =	seq.s32 s10, $0x1;
	s10 =	sld [smem:$0x3FB6];
	_ =	sdelay $0x3  }
0x34: {  	[smem:$0x3FB6] =	sst s10  }
0x35: {  	s10 =	sld [smem:$0x3FB5];
	_ =	sdelay $0x3  }
0x36: {  	p1 =	seq.s32 s10, $0x1;
	s10 =	sld [smem:$0x3FB6];
	_ =	sdelay $0x3  }
0x37: {  	[smem:$0x3FB6] =	sst s10  }
0x38: {  	s10 =	sld [smem:$0x3FB7]  }
0x39: {  	_ = 	snop;
	(pc) =	sbr.ind lr, $3  }
0x3a: {  	_ = 	snop  }
0x3b: {  	_ = 	snop  }
0x3c: {  	p2 =	seq.s32 s10, $0x1;
	s10 =	sld [smem:$0x3FB6]  }
0x3d: {  	_ =	shalt  }
0x3e: {  	_ =	shalt  }
0x3f: {  	_ =	shalt  }
0x40: {  	_ =	shalt  }
0x41: {  	_ =	shalt  }
0x42: {  	_ =	shalt  }
0x43: {  	_ =	shalt  }
0x44: {  	_ =	shalt  }
0x45: {  	_ =	shalt  }
0x46: {  	_ =	shalt  }
0x47: {  	_ =	shalt  }
0x48: {  	_ =	shalt  }
0x49: {  	_ =	shalt  }
0x4a: {  	_ =	shalt  }
0x4b: {  	_ =	shalt  }
0x4c: {  	_ =	shalt  }
0x4d: {  	_ =	shalt  }
0x4e: {  	_ =	shalt  }
0x4f: {  	_ =	shalt  }
0x50: {  	_ =	shalt  }
0x51: {  	_ =	shalt  }
0x52: {  	_ =	shalt  }
0x53: {  	_ =	shalt  }
0x54: {  	_ =	shalt  }
0x55: {  	_ =	shalt  }
0x56: {  	_ =	shalt  }
0x57: {  	_ =	shalt  }
0x58: {  	_ =	shalt  }
0x59: {  	_ =	shalt  }
0x5a: {  	_ =	shalt  }
0x5b: {  	_ =	shalt  }
0x5c: {  	_ =	shalt  }
0x5d: {  	_ =	shalt  }
0x5e: {  	_ =	shalt  }
0x5f: {  	_ =	shalt  }
0x60: {  	_ =	shalt  }
0x61: {  	_ =	shalt  }
0x62: {  	_ =	shalt  }
0x63: {  	_ =	shalt  }
0x64: {  	_ =	shalt  }
0x65: {  	_ =	shalt  }
0x66: {  	_ =	shalt  }
0x67: {  	_ =	shalt  }
0x68: {  	_ =	shalt  }
0x69: {  	_ =	shalt  }
0x6a: {  	_ =	shalt  }
0x6b: {  	_ =	shalt  }
0x6c: {  	_ =	shalt  }
0x6d: {  	_ =	shalt  }
0x6e: {  	_ =	shalt  }
0x6f: {  	_ =	shalt  }
0x70: {  	_ =	shalt  }
0x71: {  	_ =	shalt  }
0x72: {  	_ =	shalt  }
0x73: {  	_ =	shalt  }
0x74: {  	_ =	shalt  }
0x75: {  	_ =	shalt  }
0x76: {  	_ =	shalt  }
0x77: {  	_ =	shalt  }
0x78: {  	_ =	shalt  }
0x79: {  	_ =	shalt  }
0x7a: {  	_ =	shalt  }
0x7b: {  	_ =	shalt  }
0x7c: {  	_ =	shalt  }
0x7d: {  	_ =	shalt  }
0x7e: {  	_ =	shalt  }
0x7f: {  	_ =	shalt  }
0x80: {  	_ =	shalt  }
0x81: {  	_ =	shalt  }
0x82: {  	_ =	shalt  }
0x83: {  	_ =	shalt  }
0x84: {  	_ =	shalt  }
0x85: {  	_ =	shalt  }
0x86: {  	_ =	shalt  }
0x87: {  	_ =	shalt  }
.Lfunc_end0:
.L_simem_size_0:
called_computation_lowered:
.L_overlay_start_0:
0x88: {  	s2 =	sld [smem:$0x3FD9]  }
0x89: {  	s3 =	sld [smem:$0x3FFE];
	_ =	sdelay $0x1  }
0x8a: {  	s1 =	srdreg.scid  }
0x8b: {  	s0 =	sand.u32 $0x1, s1  }
0x8c: {  	s15 =	sshll.u32 s0, $0xA;
	s2 =	sadd.s32 s3, s2  }
0x8d: {  	s2 =	sadd.s32 s2, s15  }
0x8e: {  	[smem:$0x3FC2] =	sst s2  }
0x8f: {  	_ = 	snop  }
0x90: {  	s2 =	sld [smem:$0x3FD0];
	_ =	sdelay $0x2  }
0x91: {  	s16 =	simm.s32 $0xA;
	s4 =	simm.s32 $0x10  }
0x92: {  	[smem:s4], [sflag:s16] =	dma.local [hbm:s2], $0x1  }
0x93: {  	_ =	swait.eq [sflag:s16], $0x1  }
0x94: {  	[sflag:s16] =	ssyncset.done $0x0  }
0x95: {  	s17 =	sld [smem:$0x10];
	[sflag:s16] =	ssyncadd.s32 $0xFFFFFFFF  }
0x96: {  	s18 =	sld [smem:$0x11];
	(tm) =	ssettm $0x1  }
0x97: {  	s19 =	sld [smem:$0x3FFB];
	_ =	sdelay $0x3  }
0x98: {  	_ =	strace s19  }
0x99: {  	s4 =	sld [smem:$0x3FFC];
	_ =	sdelay $0x3  }
0x9a: {  	_ =	strace s4  }
0x9b: {  	s4 =	sld [smem:$0x3FFD];
	_ =	sdelay $0x3  }
0x9c: {  	_ =	strace s4  }
0x9d: {  	_ =	strace $0x8FFFFFFF  }
0x9e: {  	s20 =	sld [smem:$0x3FDB];
	_ =	sdelay $0x1  }
0x9f: {  	s5 =	simm.s32 $_scs_section_size  }
0xa0: {  	s6 =	simm.s32 $_size__tile_overlayer_lowered;
	s7 =	simm.s32 $_tile_overlayer_lowered  }
0xa1: {  	s23 =	simm.s32 $0x1BFF;
	s22 =	sshll.u32 s7, $0x1;
	s4 =	sadd.s32 s5, s20  }
0xa2: {  	s8 =	simm.s32 $0x0;
	s21 =	sshll.u32 s6, $0x1;
	s6 =	sadd.s32 s22, s4  }
0xa3: {  	[timem:s8], [sflag:s23] =	dma.local [hbm:s6], s21  }
0xa4: {  	_ =	swait.ge [sflag:s23], s21  }
0xa5: {  	s5 =	ssub.s32 $0x0, s21;
	[sflag:s23] =	ssyncset.done $0x0  }
0xa6: {  	[sflag:s23] =	ssyncadd.s32 s5;
	_ =	sdelay $0x1  }
0xa7: {  	s24 =	simm.s32 $0x1B8B  }
0xa8: {  	_ =	swait.ge [sflag:s24], $0x1  }
0xa9: {  	[sflag:s24] =	ssyncset.done $0x0  }
0xaa: {  	s25 =	simm.s32 $0x1B8E;
	[sflag:s24] =	ssyncadd.s32 $0xFFFFFFFF  }
0xab: {  	s26 =	simm.s32 $execute0_lowered;
	[smem:$0x3FD2] =	sst s25  }
0xac: {  	s5 =	sshll.u32 s26, $0x1;
	_ =	strace $0x80000046;
	[dreg:$0x1] =	wrdreg $0xFFFFFFFF  }
0xad: {  	s28 =	simm.s32 $_size_execute0_lowered;
	s4 =	sadd.s32 s4, s5;
	[dreg:$0x0] =	wrdreg $0x0  }
0xae: {  	s5 =	sshll.u32 s28, $0x1;
	[dreg:$0x2] =	wrdreg s4  }
0xaf: {  	[dreg:$0x3] =	wrdreg s5  }
0xb0: {  	[dreg:$0x4] =	wrdreg $0xC0  }
0xb1: {  	_ =	task [dreg:s8], $0x5FFFF  }
0xb2: {  	[dreg:$0x1] =	wrdreg $0xFFFFFFFF  }
0xb3: {  	[dreg:$0x0] =	wrdreg $0x60  }
0xb4: {  	[dreg:$0x2] =	wrdreg s17  }
0xb5: {  	[dreg:$0x3] =	wrdreg s18  }
0xb6: {  	[dreg:$0x4] =	wrdreg $0x9  }
0xb7: {  	_ =	task.clear_ibuf [dreg:s8], $0x5FFFF;
	_ =	strace $0x90000046  }
0xb8: {  	s29 =	simm.s32 $0x9;
	_ =	strace $0x80000048  }
0xb9: {  	_ =	swait.ge [sflag:s29], $0x1  }
0xba: {  	[sflag:s29] =	ssyncadd.s32 $0xFFFFFFFF  }
0xbb: {  	_ =	strace $0x90000048  }
0xbc: {  	_ =	sfence  }
0xbd: {  	s30 =	sld [smem:$0x0];
	_ =	sdelay $0x2  }
0xbe: {  	s31 =	sshll.u32 s1, $0xD;
	s1 =	sshrl.u32 s1, $0x2  }
0xbf: {  	s3 =	sand.u32 $0x4000, s31;
	s1 =	sadd.s32 s1, s30  }
0xc0: {  	s0 =	sor.u32 s3, s0;
	s1 =	sshll.u32 s1, $0x11  }
0xc1: {  	s0 =	sor.u32 s1, s0  }
0xc2: {  	s0 =	sadd.s32 $0x8F2B, s0  }
0xc3: {  	[sflag:s0] =	ssyncadd.remote.s32 $0x1  }
0xc4: {  	_ =	sfence.sel $0xFFFF  }
0xc5: {  	[dreg:$0x0] =	wrdreg $0xFFFFFFFF;
	(pc) =	sbr.abs _section_cstart, $3  }
0xc6: {  	[dreg:$0x1] =	wrdreg $0xFFFFFFFF  }
0xc7: {  	_ =	task.clear_ibuf [dreg:s8], $0x2FFFF;
	_ =	strace $0x9FFFFFFF  }
0xc8: {  	(tm) =	ssettm $0x7FFFFFFF  }
0xc9: {  	_ =	shalt  }
tec
execute0_lowered:
.L_overlay_start_1:
0x0: {  	(tag) =	ssettag $0x1  }
0x1: {  	s3 =	rddreg [dreg:$0x0]  }
0x2: {  	s4 =	rddreg [dreg:$0x1]  }
0x3: {  	s2 =	srdreg.scid;
	s1 =	stileid.u32  }
0x4: {  	s0 =	rddreg [dreg:$0x2];
	s5 =	sand.u32 $0x1, s2;
	s6 =	smul.u32 $0x5000, s1  }
0x5: {  	s2 =	simm.s32 $0x0;
	s7 =	sshll.u32 s1, $0x1;
	s8 =	smul.u32 $0x2800, s5  }
0x6: {  	[smem:$0x7FF] =	sst s2;
	s7 =	sor.u32 s5, s7;
	s5 =	ssub.s32 $0x2, s5  }
0x7: {  	s31 =	sshrl.u32 s5, $0x1;
	s7 =	smul.u32 $0x4F0, s7;
	_ =	strace $0x80000047  }
0x8: {  	s6 =	sadd.s32 s8, s6;
	s5 =	ssub.s32 s5, s31;
	s8 =	simm.s32 $0x0  }
0x9: {  	s6 =	sshrl.u32 s6, $0x3;
	s4 =	sadd.s32 s4, s7;
	s5 =	smax.u32 s5, $0x1  }
0xa: {  	v0 =	vimm.f32 $0.0e+00;
	v1 =	vimm.f32 $1.000000000e+00;
	s7 =	simm.s32 $0x2800;
	s3 =	sadd.s32 s3, s6;
	s6 =	simm.s32 $0x1  }
.LBB2_1:
0xb: {  	[tilespmem:s2], [sflag:$0x1] =	stream.linear.gather [hbm4b:s3+s2], $0x2800, $0x38;
	[tilespmem:$0x4F80] =	vst v63  }
0xc: {  	_ =	swait.ge [sflag:s6], $0x2800  }
0xd: {  	[sflag:s6] =	ssyncset.done $0x0  }
0xe: {  	s9 =	simm.s32 $0x0;
	[sflag:s6] =	ssyncadd.s32 $0xFFFFD800  }
.LBB2_2:
0xf: {  	p0 =	sne.s32 s9, $0x9DC0  }
.Ltmp0:
0x10: {  	_ = 	snop;
	(pc) =	sbr.rel @p0 .LBB2_2-.Ltmp0, $3  }
0x11: {  	_ =	sdelay $0x1  }
0x12: {  	s10 =	sshra.s32 s9, $0x2  }
0x13: {  	s9 =	sadd.s32 $0x40, s9;
	[tilespmem:s10+$0x2800] =	vst v0  }
0x14: {  	s9 =	simm.s32 $0x3C0  }
.LBB2_4:
0x15: {  	s10 =	sshra.s32 s9, $0x2  }
0x16: {  	v2 =	vld [tilespmem:s10+$0xFFFFFF10];
	_ =	sdelay $0x7  }
0x17: {  	[tilespmem:v2+s7+$0x0] =	vst.idx.add.f32.msk $0xffff, v1  }
0x18: {  	v2 =	vld [tilespmem:s10+$0xFFFFFF20];
	_ =	sdelay $0x7  }
0x19: {  	[tilespmem:v2+s7+$0x0] =	vst.idx.add.f32.msk $0xffff, v1  }
0x1a: {  	v2 =	vld [tilespmem:s10+$0xFFFFFF30];
	_ =	sdelay $0x7  }
0x1b: {  	[tilespmem:v2+s7+$0x0] =	vst.idx.add.f32.msk $0xffff, v1  }
0x1c: {  	v2 =	vld [tilespmem:s10+$0xFFFFFF40];
	_ =	sdelay $0x7  }
0x1d: {  	[tilespmem:v2+s7+$0x0] =	vst.idx.add.f32.msk $0xffff, v1  }
0x1e: {  	v2 =	vld [tilespmem:s10+$0xFFFFFF50];
	_ =	sdelay $0x7  }
0x1f: {  	[tilespmem:v2+s7+$0x0] =	vst.idx.add.f32.msk $0xffff, v1  }
0x20: {  	v2 =	vld [tilespmem:s10+$0xFFFFFF60];
	_ =	sdelay $0x7  }
0x21: {  	[tilespmem:v2+s7+$0x0] =	vst.idx.add.f32.msk $0xffff, v1  }
0x22: {  	v2 =	vld [tilespmem:s10+$0xFFFFFF70];
	_ =	sdelay $0x7  }
0x23: {  	[tilespmem:v2+s7+$0x0] =	vst.idx.add.f32.msk $0xffff, v1  }
0x24: {  	v2 =	vld [tilespmem:s10+$0xFFFFFF80];
	_ =	sdelay $0x7  }
0x25: {  	[tilespmem:v2+s7+$0x0] =	vst.idx.add.f32.msk $0xffff, v1  }
0x26: {  	v2 =	vld [tilespmem:s10+$0xFFFFFF90];
	_ =	sdelay $0x7  }
0x27: {  	[tilespmem:v2+s7+$0x0] =	vst.idx.add.f32.msk $0xffff, v1  }
0x28: {  	v2 =	vld [tilespmem:s10+$0xFFFFFFA0];
	_ =	sdelay $0x7  }
0x29: {  	[tilespmem:v2+s7+$0x0] =	vst.idx.add.f32.msk $0xffff, v1  }
0x2a: {  	v2 =	vld [tilespmem:s10+$0xFFFFFFB0];
	_ =	sdelay $0x7  }
0x2b: {  	[tilespmem:v2+s7+$0x0] =	vst.idx.add.f32.msk $0xffff, v1  }
0x2c: {  	v2 =	vld [tilespmem:s10+$0xFFFFFFC0];
	_ =	sdelay $0x7  }
0x2d: {  	[tilespmem:v2+s7+$0x0] =	vst.idx.add.f32.msk $0xffff, v1  }
0x2e: {  	v2 =	vld [tilespmem:s10+$0xFFFFFFD0];
	_ =	sdelay $0x7  }
0x2f: {  	[tilespmem:v2+s7+$0x0] =	vst.idx.add.f32.msk $0xffff, v1  }
0x30: {  	v2 =	vld [tilespmem:s10+$0xFFFFFFE0];
	_ =	sdelay $0x7  }
0x31: {  	[tilespmem:v2+s7+$0x0] =	vst.idx.add.f32.msk $0xffff, v1  }
0x32: {  	v2 =	vld [tilespmem:s10+$0xFFFFFFF0];
	_ =	sdelay $0x7  }
0x33: {  	[tilespmem:v2+s7+$0x0] =	vst.idx.add.f32.msk $0xffff, v1  }
0x34: {  	v2 =	vld [tilespmem:s10+$0x0];
	_ =	sdelay $0x2  }
0x35: {  	p0 =	sne.s32 s9, $0x9FC0  }
.Ltmp1:
0x36: {  	_ = 	snop;
	(pc) =	sbr.rel @p0 .LBB2_4-.Ltmp1, $2  }
0x37: {  	_ =	sdelay $0x2  }
0x38: {  	s9 =	sadd.s32 $0x400, s9;
	[tilespmem:v2+s7+$0x0] =	vst.idx.add.f32.msk $0xffff, v1  }
0x39: {  	s8 =	sadd.s32 $0x1, s8  }
0x3a: {  	p0 =	sne.s32 s8, s5  }
.Ltmp2:
0x3b: {  	_ = 	snop;
	(pc) =	sbr.rel @p0 .LBB2_1-.Ltmp2, $4  }
0x3c: {  	[hbm4b:s4+s2] =	stream.linear.scatter [tilespmem:s7], [sflag:$0x1], $0x2780, $0x38;
	[tilespmem:$0x4F80] =	vst v63  }
0x3d: {  	_ =	swait.ge [sflag:s6], $0x2780  }
0x3e: {  	[sflag:s6] =	ssyncset.done $0x0  }
0x3f: {  	[sflag:s6] =	ssyncadd.s32 $0xFFFFD880  }
0x40: {  	_ =	sfence.sel $0x180000  }
0x41: {  	[bflag:$0x0] =	sbarrier.arrive $0xFFFF  }
0x42: {  	p0 =	sne.s32 s1, $0x0;
	_ =	strace $0x90000047  }
0x43: {  	s0 =	sadd.s32 @!p0 $0x100000, s0;
	[bflag:$0x2] =	sbarrier.arrive $0xFFFF  }
0x44: {  	[sflag:s0] =	ssyncadd.tile.s32 @!p0 $0x1;
	_ =	shalt  }
.Lfunc_end2:
_tile_overlayer_lowered:
.L_overlay_start_2:
0x45: {  	(tag) =	ssettag $0x2  }
0x46: {  	s0 =	rddreg [dreg:$0x0];
	s2 =	stileid.u32  }
0x47: {  	s1 =	rddreg [dreg:$0x1];
	p0 =	sne.s32 s2, $0x0  }
0x48: {  	s3 =	rddreg [dreg:$0x2];
	[bflag:$0x3] =	sbarrier.arrive $0xFFFF;
	s2 =	simm.s32 @!p0 $0x1C01  }
0x49: {  	[timem:s3], [sflag:s2] =	dma.local @!p0 [hbm:s0], s1  }
0x4a: {  	s0 =	simm.s32 @!p0 $0x1  }
0x4b: {  	_ =	swait.ge @!p0 [sflag:s0], s1  }
0x4c: {  	s1 =	ssub.s32 @!p0 $0x0, s1;
	[sflag:s0] =	ssyncset.done @!p0 $0x0  }
0x4d: {  	[sflag:s0] =	ssyncadd.s32 @!p0 s1  }
0x4e: {  	[bflag:$0x3] =	sbarrier.arrive $0xFFFF  }
0x4f: {  	_ =	shalt  }

</sc_bundles>
